<compile_context>
chip_gen: v7x
topology: tpu7x:2x2x1
jax: 0.10.2.dev20260603
libtpu: 0.0.44.dev20260713+nightly
codegen_flags: <defaults>
</compile_context>

<pallas_src>
import jax
import jax.numpy as jnp
from jax import lax
from jax.experimental import pallas as pl
from jax.experimental.pallas import tpu as pltpu
from jax.experimental.pallas import tpu_sc as plsc

N_NODES = 10000
IN_DIM = 256
OUT_DIM = 256
N_EDGES = 160000
HALF = 128

NC = 2
NS = 16
NW = NC * NS

E_PER_TILE = N_EDGES // NW
DEG_FULL_CHUNKS = E_PER_TILE // 16
DEG_REM = E_PER_TILE - DEG_FULL_CHUNKS * 16

E_PER_SUB = N_EDGES // NS
KC = 128
NCH = 80
E_PAD_SUB = NCH * KC
PAD_ROW = N_NODES
N_ACC = N_NODES + 16
MAIN_PER_SUB = 624
WB_CH = 24
WB_N = MAIN_PER_SUB // WB_CH
TAIL_BASE = NS * MAIN_PER_SUB
TAIL_CH = N_NODES - TAIL_BASE

_mesh = plsc.VectorSubcoreMesh(
    core_axis_name="c", subcore_axis_name="s", num_cores=NC, num_subcores=NS)
_sc_params = pltpu.CompilerParams(needs_layout_passes=False)


def _deg_body(dst_hbm, deg_out, dst_v, deg_v):
    c = lax.axis_index("c")
    s = lax.axis_index("s")
    wid = s * NC + c
    zeros16 = jnp.zeros((16,), jnp.float32)
    ones16 = jnp.ones((16,), jnp.float32)

    def zero_body(i, _):
        deg_v[pl.ds(i * 16, 16)] = zeros16
        return 0
    lax.fori_loop(0, N_NODES // 16, zero_body, 0)

    dst_v[pl.ds(E_PER_TILE - 8, 16)] = jnp.zeros((16,), jnp.int32)
    pltpu.sync_copy(dst_hbm.at[pl.ds(wid * E_PER_TILE, E_PER_TILE)],
                    dst_v.at[pl.ds(0, E_PER_TILE)])

    def add_body(i, _):
        idx = dst_v[pl.ds(i * 16, 16)]
        plsc.addupdate_scatter(deg_v, [idx], ones16)
        return 0
    lax.fori_loop(0, DEG_FULL_CHUNKS, add_body, 0)

    idx = dst_v[pl.ds(DEG_FULL_CHUNKS * 16, 16)]
    mask = lax.iota(jnp.int32, 16) < DEG_REM
    plsc.addupdate_scatter(deg_v, [idx], ones16, mask=mask)

    pltpu.sync_copy(deg_v, deg_out.at[wid])


_deg_kernel = pl.kernel(
    _deg_body,
    out_type=jax.ShapeDtypeStruct((NW, N_NODES), jnp.float32),
    mesh=_mesh,
    scratch_types=[
        pltpu.VMEM((E_PER_TILE + 8,), jnp.int32),
        pltpu.VMEM((N_NODES,), jnp.float32),
    ],
    compiler_params=_sc_params,
)


def _proj_body(z_ref, w_ref, degp_ref, yl_ref, yr_ref, dis_ref):
    deg = 1.0 + jnp.sum(degp_ref[...], axis=1)
    dis = lax.rsqrt(deg)
    x = jnp.dot(z_ref[...], w_ref[...], preferred_element_type=jnp.float32)
    y = x * dis[:, None]
    yl_ref[...] = y[:, :HALF]
    yr_ref[...] = y[:, HALF:]
    dis_ref[...] = dis[:, None]


_PROJ_R = 1000

def _proj(z, w, deg_part):
    grid = N_NODES // _PROJ_R
    return pl.pallas_call(
        _proj_body,
        grid=(grid,),
        in_specs=[
            pl.BlockSpec((_PROJ_R, IN_DIM), lambda r: (r, 0)),
            pl.BlockSpec((IN_DIM, OUT_DIM), lambda r: (0, 0)),
            pl.BlockSpec((_PROJ_R, NW), lambda r: (r, 0)),
        ],
        out_specs=[
            pl.BlockSpec((_PROJ_R, HALF), lambda r: (r, 0)),
            pl.BlockSpec((_PROJ_R, HALF), lambda r: (r, 0)),
            pl.BlockSpec((_PROJ_R, 1), lambda r: (r, 0)),
        ],
        out_shape=[
            jax.ShapeDtypeStruct((N_ACC, HALF), jnp.float32),
            jax.ShapeDtypeStruct((N_ACC, HALF), jnp.float32),
            jax.ShapeDtypeStruct((N_NODES, 1), jnp.float32),
        ],
    )(z, w, deg_part)


def _agg_body(src_hbm, dst_hbm, yl_hbm, yr_hbm, accl_out, accr_out,
              src_v, ring, rows0, rows1, acc_s,
              sg0, sg1, si0, si1, si2, si3):
    c = lax.axis_index("c")
    s = lax.axis_index("s")

    def run(y_hbm, acc_out):
        pltpu.sync_copy(src_hbm.at[s], src_v)
        pltpu.async_copy(dst_hbm.at[s, 0], ring.at[0], si0)
        pltpu.async_copy(dst_hbm.at[s, 1], ring.at[1], si1)
        pltpu.async_copy(y_hbm.at[src_v.at[0]], rows0, sg0)

        def initk(k, _):
            r0 = pl.multiple_of(s * MAIN_PER_SUB + k * WB_CH, 8)
            pltpu.sync_copy(y_hbm.at[pl.ds(r0, WB_CH)],
                            rows1.at[pl.ds(0, WB_CH)])
            pltpu.sync_copy(rows1.at[pl.ds(0, WB_CH)],
                            acc_s.at[pl.ds(r0, WB_CH)])
            return 0
        lax.fori_loop(0, WB_N, initk, 0)

        @pl.when(s == 0)
        def _():
            pltpu.sync_copy(y_hbm.at[pl.ds(TAIL_BASE, TAIL_CH)],
                            rows1.at[pl.ds(0, TAIL_CH)])
            pltpu.sync_copy(rows1.at[pl.ds(0, TAIL_CH)],
                            acc_s.at[pl.ds(TAIL_BASE, TAIL_CH)])
        plsc.subcore_barrier()

        rowbufs = (rows0, rows1)
        sgs = (sg0, sg1)
        sis = (si0, si1, si2, si3)

        def quad(t, _):
            for u in range(4):
                j = 4 * t + u
                rows = rowbufs[u % 2]
                rows_n = rowbufs[(u + 1) % 2]
                slot_n2 = (u + 2) % 4

                @pl.when(j + 1 < NCH)
                def _():
                    pltpu.async_copy(
                        y_hbm.at[src_v.at[j + 1]], rows_n, sgs[(u + 1) % 2])

                pltpu.make_async_copy(
                    y_hbm.at[src_v.at[j]], rows, sgs[u % 2]).wait()

                pltpu.make_async_copy(
                    dst_hbm.at[s, j], ring.at[u], sis[u]).wait()

                @pl.when(j + 2 < NCH)
                def _():
                    pltpu.async_copy(
                        dst_hbm.at[s, j + 2], ring.at[slot_n2], sis[slot_n2])

                pltpu.sync_copy(rows, acc_s.at[ring.at[u]], add=True)
            return 0
        lax.fori_loop(0, NCH // 4, quad, 0)
        plsc.subcore_barrier()

        def wbk(k, _):
            r0 = pl.multiple_of(s * MAIN_PER_SUB + k * WB_CH, 8)
            pltpu.sync_copy(acc_s.at[pl.ds(r0, WB_CH)],
                            rows1.at[pl.ds(0, WB_CH)])
            pltpu.sync_copy(rows1.at[pl.ds(0, WB_CH)],
                            acc_out.at[pl.ds(r0, WB_CH)])
            return 0
        lax.fori_loop(0, WB_N, wbk, 0)

        @pl.when(s == 0)
        def _():
            pltpu.sync_copy(acc_s.at[pl.ds(TAIL_BASE, TAIL_CH)],
                            rows1.at[pl.ds(0, TAIL_CH)])
            pltpu.sync_copy(rows1.at[pl.ds(0, TAIL_CH)],
                            acc_out.at[pl.ds(TAIL_BASE, TAIL_CH)])

    @pl.when(c == 0)
    def _():
        run(yl_hbm, accl_out)

    @pl.when(c == 1)
    def _():
        run(yr_hbm, accr_out)


_agg_kernel = pl.kernel(
    _agg_body,
    out_type=(
        jax.ShapeDtypeStruct((N_NODES, HALF), jnp.float32),
        jax.ShapeDtypeStruct((N_NODES, HALF), jnp.float32),
    ),
    mesh=_mesh,
    scratch_types=[
        pltpu.VMEM((NCH, KC), jnp.int32),
        pltpu.VMEM((4, KC), jnp.int32),
        pltpu.VMEM((KC, HALF), jnp.float32),
        pltpu.VMEM((KC, HALF), jnp.float32),
        pltpu.VMEM_SHARED((N_ACC, HALF), jnp.float32),
        pltpu.SemaphoreType.DMA,
        pltpu.SemaphoreType.DMA,
        pltpu.SemaphoreType.DMA,
        pltpu.SemaphoreType.DMA,
        pltpu.SemaphoreType.DMA,
        pltpu.SemaphoreType.DMA,
    ],
    compiler_params=_sc_params,
)


def _final_body(accl_ref, accr_ref, dis_ref, b_ref, out_ref):
    dis = dis_ref[...]
    out_ref[:, :HALF] = accl_ref[...] * dis + b_ref[:, :HALF]
    out_ref[:, HALF:] = accr_ref[...] * dis + b_ref[:, HALF:]


def _final(accl, accr, dis2, b2):
    grid = N_NODES // _PROJ_R
    return pl.pallas_call(
        _final_body,
        grid=(grid,),
        in_specs=[
            pl.BlockSpec((_PROJ_R, HALF), lambda r: (r, 0)),
            pl.BlockSpec((_PROJ_R, HALF), lambda r: (r, 0)),
            pl.BlockSpec((_PROJ_R, 1), lambda r: (r, 0)),
            pl.BlockSpec((1, OUT_DIM), lambda r: (0, 0)),
        ],
        out_specs=pl.BlockSpec((_PROJ_R, OUT_DIM), lambda r: (r, 0)),
        out_shape=jax.ShapeDtypeStruct((N_NODES, OUT_DIM), jnp.float32),
    )(accl, accr, dis2, b2)


@jax.jit
def kernel(z, edge_index, W, b):
    src = edge_index[0].astype(jnp.int32)
    dst = edge_index[1].astype(jnp.int32)

    deg_part = _deg_kernel(dst)
    yl, yr, dis2 = _proj(z, W, deg_part.T)

    pad_e = ((0, 0), (0, E_PAD_SUB - E_PER_SUB))
    src_p = jnp.pad(src.reshape(NS, E_PER_SUB), pad_e,
                    constant_values=PAD_ROW).reshape(NS, NCH, KC)
    dst_p = jnp.pad(dst.reshape(NS, E_PER_SUB), pad_e,
                    constant_values=PAD_ROW).reshape(NS, NCH, KC)
    accl, accr = _agg_kernel(src_p, dst_p, yl, yr)
    out = _final(accl, accr, dis2, b.reshape(1, OUT_DIM))
    return out

# --- scband reference (transcript-rebuilt; emitter-appended) ---
"""Pipeline reference for scband-graph-decoder-9783935500969 (READ-ONLY COPY).

The authoritative reference and input builder live on the scoring server;
editing this copy changes nothing except your own understanding.
"""

import jax, jax.numpy as jnp
import numpy as np

N_NODES = 10000
IN_DIM = 256
OUT_DIM = 256
N_EDGES = 160000


def setup_inputs(seed: int = 0) -> dict:
    key = jax.random.key(seed)
    k1, k2, k3, k4 = jax.random.split(key, 4)
    z = jax.random.normal(k1, (N_NODES, IN_DIM), dtype=jnp.float32)
    edge_index = jax.random.randint(k2, (2, N_EDGES), 0, N_NODES, dtype=jnp.int64)
    # GCNConv learned params (glorot weight, zero bias as in PyG defaults)
    limit = float(np.sqrt(6.0 / (IN_DIM + OUT_DIM)))
    W = jax.random.uniform(k3, (IN_DIM, OUT_DIM), dtype=jnp.float32, minval=-limit, maxval=limit)
    b = jnp.zeros((OUT_DIM,), dtype=jnp.float32)
    return {"z": z, "edge_index": edge_index, "W": W, "b": b}


def reference(z, edge_index, W, b):
    # GCNConv: x = z @ W; add self-loops; symmetric normalization; scatter-add; + bias
    N = z.shape[0]
    src = edge_index[0]
    dst = edge_index[1]
    loop = jnp.arange(N, dtype=edge_index.dtype)
    src = jnp.concatenate([src, loop])
    dst = jnp.concatenate([dst, loop])
    x = z @ W
    # degree computed on destination nodes (col) with unit edge weights
    deg = jnp.zeros((N,), dtype=x.dtype).at[dst].add(1.0)
    deg_inv_sqrt = jnp.where(deg > 0, deg ** -0.5, 0.0)
    norm = deg_inv_sqrt[src] * deg_inv_sqrt[dst]
    msg = x[src] * norm[:, None]
    out = jnp.zeros((N, x.shape[1]), dtype=x.dtype).at[dst].add(msg)
    return out + b

if __name__ == "__main__":
    import jax
    _d = setup_inputs()
    print(jax.jit(kernel)(*tuple(_d.values())))

</pallas_src>

<mosaic_0001>
#map = affine_map<(d0, d1) -> (0)>
#map1 = affine_map<(d0, d1) -> (0, 0)>
module attributes {stable_mosaic.version = 14 : i64} {
  func.func @_deg_body(%arg0: i32, %arg1: i32, %arg2: memref<160000xi32, #tpu.memory_space<hbm>>, %arg3: memref<32x10000xf32, #tpu.memory_space<hbm>>, %arg4: memref<5008xi32, #tpu.memory_space<vmem>>, %arg5: memref<10000xf32, #tpu.memory_space<vmem>>) attributes {dimension_semantics = [#tpu.dimension_semantics<core_parallel>, #tpu.dimension_semantics<subcore_parallel>], iteration_bounds = array<i64: 2, 16>, scalar_prefetch = 0 : i64, scratch_operands = 2 : i64, tpu.core_type = #tpu.core_type<sc_vector_subcore>, window_params = [{transform_indices = #map}, {transform_indices = #map1}]} {
    %mul3A = arith.constant 2 : i32
    %mul3A_0 = arith.muli %arg1, %mul3A : i32
    %add3A = arith.addi %mul3A_0, %arg0 : i32
    %broadcast_in_dim3A = arith.constant 0.000000e+00 : f32
    %broadcast_in_dim3A_1 = vector.broadcast %broadcast_in_dim3A : f32 to vector<16xf32>
    %broadcast_in_dim3A_2 = arith.constant 1.000000e+00 : f32
    %broadcast_in_dim3A_3 = vector.broadcast %broadcast_in_dim3A_2 : f32 to vector<16xf32>
    %scan3A = arith.constant 0 : i32
    %scan3A_4 = arith.constant 0 : i32
    %scan3A_5 = arith.constant 625 : i32
    %scan3A_6 = arith.addi %scan3A_4, %scan3A_5 : i32
    %scan3A_7 = arith.constant 1 : i32
    %scan3A_8 = scf.for %scan3A_25 = %scan3A_4 to %scan3A_6 step %scan3A_7 iter_args(%scan3A_26 = %scan3A) -> (i32)  : i32 {
      %mul3A_27 = arith.constant 16 : i32
      %mul3A_28 = arith.muli %scan3A_25, %mul3A_27 : i32
      %swap3A_29 = arith.index_cast %mul3A_28 : i32 to index
      %swap3A_30 = tpu.vector_load %arg5[%swap3A_29] {strides = array<i32>} : memref<10000xf32, #tpu.memory_space<vmem>>, vector<16xf32>,
      tpu.vector_store %arg5[%swap3A_29], %broadcast_in_dim3A_1 {strides = array<i32>} : memref<10000xf32, #tpu.memory_space<vmem>>, vector<16xf32>,
      %scan3A_31 = arith.constant 0 : i32
      scf.yield %scan3A_31 : i32
    }
    %scan3A_9 = arith.constant 625 : i32
    %broadcast_in_dim3A_10 = arith.constant 0 : i32
    %broadcast_in_dim3A_11 = vector.broadcast %broadcast_in_dim3A_10 : i32 to vector<16xi32>
    %swap3A = arith.constant 4992 : index
    %swap3A_12 = tpu.vector_load %arg4[%swap3A] {strides = array<i32>} : memref<5008xi32, #tpu.memory_space<vmem>>, vector<16xi32>,
    tpu.vector_store %arg4[%swap3A], %broadcast_in_dim3A_11 {strides = array<i32>} : memref<5008xi32, #tpu.memory_space<vmem>>, vector<16xi32>,
    %mul3A_13 = arith.constant 5000 : i32
    %mul3A_14 = arith.muli %add3A, %mul3A_13 : i32
    "tpu.region"() ({
      %run_scoped3A = tpu.sem_alloc : memref<!tpu.dma_semaphore, #tpu.memory_space<semaphore_mem>>
      %dma_start3A = arith.constant 0 : i32
      %dma_start3A_25 = tpu.memref_slice %arg4[%dma_start3A] : memref<5008xi32, #tpu.memory_space<vmem>> -> memref<5000xi32, #tpu.memory_space<vmem>>
      %dma_start3A_26 = tpu.memref_slice %arg2[%mul3A_14] : memref<160000xi32, #tpu.memory_space<hbm>> -> memref<5000xi32, #tpu.memory_space<hbm>>
      %dma_start3A_27 = arith.constant 0 : i32
      %dma_start3A_28 = tpu.memref_slice %arg4[%dma_start3A_27] : memref<5008xi32, #tpu.memory_space<vmem>> -> memref<5000xi32, #tpu.memory_space<vmem>>
      %dma_start3A_29 = tpu.memref_slice %arg2[%mul3A_14] : memref<160000xi32, #tpu.memory_space<hbm>> -> memref<5000xi32, #tpu.memory_space<hbm>>
      tpu.enqueue_dma source(%dma_start3A_29 : memref<5000xi32, #tpu.memory_space<hbm>>) target(%dma_start3A_28 : memref<5000xi32, #tpu.memory_space<vmem>>) target_semaphore(%run_scoped3A : memref<!tpu.dma_semaphore, #tpu.memory_space<semaphore_mem>>)
      %dma_wait3A = arith.constant 0 : i32
      %dma_wait3A_30 = tpu.memref_slice %arg4[%dma_wait3A] : memref<5008xi32, #tpu.memory_space<vmem>> -> memref<5000xi32, #tpu.memory_space<vmem>>
      %dma_wait3A_31 = tpu.memref_slice %arg2[%mul3A_14] : memref<160000xi32, #tpu.memory_space<hbm>> -> memref<5000xi32, #tpu.memory_space<hbm>>
      %dma_wait3A_32 = arith.constant 0 : i32
      %dma_wait3A_33 = tpu.memref_slice %arg4[%dma_wait3A_32] : memref<5008xi32, #tpu.memory_space<vmem>> -> memref<5000xi32, #tpu.memory_space<vmem>>
      %dma_wait3A_34 = tpu.memref_slice %arg2[%mul3A_14] : memref<160000xi32, #tpu.memory_space<hbm>> -> memref<5000xi32, #tpu.memory_space<hbm>>
      tpu.wait_dma2 semaphore(%run_scoped3A : memref<!tpu.dma_semaphore, #tpu.memory_space<semaphore_mem>>) src(%dma_wait3A_34 : memref<5000xi32, #tpu.memory_space<hbm>>) dst(%dma_wait3A_33 : memref<5000xi32, #tpu.memory_space<vmem>>)
      tpu.yield
    }) : () -> ()
    %scan3A_15 = arith.constant 0 : i32
    %scan3A_16 = arith.constant 0 : i32
    %scan3A_17 = arith.constant 312 : i32
    %scan3A_18 = arith.addi %scan3A_16, %scan3A_17 : i32
    %scan3A_19 = arith.constant 1 : i32
    %scan3A_20 = scf.for %scan3A_25 = %scan3A_16 to %scan3A_18 step %scan3A_19 iter_args(%scan3A_26 = %scan3A_15) -> (i32)  : i32 {
      %mul3A_27 = arith.constant 16 : i32
      %mul3A_28 = arith.muli %scan3A_25, %mul3A_27 : i32
      %get3A_29 = arith.index_cast %mul3A_28 : i32 to index
      %get3A_30 = tpu.vector_load %arg4[%get3A_29] {strides = array<i32>} : memref<5008xi32, #tpu.memory_space<vmem>>, vector<16xi32>,
      tpu.vector_store_idx %arg5[%get3A_30], %broadcast_in_dim3A_3 {add = true} : memref<10000xf32, #tpu.memory_space<vmem>>[vector<16xi32>], vector<16xf32>,
      %scan3A_31 = arith.constant 0 : i32
      scf.yield %scan3A_31 : i32
    }
    %scan3A_21 = arith.constant 312 : i32
    %get3A = arith.constant 4992 : index
    %get3A_22 = tpu.vector_load %arg4[%get3A] {strides = array<i32>} : memref<5008xi32, #tpu.memory_space<vmem>>, vector<16xi32>,
    %iota3A = tpu.iota {dimensions = array<i32: 0>} : vector<16xi32>
    %lt3A = arith.constant 8 : i32
    %lt3A_23 = vector.broadcast %lt3A : i32 to vector<16xi32>
    %lt3A_24 = arith.cmpi slt, %iota3A, %lt3A_23 : vector<16xi32>
    tpu.vector_store_idx %arg5[%get3A_22], %broadcast_in_dim3A_3 masked %lt3A_24 {add = true} : memref<10000xf32, #tpu.memory_space<vmem>>[vector<16xi32>], vector<16xf32>, vector<16xi1>
    "tpu.region"() ({
      %run_scoped3A = tpu.sem_alloc : memref<!tpu.dma_semaphore, #tpu.memory_space<semaphore_mem>>
      %dma_start3A = arith.constant 0 : i32
      %dma_start3A_25 = tpu.memref_slice %arg3[%add3A, %dma_start3A] : memref<32x10000xf32, #tpu.memory_space<hbm>> -> memref<1x10000xf32, #tpu.memory_space<hbm>>
      %dma_start3A_26 = tpu.memref_squeeze %dma_start3A_25 : memref<1x10000xf32, #tpu.memory_space<hbm>> -> memref<10000xf32, #tpu.memory_space<hbm>>
      %dma_start3A_27 = arith.constant 0 : i32
      %dma_start3A_28 = tpu.memref_slice %arg3[%add3A, %dma_start3A_27] : memref<32x10000xf32, #tpu.memory_space<hbm>> -> memref<1x10000xf32, #tpu.memory_space<hbm>>
      %dma_start3A_29 = tpu.memref_squeeze %dma_start3A_28 : memref<1x10000xf32, #tpu.memory_space<hbm>> -> memref<10000xf32, #tpu.memory_space<hbm>>
      tpu.enqueue_dma source(%arg5 : memref<10000xf32, #tpu.memory_space<vmem>>) target(%dma_start3A_29 : memref<10000xf32, #tpu.memory_space<hbm>>) target_semaphore(%run_scoped3A : memref<!tpu.dma_semaphore, #tpu.memory_space<semaphore_mem>>)
      %dma_wait3A = arith.constant 0 : i32
      %dma_wait3A_30 = tpu.memref_slice %arg3[%add3A, %dma_wait3A] : memref<32x10000xf32, #tpu.memory_space<hbm>> -> memref<1x10000xf32, #tpu.memory_space<hbm>>
      %dma_wait3A_31 = tpu.memref_squeeze %dma_wait3A_30 : memref<1x10000xf32, #tpu.memory_space<hbm>> -> memref<10000xf32, #tpu.memory_space<hbm>>
      %dma_wait3A_32 = arith.constant 0 : i32
      %dma_wait3A_33 = tpu.memref_slice %arg3[%add3A, %dma_wait3A_32] : memref<32x10000xf32, #tpu.memory_space<hbm>> -> memref<1x10000xf32, #tpu.memory_space<hbm>>
      %dma_wait3A_34 = tpu.memref_squeeze %dma_wait3A_33 : memref<1x10000xf32, #tpu.memory_space<hbm>> -> memref<10000xf32, #tpu.memory_space<hbm>>
      tpu.wait_dma2 semaphore(%run_scoped3A : memref<!tpu.dma_semaphore, #tpu.memory_space<semaphore_mem>>) src(%arg5 : memref<10000xf32, #tpu.memory_space<vmem>>) dst(%dma_wait3A_34 : memref<10000xf32, #tpu.memory_space<hbm>>)
      tpu.yield
    }) : () -> ()
    return
  }
}

#map = affine_map<(d0, d1) -> (0, 0, 0)>
#map1 = affine_map<(d0, d1) -> (0, 0)>
module attributes {stable_mosaic.version = 14 : i64} {
  func.func @_agg_body(%arg0: i32, %arg1: i32, %arg2: memref<16x80x128xi32, #tpu.memory_space<hbm>>, %arg3: memref<16x80x128xi32, #tpu.memory_space<hbm>>, %arg4: memref<10016x128xf32, #tpu.memory_space<hbm>>, %arg5: memref<10016x128xf32, #tpu.memory_space<hbm>>, %arg6: memref<10000x128xf32, #tpu.memory_space<hbm>>, %arg7: memref<10000x128xf32, #tpu.memory_space<hbm>>, %arg8: memref<80x128xi32, #tpu.memory_space<vmem>>, %arg9: memref<4x128xi32, #tpu.memory_space<vmem>>, %arg10: memref<128x128xf32, #tpu.memory_space<vmem>>, %arg11: memref<128x128xf32, #tpu.memory_space<vmem>>, %arg12: memref<10016x128xf32, #tpu.memory_space<vmem_shared>>, %arg13: memref<!tpu.dma_semaphore, #tpu.memory_space<semaphore_mem>>, %arg14: memref<!tpu.dma_semaphore, #tpu.memory_space<semaphore_mem>>, %arg15: memref<!tpu.dma_semaphore, #tpu.memory_space<semaphore_mem>>, %arg16: memref<!tpu.dma_semaphore, #tpu.memory_space<semaphore_mem>>, %arg17: memref<!tpu.dma_semaphore, #tpu.memory_space<semaphore_mem>>, %arg18: memref<!tpu.dma_semaphore, #tpu.memory_space<semaphore_mem>>) attributes {dimension_semantics = [#tpu.dimension_semantics<core_parallel>, #tpu.dimension_semantics<subcore_parallel>], iteration_bounds = array<i64: 2, 16>, scalar_prefetch = 0 : i64, scratch_operands = 11 : i64, tpu.core_type = #tpu.core_type<sc_vector_subcore>, window_params = [{transform_indices = #map}, {transform_indices = #map}, {transform_indices = #map1}, {transform_indices = #map1}, {transform_indices = #map1}, {transform_indices = #map1}]} {
    %eq3A = arith.constant 0 : i32
    %eq3A_0 = arith.cmpi eq, %arg0, %eq3A : i32
    %convert_element_type3A = arith.extui %eq3A_0 : i1 to i32
    %cond3A = arith.constant 0 : i32
    %cond3A_1 = arith.cmpi ne, %convert_element_type3A, %cond3A : i32
    scf.if %cond3A_1 {
      "tpu.region"() ({
        %run_scoped3A = tpu.sem_alloc : memref<!tpu.dma_semaphore, #tpu.memory_space<semaphore_mem>>
        %dma_start3A_72 = arith.constant 0 : i32
        %dma_start3A_73 = arith.constant 0 : i32
        %dma_start3A_74 = tpu.memref_slice %arg2[%arg1, %dma_start3A_72, %dma_start3A_73] : memref<16x80x128xi32, #tpu.memory_space<hbm>> -> memref<1x80x128xi32, #tpu.memory_space<hbm>>
        %dma_start3A_75 = tpu.memref_squeeze %dma_start3A_74 : memref<1x80x128xi32, #tpu.memory_space<hbm>> -> memref<80x128xi32, #tpu.memory_space<hbm>>
        %dma_start3A_76 = arith.constant 0 : i32
        %dma_start3A_77 = arith.constant 0 : i32
        %dma_start3A_78 = tpu.memref_slice %arg2[%arg1, %dma_start3A_76, %dma_start3A_77] : memref<16x80x128xi32, #tpu.memory_space<hbm>> -> memref<1x80x128xi32, #tpu.memory_space<hbm>>
        %dma_start3A_79 = tpu.memref_squeeze %dma_start3A_78 : memref<1x80x128xi32, #tpu.memory_space<hbm>> -> memref<80x128xi32, #tpu.memory_space<hbm>>
        tpu.enqueue_dma source(%dma_start3A_79 : memref<80x128xi32, #tpu.memory_space<hbm>>) target(%arg8 : memref<80x128xi32, #tpu.memory_space<vmem>>) target_semaphore(%run_scoped3A : memref<!tpu.dma_semaphore, #tpu.memory_space<semaphore_mem>>)
        %dma_wait3A = arith.constant 0 : i32
        %dma_wait3A_80 = arith.constant 0 : i32
        %dma_wait3A_81 = tpu.memref_slice %arg2[%arg1, %dma_wait3A, %dma_wait3A_80] : memref<16x80x128xi32, #tpu.memory_space<hbm>> -> memref<1x80x128xi32, #tpu.memory_space<hbm>>
        %dma_wait3A_82 = tpu.memref_squeeze %dma_wait3A_81 : memref<1x80x128xi32, #tpu.memory_space<hbm>> -> memref<80x128xi32, #tpu.memory_space<hbm>>
        %dma_wait3A_83 = arith.constant 0 : i32
        %dma_wait3A_84 = arith.constant 0 : i32
        %dma_wait3A_85 = tpu.memref_slice %arg2[%arg1, %dma_wait3A_83, %dma_wait3A_84] : memref<16x80x128xi32, #tpu.memory_space<hbm>> -> memref<1x80x128xi32, #tpu.memory_space<hbm>>
        %dma_wait3A_86 = tpu.memref_squeeze %dma_wait3A_85 : memref<1x80x128xi32, #tpu.memory_space<hbm>> -> memref<80x128xi32, #tpu.memory_space<hbm>>
        tpu.wait_dma2 semaphore(%run_scoped3A : memref<!tpu.dma_semaphore, #tpu.memory_space<semaphore_mem>>) src(%dma_wait3A_86 : memref<80x128xi32, #tpu.memory_space<hbm>>) dst(%arg8 : memref<80x128xi32, #tpu.memory_space<vmem>>)
        tpu.yield
      }) : () -> ()
      %dma_start3A = arith.constant 0 : i32
      %dma_start3A_7 = arith.constant 0 : i32
      %dma_start3A_8 = arith.constant 0 : i32
      %dma_start3A_9 = tpu.memref_slice %arg9[%dma_start3A_7, %dma_start3A_8] : memref<4x128xi32, #tpu.memory_space<vmem>> -> memref<1x128xi32, #tpu.memory_space<vmem>>
      %dma_start3A_10 = tpu.memref_squeeze %dma_start3A_9 : memref<1x128xi32, #tpu.memory_space<vmem>> -> memref<128xi32, #tpu.memory_space<vmem>>
      %dma_start3A_11 = arith.constant 0 : i32
      %dma_start3A_12 = tpu.memref_slice %arg3[%arg1, %dma_start3A, %dma_start3A_11] : memref<16x80x128xi32, #tpu.memory_space<hbm>> -> memref<1x1x128xi32, #tpu.memory_space<hbm>>
      %dma_start3A_13 = tpu.memref_squeeze %dma_start3A_12 : memref<1x1x128xi32, #tpu.memory_space<hbm>> -> memref<128xi32, #tpu.memory_space<hbm>>
      %dma_start3A_14 = arith.constant 0 : i32
      %dma_start3A_15 = tpu.memref_slice %arg9[%dma_start3A_7, %dma_start3A_14] : memref<4x128xi32, #tpu.memory_space<vmem>> -> memref<1x128xi32, #tpu.memory_space<vmem>>
      %dma_start3A_16 = tpu.memref_squeeze %dma_start3A_15 : memref<1x128xi32, #tpu.memory_space<vmem>> -> memref<128xi32, #tpu.memory_space<vmem>>
      %dma_start3A_17 = arith.constant 0 : i32
      %dma_start3A_18 = tpu.memref_slice %arg3[%arg1, %dma_start3A, %dma_start3A_17] : memref<16x80x128xi32, #tpu.memory_space<hbm>> -> memref<1x1x128xi32, #tpu.memory_space<hbm>>
      %dma_start3A_19 = tpu.memref_squeeze %dma_start3A_18 : memref<1x1x128xi32, #tpu.memory_space<hbm>> -> memref<128xi32, #tpu.memory_space<hbm>>
      tpu.enqueue_dma source(%dma_start3A_19 : memref<128xi32, #tpu.memory_space<hbm>>) target(%dma_start3A_16 : memref<128xi32, #tpu.memory_space<vmem>>) target_semaphore(%arg15 : memref<!tpu.dma_semaphore, #tpu.memory_space<semaphore_mem>>)
      %dma_start3A_20 = arith.constant 1 : i32
      %dma_start3A_21 = arith.constant 1 : i32
      %dma_start3A_22 = arith.constant 0 : i32
      %dma_start3A_23 = tpu.memref_slice %arg9[%dma_start3A_21, %dma_start3A_22] : memref<4x128xi32, #tpu.memory_space<vmem>> -> memref<1x128xi32, #tpu.memory_space<vmem>>
      %dma_start3A_24 = tpu.memref_squeeze %dma_start3A_23 : memref<1x128xi32, #tpu.memory_space<vmem>> -> memref<128xi32, #tpu.memory_space<vmem>>
      %dma_start3A_25 = arith.constant 0 : i32
      %dma_start3A_26 = tpu.memref_slice %arg3[%arg1, %dma_start3A_20, %dma_start3A_25] : memref<16x80x128xi32, #tpu.memory_space<hbm>> -> memref<1x1x128xi32, #tpu.memory_space<hbm>>
      %dma_start3A_27 = tpu.memref_squeeze %dma_start3A_26 : memref<1x1x128xi32, #tpu.memory_space<hbm>> -> memref<128xi32, #tpu.memory_space<hbm>>
      %dma_start3A_28 = arith.constant 0 : i32
      %dma_start3A_29 = tpu.memref_slice %arg9[%dma_start3A_21, %dma_start3A_28] : memref<4x128xi32, #tpu.memory_space<vmem>> -> memref<1x128xi32, #tpu.memory_space<vmem>>
      %dma_start3A_30 = tpu.memref_squeeze %dma_start3A_29 : memref<1x128xi32, #tpu.memory_space<vmem>> -> memref<128xi32, #tpu.memory_space<vmem>>
      %dma_start3A_31 = arith.constant 0 : i32
      %dma_start3A_32 = tpu.memref_slice %arg3[%arg1, %dma_start3A_20, %dma_start3A_31] : memref<16x80x128xi32, #tpu.memory_space<hbm>> -> memref<1x1x128xi32, #tpu.memory_space<hbm>>
      %dma_start3A_33 = tpu.memref_squeeze %dma_start3A_32 : memref<1x1x128xi32, #tpu.memory_space<hbm>> -> memref<128xi32, #tpu.memory_space<hbm>>
      tpu.enqueue_dma source(%dma_start3A_33 : memref<128xi32, #tpu.memory_space<hbm>>) target(%dma_start3A_30 : memref<128xi32, #tpu.memory_space<vmem>>) target_semaphore(%arg16 : memref<!tpu.dma_semaphore, #tpu.memory_space<semaphore_mem>>)
      %dma_start3A_34 = arith.constant 0 : i32
      %dma_start3A_35 = arith.constant 0 : i32
      %dma_start3A_36 = tpu.memref_slice %arg8[%dma_start3A_34, %dma_start3A_35] : memref<80x128xi32, #tpu.memory_space<vmem>> -> memref<1x128xi32, #tpu.memory_space<vmem>>
      %dma_start3A_37 = tpu.memref_squeeze %dma_start3A_36 : memref<1x128xi32, #tpu.memory_space<vmem>> -> memref<128xi32, #tpu.memory_space<vmem>>
      %dma_start3A_38 = arith.constant 0 : i32
      %dma_start3A_39 = arith.constant 0 : i32
      %dma_start3A_40 = tpu.memref_slice %arg4[%dma_start3A_38, %dma_start3A_39] : memref<10016x128xf32, #tpu.memory_space<hbm>> -> memref<10016x128xf32, #tpu.memory_space<hbm>>
      tpu.enqueue_indirect_dma source(%dma_start3A_40 : memref<10016x128xf32, #tpu.memory_space<hbm>>) target(%arg10 : memref<128x128xf32, #tpu.memory_space<vmem>>) offsets(%dma_start3A_37 : memref<128xi32, #tpu.memory_space<vmem>>) semaphore(%arg13 : memref<!tpu.dma_semaphore, #tpu.memory_space<semaphore_mem>>)
      %scan3A = arith.constant 0 : i32
      %scan3A_41 = arith.constant 0 : i32
      %scan3A_42 = arith.constant 26 : i32
      %scan3A_43 = arith.addi %scan3A_41, %scan3A_42 : i32
      %scan3A_44 = arith.constant 1 : i32
      %scan3A_45 = scf.for %scan3A_72 = %scan3A_41 to %scan3A_43 step %scan3A_44 iter_args(%scan3A_73 = %scan3A) -> (i32)  : i32 {
        %mul3A = arith.constant 624 : i32
        %mul3A_74 = arith.muli %arg1, %mul3A : i32
        %mul3A_75 = arith.constant 24 : i32
        %mul3A_76 = arith.muli %scan3A_72, %mul3A_75 : i32
        %add3A = arith.addi %mul3A_74, %mul3A_76 : i32
        %multiple_of3A = tpu.assume_multiple %add3A, 8 : i32
        "tpu.region"() ({
          %run_scoped3A = tpu.sem_alloc : memref<!tpu.dma_semaphore, #tpu.memory_space<semaphore_mem>>
          %dma_start3A_78 = arith.constant 0 : i32
          %dma_start3A_79 = arith.constant 0 : i32
          %dma_start3A_80 = tpu.memref_slice %arg11[%dma_start3A_78, %dma_start3A_79] : memref<128x128xf32, #tpu.memory_space<vmem>> -> memref<24x128xf32, #tpu.memory_space<vmem>>
          %dma_start3A_81 = arith.constant 0 : i32
          %dma_start3A_82 = tpu.memref_slice %arg4[%multiple_of3A, %dma_start3A_81] : memref<10016x128xf32, #tpu.memory_space<hbm>> -> memref<24x128xf32, #tpu.memory_space<hbm>>
          %dma_start3A_83 = arith.constant 0 : i32
          %dma_start3A_84 = arith.constant 0 : i32
          %dma_start3A_85 = tpu.memref_slice %arg11[%dma_start3A_83, %dma_start3A_84] : memref<128x128xf32, #tpu.memory_space<vmem>> -> memref<24x128xf32, #tpu.memory_space<vmem>>
          %dma_start3A_86 = arith.constant 0 : i32
          %dma_start3A_87 = tpu.memref_slice %arg4[%multiple_of3A, %dma_start3A_86] : memref<10016x128xf32, #tpu.memory_space<hbm>> -> memref<24x128xf32, #tpu.memory_space<hbm>>
          tpu.enqueue_dma source(%dma_start3A_87 : memref<24x128xf32, #tpu.memory_space<hbm>>) target(%dma_start3A_85 : memref<24x128xf32, #tpu.memory_space<vmem>>) target_semaphore(%run_scoped3A : memref<!tpu.dma_semaphore, #tpu.memory_space<semaphore_mem>>)
          %dma_wait3A = arith.constant 0 : i32
          %dma_wait3A_88 = arith.constant 0 : i32
          %dma_wait3A_89 = tpu.memref_slice %arg11[%dma_wait3A, %dma_wait3A_88] : memref<128x128xf32, #tpu.memory_space<vmem>> -> memref<24x128xf32, #tpu.memory_space<vmem>>
          %dma_wait3A_90 = arith.constant 0 : i32
          %dma_wait3A_91 = tpu.memref_slice %arg4[%multiple_of3A, %dma_wait3A_90] : memref<10016x128xf32, #tpu.memory_space<hbm>> -> memref<24x128xf32, #tpu.memory_space<hbm>>
          %dma_wait3A_92 = arith.constant 0 : i32
          %dma_wait3A_93 = arith.constant 0 : i32
          %dma_wait3A_94 = tpu.memref_slice %arg11[%dma_wait3A_92, %dma_wait3A_93] : memref<128x128xf32, #tpu.memory_space<vmem>> -> memref<24x128xf32, #tpu.memory_space<vmem>>
          %dma_wait3A_95 = arith.constant 0 : i32
          %dma_wait3A_96 = tpu.memref_slice %arg4[%multiple_of3A, %dma_wait3A_95] : memref<10016x128xf32, #tpu.memory_space<hbm>> -> memref<24x128xf32, #tpu.memory_space<hbm>>
          tpu.wait_dma2 semaphore(%run_scoped3A : memref<!tpu.dma_semaphore, #tpu.memory_space<semaphore_mem>>) src(%dma_wait3A_96 : memref<24x128xf32, #tpu.memory_space<hbm>>) dst(%dma_wait3A_94 : memref<24x128xf32, #tpu.memory_space<vmem>>)
          tpu.yield
        }) : () -> ()
        "tpu.region"() ({
          %run_scoped3A = tpu.sem_alloc : memref<!tpu.dma_semaphore, #tpu.memory_space<semaphore_mem>>
          %dma_start3A_78 = arith.constant 0 : i32
          %dma_start3A_79 = arith.constant 0 : i32
          %dma_start3A_80 = tpu.memref_slice %arg11[%dma_start3A_78, %dma_start3A_79] : memref<128x128xf32, #tpu.memory_space<vmem>> -> memref<24x128xf32, #tpu.memory_space<vmem>>
          %dma_start3A_81 = arith.constant 0 : i32
          %dma_start3A_82 = tpu.memref_slice %arg12[%multiple_of3A, %dma_start3A_81] : memref<10016x128xf32, #tpu.memory_space<vmem_shared>> -> memref<24x128xf32, #tpu.memory_space<vmem_shared>>
          %dma_start3A_83 = arith.constant 0 : i32
          %dma_start3A_84 = tpu.memref_slice %arg12[%multiple_of3A, %dma_start3A_83] : memref<10016x128xf32, #tpu.memory_space<vmem_shared>> -> memref<24x128xf32, #tpu.memory_space<vmem_shared>>
          %dma_start3A_85 = arith.constant 0 : i32
          %dma_start3A_86 = arith.constant 0 : i32
          %dma_start3A_87 = tpu.memref_slice %arg11[%dma_start3A_85, %dma_start3A_86] : memref<128x128xf32, #tpu.memory_space<vmem>> -> memref<24x128xf32, #tpu.memory_space<vmem>>
          tpu.enqueue_dma source(%dma_start3A_87 : memref<24x128xf32, #tpu.memory_space<vmem>>) target(%dma_start3A_84 : memref<24x128xf32, #tpu.memory_space<vmem_shared>>) target_semaphore(%run_scoped3A : memref<!tpu.dma_semaphore, #tpu.memory_space<semaphore_mem>>)
          %dma_wait3A = arith.constant 0 : i32
          %dma_wait3A_88 = arith.constant 0 : i32
          %dma_wait3A_89 = tpu.memref_slice %arg11[%dma_wait3A, %dma_wait3A_88] : memref<128x128xf32, #tpu.memory_space<vmem>> -> memref<24x128xf32, #tpu.memory_space<vmem>>
          %dma_wait3A_90 = arith.constant 0 : i32
          %dma_wait3A_91 = tpu.memref_slice %arg12[%multiple_of3A, %dma_wait3A_90] : memref<10016x128xf32, #tpu.memory_space<vmem_shared>> -> memref<24x128xf32, #tpu.memory_space<vmem_shared>>
          %dma_wait3A_92 = arith.constant 0 : i32
          %dma_wait3A_93 = tpu.memref_slice %arg12[%multiple_of3A, %dma_wait3A_92] : memref<10016x128xf32, #tpu.memory_space<vmem_shared>> -> memref<24x128xf32, #tpu.memory_space<vmem_shared>>
          %dma_wait3A_94 = arith.constant 0 : i32
          %dma_wait3A_95 = arith.constant 0 : i32
          %dma_wait3A_96 = tpu.memref_slice %arg11[%dma_wait3A_94, %dma_wait3A_95] : memref<128x128xf32, #tpu.memory_space<vmem>> -> memref<24x128xf32, #tpu.memory_space<vmem>>
          tpu.wait_dma2 semaphore(%run_scoped3A : memref<!tpu.dma_semaphore, #tpu.memory_space<semaphore_mem>>) src(%dma_wait3A_96 : memref<24x128xf32, #tpu.memory_space<vmem>>) dst(%dma_wait3A_93 : memref<24x128xf32, #tpu.memory_space<vmem_shared>>)
          tpu.yield
        }) : () -> ()
        %scan3A_77 = arith.constant 0 : i32
        scf.yield %scan3A_77 : i32
      }
      %scan3A_46 = arith.constant 26 : i32
      %eq3A_47 = arith.constant 0 : i32
      %eq3A_48 = arith.cmpi eq, %arg1, %eq3A_47 : i32
      %convert_element_type3A_49 = arith.extui %eq3A_48 : i1 to i32
      %cond3A_50 = arith.constant 0 : i32
      %cond3A_51 = arith.cmpi ne, %convert_element_type3A_49, %cond3A_50 : i32
      scf.if %cond3A_51 {
        "tpu.region"() ({
          %run_scoped3A = tpu.sem_alloc : memref<!tpu.dma_semaphore, #tpu.memory_space<semaphore_mem>>
          %dma_start3A_72 = arith.constant 0 : i32
          %dma_start3A_73 = arith.constant 0 : i32
          %dma_start3A_74 = tpu.memref_slice %arg11[%dma_start3A_72, %dma_start3A_73] : memref<128x128xf32, #tpu.memory_space<vmem>> -> memref<16x128xf32, #tpu.memory_space<vmem>>
          %dma_start3A_75 = arith.constant 9984 : i32
          %dma_start3A_76 = arith.constant 0 : i32
          %dma_start3A_77 = tpu.memref_slice %arg4[%dma_start3A_75, %dma_start3A_76] : memref<10016x128xf32, #tpu.memory_space<hbm>> -> memref<16x128xf32, #tpu.memory_space<hbm>>
          %dma_start3A_78 = arith.constant 0 : i32
          %dma_start3A_79 = arith.constant 0 : i32
          %dma_start3A_80 = tpu.memref_slice %arg11[%dma_start3A_78, %dma_start3A_79] : memref<128x128xf32, #tpu.memory_space<vmem>> -> memref<16x128xf32, #tpu.memory_space<vmem>>
          %dma_start3A_81 = arith.constant 9984 : i32
          %dma_start3A_82 = arith.constant 0 : i32
          %dma_start3A_83 = tpu.memref_slice %arg4[%dma_start3A_81, %dma_start3A_82] : memref<10016x128xf32, #tpu.memory_space<hbm>> -> memref<16x128xf32, #tpu.memory_space<hbm>>
          tpu.enqueue_dma source(%dma_start3A_83 : memref<16x128xf32, #tpu.memory_space<hbm>>) target(%dma_start3A_80 : memref<16x128xf32, #tpu.memory_space<vmem>>) target_semaphore(%run_scoped3A : memref<!tpu.dma_semaphore, #tpu.memory_space<semaphore_mem>>)
          %dma_wait3A = arith.constant 0 : i32
          %dma_wait3A_84 = arith.constant 0 : i32
          %dma_wait3A_85 = tpu.memref_slice %arg11[%dma_wait3A, %dma_wait3A_84] : memref<128x128xf32, #tpu.memory_space<vmem>> -> memref<16x128xf32, #tpu.memory_space<vmem>>
          %dma_wait3A_86 = arith.constant 9984 : i32
          %dma_wait3A_87 = arith.constant 0 : i32
          %dma_wait3A_88 = tpu.memref_slice %arg4[%dma_wait3A_86, %dma_wait3A_87] : memref<10016x128xf32, #tpu.memory_space<hbm>> -> memref<16x128xf32, #tpu.memory_space<hbm>>
          %dma_wait3A_89 = arith.constant 0 : i32
          %dma_wait3A_90 = arith.constant 0 : i32
          %dma_wait3A_91 = tpu.memref_slice %arg11[%dma_wait3A_89, %dma_wait3A_90] : memref<128x128xf32, #tpu.memory_space<vmem>> -> memref<16x128xf32, #tpu.memory_space<vmem>>
          %dma_wait3A_92 = arith.constant 9984 : i32
          %dma_wait3A_93 = arith.constant 0 : i32
          %dma_wait3A_94 = tpu.memref_slice %arg4[%dma_wait3A_92, %dma_wait3A_93] : memref<10016x128xf32, #tpu.memory_space<hbm>> -> memref<16x128xf32, #tpu.memory_space<hbm>>
          tpu.wait_dma2 semaphore(%run_scoped3A : memref<!tpu.dma_semaphore, #tpu.memory_space<semaphore_mem>>) src(%dma_wait3A_94 : memref<16x128xf32, #tpu.memory_space<hbm>>) dst(%dma_wait3A_91 : memref<16x128xf32, #tpu.memory_space<vmem>>)
          tpu.yield
        }) : () -> ()
        "tpu.region"() ({
          %run_scoped3A = tpu.sem_alloc : memref<!tpu.dma_semaphore, #tpu.memory_space<semaphore_mem>>
          %dma_start3A_72 = arith.constant 0 : i32
          %dma_start3A_73 = arith.constant 0 : i32
          %dma_start3A_74 = tpu.memref_slice %arg11[%dma_start3A_72, %dma_start3A_73] : memref<128x128xf32, #tpu.memory_space<vmem>> -> memref<16x128xf32, #tpu.memory_space<vmem>>
          %dma_start3A_75 = arith.constant 9984 : i32
          %dma_start3A_76 = arith.constant 0 : i32
          %dma_start3A_77 = tpu.memref_slice %arg12[%dma_start3A_75, %dma_start3A_76] : memref<10016x128xf32, #tpu.memory_space<vmem_shared>> -> memref<16x128xf32, #tpu.memory_space<vmem_shared>>
          %dma_start3A_78 = arith.constant 9984 : i32
          %dma_start3A_79 = arith.constant 0 : i32
          %dma_start3A_80 = tpu.memref_slice %arg12[%dma_start3A_78, %dma_start3A_79] : memref<10016x128xf32, #tpu.memory_space<vmem_shared>> -> memref<16x128xf32, #tpu.memory_space<vmem_shared>>
          %dma_start3A_81 = arith.constant 0 : i32
          %dma_start3A_82 = arith.constant 0 : i32
          %dma_start3A_83 = tpu.memref_slice %arg11[%dma_start3A_81, %dma_start3A_82] : memref<128x128xf32, #tpu.memory_space<vmem>> -> memref<16x128xf32, #tpu.memory_space<vmem>>
          tpu.enqueue_dma source(%dma_start3A_83 : memref<16x128xf32, #tpu.memory_space<vmem>>) target(%dma_start3A_80 : memref<16x128xf32, #tpu.memory_space<vmem_shared>>) target_semaphore(%run_scoped3A : memref<!tpu.dma_semaphore, #tpu.memory_space<semaphore_mem>>)
          %dma_wait3A = arith.constant 0 : i32
          %dma_wait3A_84 = arith.constant 0 : i32
          %dma_wait3A_85 = tpu.memref_slice %arg11[%dma_wait3A, %dma_wait3A_84] : memref<128x128xf32, #tpu.memory_space<vmem>> -> memref<16x128xf32, #tpu.memory_space<vmem>>
          %dma_wait3A_86 = arith.constant 9984 : i32
          %dma_wait3A_87 = arith.constant 0 : i32
          %dma_wait3A_88 = tpu.memref_slice %arg12[%dma_wait3A_86, %dma_wait3A_87] : memref<10016x128xf32, #tpu.memory_space<vmem_shared>> -> memref<16x128xf32, #tpu.memory_space<vmem_shared>>
          %dma_wait3A_89 = arith.constant 9984 : i32
          %dma_wait3A_90 = arith.constant 0 : i32
          %dma_wait3A_91 = tpu.memref_slice %arg12[%dma_wait3A_89, %dma_wait3A_90] : memref<10016x128xf32, #tpu.memory_space<vmem_shared>> -> memref<16x128xf32, #tpu.memory_space<vmem_shared>>
          %dma_wait3A_92 = arith.constant 0 : i32
          %dma_wait3A_93 = arith.constant 0 : i32
          %dma_wait3A_94 = tpu.memref_slice %arg11[%dma_wait3A_92, %dma_wait3A_93] : memref<128x128xf32, #tpu.memory_space<vmem>> -> memref<16x128xf32, #tpu.memory_space<vmem>>
          tpu.wait_dma2 semaphore(%run_scoped3A : memref<!tpu.dma_semaphore, #tpu.memory_space<semaphore_mem>>) src(%dma_wait3A_94 : memref<16x128xf32, #tpu.memory_space<vmem>>) dst(%dma_wait3A_91 : memref<16x128xf32, #tpu.memory_space<vmem_shared>>)
          tpu.yield
        }) : () -> ()
      } else {
      }
      %barrier3A = arith.constant 0 : index
      tpu.barrier barrier_id(%barrier3A)
      %scan3A_52 = arith.constant 0 : i32
      %scan3A_53 = arith.constant 0 : i32
      %scan3A_54 = arith.constant 20 : i32
      %scan3A_55 = arith.addi %scan3A_53, %scan3A_54 : i32
      %scan3A_56 = arith.constant 1 : i32
      %scan3A_57 = scf.for %scan3A_72 = %scan3A_53 to %scan3A_55 step %scan3A_56 iter_args(%scan3A_73 = %scan3A_52) -> (i32)  : i32 {
        %mul3A = arith.constant 4 : i32
        %mul3A_74 = arith.muli %mul3A, %scan3A_72 : i32
        %add3A = arith.constant 0 : i32
        %add3A_75 = arith.addi %mul3A_74, %add3A : i32
        %add3A_76 = arith.constant 1 : i32
        %add3A_77 = arith.addi %add3A_75, %add3A_76 : i32
        %lt3A = arith.constant 80 : i32
        %lt3A_78 = arith.cmpi slt, %add3A_77, %lt3A : i32
        %convert_element_type3A_79 = arith.extui %lt3A_78 : i1 to i32
        %cond3A_80 = arith.constant 0 : i32
        %cond3A_81 = arith.cmpi ne, %convert_element_type3A_79, %cond3A_80 : i32
        scf.if %cond3A_81 {
          %add3A_222 = arith.constant 1 : i32
          %add3A_223 = arith.addi %add3A_75, %add3A_222 : i32
          %dma_start3A_224 = arith.constant 0 : i32
          %dma_start3A_225 = tpu.memref_slice %arg8[%add3A_223, %dma_start3A_224] : memref<80x128xi32, #tpu.memory_space<vmem>> -> memref<1x128xi32, #tpu.memory_space<vmem>>
          %dma_start3A_226 = tpu.memref_squeeze %dma_start3A_225 : memref<1x128xi32, #tpu.memory_space<vmem>> -> memref<128xi32, #tpu.memory_space<vmem>>
          %dma_start3A_227 = arith.constant 0 : i32
          %dma_start3A_228 = arith.constant 0 : i32
          %dma_start3A_229 = tpu.memref_slice %arg4[%dma_start3A_227, %dma_start3A_228] : memref<10016x128xf32, #tpu.memory_space<hbm>> -> memref<10016x128xf32, #tpu.memory_space<hbm>>
          tpu.enqueue_indirect_dma source(%dma_start3A_229 : memref<10016x128xf32, #tpu.memory_space<hbm>>) target(%arg11 : memref<128x128xf32, #tpu.memory_space<vmem>>) offsets(%dma_start3A_226 : memref<128xi32, #tpu.memory_space<vmem>>) semaphore(%arg14 : memref<!tpu.dma_semaphore, #tpu.memory_space<semaphore_mem>>)
        } else {
        }
        %dma_wait3A = arith.constant 0 : i32
        %dma_wait3A_82 = tpu.memref_slice %arg8[%add3A_75, %dma_wait3A] : memref<80x128xi32, #tpu.memory_space<vmem>> -> memref<1x128xi32, #tpu.memory_space<vmem>>
        %dma_wait3A_83 = tpu.memref_squeeze %dma_wait3A_82 : memref<1x128xi32, #tpu.memory_space<vmem>> -> memref<128xi32, #tpu.memory_space<vmem>>
        %dma_wait3A_84 = arith.constant 0 : i32
        %dma_wait3A_85 = arith.constant 0 : i32
        %dma_wait3A_86 = tpu.memref_slice %arg4[%dma_wait3A_84, %dma_wait3A_85] : memref<10016x128xf32, #tpu.memory_space<hbm>> -> memref<10016x128xf32, #tpu.memory_space<hbm>>
        tpu.wait_indirect_dma semaphore(%arg13 : memref<!tpu.dma_semaphore, #tpu.memory_space<semaphore_mem>>) src(%dma_wait3A_86 : memref<10016x128xf32, #tpu.memory_space<hbm>>) dst(%arg10 : memref<128x128xf32, #tpu.memory_space<vmem>>)
        %dma_wait3A_87 = arith.constant 0 : i32
        %dma_wait3A_88 = arith.constant 0 : i32
        %dma_wait3A_89 = tpu.memref_slice %arg9[%dma_wait3A_87, %dma_wait3A_88] : memref<4x128xi32, #tpu.memory_space<vmem>> -> memref<1x128xi32, #tpu.memory_space<vmem>>
        %dma_wait3A_90 = tpu.memref_squeeze %dma_wait3A_89 : memref<1x128xi32, #tpu.memory_space<vmem>> -> memref<128xi32, #tpu.memory_space<vmem>>
        %dma_wait3A_91 = arith.constant 0 : i32
        %dma_wait3A_92 = tpu.memref_slice %arg3[%arg1, %add3A_75, %dma_wait3A_91] : memref<16x80x128xi32, #tpu.memory_space<hbm>> -> memref<1x1x128xi32, #tpu.memory_space<hbm>>
        %dma_wait3A_93 = tpu.memref_squeeze %dma_wait3A_92 : memref<1x1x128xi32, #tpu.memory_space<hbm>> -> memref<128xi32, #tpu.memory_space<hbm>>
        %dma_wait3A_94 = arith.constant 0 : i32
        %dma_wait3A_95 = tpu.memref_slice %arg9[%dma_wait3A_87, %dma_wait3A_94] : memref<4x128xi32, #tpu.memory_space<vmem>> -> memref<1x128xi32, #tpu.memory_space<vmem>>
        %dma_wait3A_96 = tpu.memref_squeeze %dma_wait3A_95 : memref<1x128xi32, #tpu.memory_space<vmem>> -> memref<128xi32, #tpu.memory_space<vmem>>
        %dma_wait3A_97 = arith.constant 0 : i32
        %dma_wait3A_98 = tpu.memref_slice %arg3[%arg1, %add3A_75, %dma_wait3A_97] : memref<16x80x128xi32, #tpu.memory_space<hbm>> -> memref<1x1x128xi32, #tpu.memory_space<hbm>>
        %dma_wait3A_99 = tpu.memref_squeeze %dma_wait3A_98 : memref<1x1x128xi32, #tpu.memory_space<hbm>> -> memref<128xi32, #tpu.memory_space<hbm>>
        tpu.wait_dma2 semaphore(%arg15 : memref<!tpu.dma_semaphore, #tpu.memory_space<semaphore_mem>>) src(%dma_wait3A_99 : memref<128xi32, #tpu.memory_space<hbm>>) dst(%dma_wait3A_96 : memref<128xi32, #tpu.memory_space<vmem>>)
        %add3A_100 = arith.constant 2 : i32
        %add3A_101 = arith.addi %add3A_75, %add3A_100 : i32
        %lt3A_102 = arith.constant 80 : i32
        %lt3A_103 = arith.cmpi slt, %add3A_101, %lt3A_102 : i32
        %convert_element_type3A_104 = arith.extui %lt3A_103 : i1 to i32
        %cond3A_105 = arith.constant 0 : i32
        %cond3A_106 = arith.cmpi ne, %convert_element_type3A_104, %cond3A_105 : i32
        scf.if %cond3A_106 {
          %add3A_222 = arith.constant 2 : i32
          %add3A_223 = arith.addi %add3A_75, %add3A_222 : i32
          %dma_start3A_224 = arith.constant 2 : i32
          %dma_start3A_225 = arith.constant 0 : i32
          %dma_start3A_226 = tpu.memref_slice %arg9[%dma_start3A_224, %dma_start3A_225] : memref<4x128xi32, #tpu.memory_space<vmem>> -> memref<1x128xi32, #tpu.memory_space<vmem>>
          %dma_start3A_227 = tpu.memref_squeeze %dma_start3A_226 : memref<1x128xi32, #tpu.memory_space<vmem>> -> memref<128xi32, #tpu.memory_space<vmem>>
          %dma_start3A_228 = arith.constant 0 : i32
          %dma_start3A_229 = tpu.memref_slice %arg3[%arg1, %add3A_223, %dma_start3A_228] : memref<16x80x128xi32, #tpu.memory_space<hbm>> -> memref<1x1x128xi32, #tpu.memory_space<hbm>>
          %dma_start3A_230 = tpu.memref_squeeze %dma_start3A_229 : memref<1x1x128xi32, #tpu.memory_space<hbm>> -> memref<128xi32, #tpu.memory_space<hbm>>
          %dma_start3A_231 = arith.constant 0 : i32
          %dma_start3A_232 = tpu.memref_slice %arg9[%dma_start3A_224, %dma_start3A_231] : memref<4x128xi32, #tpu.memory_space<vmem>> -> memref<1x128xi32, #tpu.memory_space<vmem>>
          %dma_start3A_233 = tpu.memref_squeeze %dma_start3A_232 : memref<1x128xi32, #tpu.memory_space<vmem>> -> memref<128xi32, #tpu.memory_space<vmem>>
          %dma_start3A_234 = arith.constant 0 : i32
          %dma_start3A_235 = tpu.memref_slice %arg3[%arg1, %add3A_223, %dma_start3A_234] : memref<16x80x128xi32, #tpu.memory_space<hbm>> -> memref<1x1x128xi32, #tpu.memory_space<hbm>>
          %dma_start3A_236 = tpu.memref_squeeze %dma_start3A_235 : memref<1x1x128xi32, #tpu.memory_space<hbm>> -> memref<128xi32, #tpu.memory_space<hbm>>
          tpu.enqueue_dma source(%dma_start3A_236 : memref<128xi32, #tpu.memory_space<hbm>>) target(%dma_start3A_233 : memref<128xi32, #tpu.memory_space<vmem>>) target_semaphore(%arg17 : memref<!tpu.dma_semaphore, #tpu.memory_space<semaphore_mem>>)
        } else {
        }
        %run_scoped3A = arith.constant 0 : i32
        "tpu.region"() ({
          %run_scoped3A_222 = tpu.sem_alloc : memref<!tpu.dma_semaphore, #tpu.memory_space<semaphore_mem>>
          %dma_start3A_223 = arith.constant 0 : i32
          %dma_start3A_224 = tpu.memref_slice %arg9[%run_scoped3A, %dma_start3A_223] : memref<4x128xi32, #tpu.memory_space<vmem>> -> memref<1x128xi32, #tpu.memory_space<vmem>>
          %dma_start3A_225 = tpu.memref_squeeze %dma_start3A_224 : memref<1x128xi32, #tpu.memory_space<vmem>> -> memref<128xi32, #tpu.memory_space<vmem>>
          %dma_start3A_226 = arith.constant 0 : i32
          %dma_start3A_227 = arith.constant 0 : i32
          %dma_start3A_228 = tpu.memref_slice %arg12[%dma_start3A_226, %dma_start3A_227] : memref<10016x128xf32, #tpu.memory_space<vmem_shared>> -> memref<10016x128xf32, #tpu.memory_space<vmem_shared>>
          tpu.enqueue_indirect_dma source(%arg10 : memref<128x128xf32, #tpu.memory_space<vmem>>) target(%dma_start3A_228 : memref<10016x128xf32, #tpu.memory_space<vmem_shared>>) offsets(%dma_start3A_225 : memref<128xi32, #tpu.memory_space<vmem>>) semaphore(%run_scoped3A_222 : memref<!tpu.dma_semaphore, #tpu.memory_space<semaphore_mem>>) {add = true}
          %dma_wait3A_229 = arith.constant 0 : i32
          %dma_wait3A_230 = tpu.memref_slice %arg9[%run_scoped3A, %dma_wait3A_229] : memref<4x128xi32, #tpu.memory_space<vmem>> -> memref<1x128xi32, #tpu.memory_space<vmem>>
          %dma_wait3A_231 = tpu.memref_squeeze %dma_wait3A_230 : memref<1x128xi32, #tpu.memory_space<vmem>> -> memref<128xi32, #tpu.memory_space<vmem>>
          %dma_wait3A_232 = arith.constant 0 : i32
          %dma_wait3A_233 = arith.constant 0 : i32
          %dma_wait3A_234 = tpu.memref_slice %arg12[%dma_wait3A_232, %dma_wait3A_233] : memref<10016x128xf32, #tpu.memory_space<vmem_shared>> -> memref<10016x128xf32, #tpu.memory_space<vmem_shared>>
          tpu.wait_indirect_dma semaphore(%run_scoped3A_222 : memref<!tpu.dma_semaphore, #tpu.memory_space<semaphore_mem>>) src(%arg10 : memref<128x128xf32, #tpu.memory_space<vmem>>) dst(%dma_wait3A_234 : memref<10016x128xf32, #tpu.memory_space<vmem_shared>>)
          tpu.yield
        }) : () -> ()
        %mul3A_107 = arith.constant 4 : i32
        %mul3A_108 = arith.muli %mul3A_107, %scan3A_72 : i32
        %add3A_109 = arith.constant 1 : i32
        %add3A_110 = arith.addi %mul3A_108, %add3A_109 : i32
        %add3A_111 = arith.constant 1 : i32
        %add3A_112 = arith.addi %add3A_110, %add3A_111 : i32
        %lt3A_113 = arith.constant 80 : i32
        %lt3A_114 = arith.cmpi slt, %add3A_112, %lt3A_113 : i32
        %convert_element_type3A_115 = arith.extui %lt3A_114 : i1 to i32
        %cond3A_116 = arith.constant 0 : i32
        %cond3A_117 = arith.cmpi ne, %convert_element_type3A_115, %cond3A_116 : i32
        scf.if %cond3A_117 {
          %add3A_222 = arith.constant 1 : i32
          %add3A_223 = arith.addi %add3A_110, %add3A_222 : i32
          %dma_start3A_224 = arith.constant 0 : i32
          %dma_start3A_225 = tpu.memref_slice %arg8[%add3A_223, %dma_start3A_224] : memref<80x128xi32, #tpu.memory_space<vmem>> -> memref<1x128xi32, #tpu.memory_space<vmem>>
          %dma_start3A_226 = tpu.memref_squeeze %dma_start3A_225 : memref<1x128xi32, #tpu.memory_space<vmem>> -> memref<128xi32, #tpu.memory_space<vmem>>
          %dma_start3A_227 = arith.constant 0 : i32
          %dma_start3A_228 = arith.constant 0 : i32
          %dma_start3A_229 = tpu.memref_slice %arg4[%dma_start3A_227, %dma_start3A_228] : memref<10016x128xf32, #tpu.memory_space<hbm>> -> memref<10016x128xf32, #tpu.memory_space<hbm>>
          tpu.enqueue_indirect_dma source(%dma_start3A_229 : memref<10016x128xf32, #tpu.memory_space<hbm>>) target(%arg10 : memref<128x128xf32, #tpu.memory_space<vmem>>) offsets(%dma_start3A_226 : memref<128xi32, #tpu.memory_space<vmem>>) semaphore(%arg13 : memref<!tpu.dma_semaphore, #tpu.memory_space<semaphore_mem>>)
        } else {
        }
        %dma_wait3A_118 = arith.constant 0 : i32
        %dma_wait3A_119 = tpu.memref_slice %arg8[%add3A_110, %dma_wait3A_118] : memref<80x128xi32, #tpu.memory_space<vmem>> -> memref<1x128xi32, #tpu.memory_space<vmem>>
        %dma_wait3A_120 = tpu.memref_squeeze %dma_wait3A_119 : memref<1x128xi32, #tpu.memory_space<vmem>> -> memref<128xi32, #tpu.memory_space<vmem>>
        %dma_wait3A_121 = arith.constant 0 : i32
        %dma_wait3A_122 = arith.constant 0 : i32
        %dma_wait3A_123 = tpu.memref_slice %arg4[%dma_wait3A_121, %dma_wait3A_122] : memref<10016x128xf32, #tpu.memory_space<hbm>> -> memref<10016x128xf32, #tpu.memory_space<hbm>>
        tpu.wait_indirect_dma semaphore(%arg14 : memref<!tpu.dma_semaphore, #tpu.memory_space<semaphore_mem>>) src(%dma_wait3A_123 : memref<10016x128xf32, #tpu.memory_space<hbm>>) dst(%arg11 : memref<128x128xf32, #tpu.memory_space<vmem>>)
        %dma_wait3A_124 = arith.constant 1 : i32
        %dma_wait3A_125 = arith.constant 0 : i32
        %dma_wait3A_126 = tpu.memref_slice %arg9[%dma_wait3A_124, %dma_wait3A_125] : memref<4x128xi32, #tpu.memory_space<vmem>> -> memref<1x128xi32, #tpu.memory_space<vmem>>
        %dma_wait3A_127 = tpu.memref_squeeze %dma_wait3A_126 : memref<1x128xi32, #tpu.memory_space<vmem>> -> memref<128xi32, #tpu.memory_space<vmem>>
        %dma_wait3A_128 = arith.constant 0 : i32
        %dma_wait3A_129 = tpu.memref_slice %arg3[%arg1, %add3A_110, %dma_wait3A_128] : memref<16x80x128xi32, #tpu.memory_space<hbm>> -> memref<1x1x128xi32, #tpu.memory_space<hbm>>
        %dma_wait3A_130 = tpu.memref_squeeze %dma_wait3A_129 : memref<1x1x128xi32, #tpu.memory_space<hbm>> -> memref<128xi32, #tpu.memory_space<hbm>>
        %dma_wait3A_131 = arith.constant 0 : i32
        %dma_wait3A_132 = tpu.memref_slice %arg9[%dma_wait3A_124, %dma_wait3A_131] : memref<4x128xi32, #tpu.memory_space<vmem>> -> memref<1x128xi32, #tpu.memory_space<vmem>>
        %dma_wait3A_133 = tpu.memref_squeeze %dma_wait3A_132 : memref<1x128xi32, #tpu.memory_space<vmem>> -> memref<128xi32, #tpu.memory_space<vmem>>
        %dma_wait3A_134 = arith.constant 0 : i32
        %dma_wait3A_135 = tpu.memref_slice %arg3[%arg1, %add3A_110, %dma_wait3A_134] : memref<16x80x128xi32, #tpu.memory_space<hbm>> -> memref<1x1x128xi32, #tpu.memory_space<hbm>>
        %dma_wait3A_136 = tpu.memref_squeeze %dma_wait3A_135 : memref<1x1x128xi32, #tpu.memory_space<hbm>> -> memref<128xi32, #tpu.memory_space<hbm>>
        tpu.wait_dma2 semaphore(%arg16 : memref<!tpu.dma_semaphore, #tpu.memory_space<semaphore_mem>>) src(%dma_wait3A_136 : memref<128xi32, #tpu.memory_space<hbm>>) dst(%dma_wait3A_133 : memref<128xi32, #tpu.memory_space<vmem>>)
        %add3A_137 = arith.constant 2 : i32
        %add3A_138 = arith.addi %add3A_110, %add3A_137 : i32
        %lt3A_139 = arith.constant 80 : i32
        %lt3A_140 = arith.cmpi slt, %add3A_138, %lt3A_139 : i32
        %convert_element_type3A_141 = arith.extui %lt3A_140 : i1 to i32
        %cond3A_142 = arith.constant 0 : i32
        %cond3A_143 = arith.cmpi ne, %convert_element_type3A_141, %cond3A_142 : i32
        scf.if %cond3A_143 {
          %add3A_222 = arith.constant 2 : i32
          %add3A_223 = arith.addi %add3A_110, %add3A_222 : i32
          %dma_start3A_224 = arith.constant 3 : i32
          %dma_start3A_225 = arith.constant 0 : i32
          %dma_start3A_226 = tpu.memref_slice %arg9[%dma_start3A_224, %dma_start3A_225] : memref<4x128xi32, #tpu.memory_space<vmem>> -> memref<1x128xi32, #tpu.memory_space<vmem>>
          %dma_start3A_227 = tpu.memref_squeeze %dma_start3A_226 : memref<1x128xi32, #tpu.memory_space<vmem>> -> memref<128xi32, #tpu.memory_space<vmem>>
          %dma_start3A_228 = arith.constant 0 : i32
          %dma_start3A_229 = tpu.memref_slice %arg3[%arg1, %add3A_223, %dma_start3A_228] : memref<16x80x128xi32, #tpu.memory_space<hbm>> -> memref<1x1x128xi32, #tpu.memory_space<hbm>>
          %dma_start3A_230 = tpu.memref_squeeze %dma_start3A_229 : memref<1x1x128xi32, #tpu.memory_space<hbm>> -> memref<128xi32, #tpu.memory_space<hbm>>
          %dma_start3A_231 = arith.constant 0 : i32
          %dma_start3A_232 = tpu.memref_slice %arg9[%dma_start3A_224, %dma_start3A_231] : memref<4x128xi32, #tpu.memory_space<vmem>> -> memref<1x128xi32, #tpu.memory_space<vmem>>
          %dma_start3A_233 = tpu.memref_squeeze %dma_start3A_232 : memref<1x128xi32, #tpu.memory_space<vmem>> -> memref<128xi32, #tpu.memory_space<vmem>>
          %dma_start3A_234 = arith.constant 0 : i32
          %dma_start3A_235 = tpu.memref_slice %arg3[%arg1, %add3A_223, %dma_start3A_234] : memref<16x80x128xi32, #tpu.memory_space<hbm>> -> memref<1x1x128xi32, #tpu.memory_space<hbm>>
          %dma_start3A_236 = tpu.memref_squeeze %dma_start3A_235 : memref<1x1x128xi32, #tpu.memory_space<hbm>> -> memref<128xi32, #tpu.memory_space<hbm>>
          tpu.enqueue_dma source(%dma_start3A_236 : memref<128xi32, #tpu.memory_space<hbm>>) target(%dma_start3A_233 : memref<128xi32, #tpu.memory_space<vmem>>) target_semaphore(%arg18 : memref<!tpu.dma_semaphore, #tpu.memory_space<semaphore_mem>>)
        } else {
        }
        %run_scoped3A_144 = arith.constant 1 : i32
        "tpu.region"() ({
          %run_scoped3A_222 = tpu.sem_alloc : memref<!tpu.dma_semaphore, #tpu.memory_space<semaphore_mem>>
          %dma_start3A_223 = arith.constant 0 : i32
          %dma_start3A_224 = tpu.memref_slice %arg9[%run_scoped3A_144, %dma_start3A_223] : memref<4x128xi32, #tpu.memory_space<vmem>> -> memref<1x128xi32, #tpu.memory_space<vmem>>
          %dma_start3A_225 = tpu.memref_squeeze %dma_start3A_224 : memref<1x128xi32, #tpu.memory_space<vmem>> -> memref<128xi32, #tpu.memory_space<vmem>>
          %dma_start3A_226 = arith.constant 0 : i32
          %dma_start3A_227 = arith.constant 0 : i32
          %dma_start3A_228 = tpu.memref_slice %arg12[%dma_start3A_226, %dma_start3A_227] : memref<10016x128xf32, #tpu.memory_space<vmem_shared>> -> memref<10016x128xf32, #tpu.memory_space<vmem_shared>>
          tpu.enqueue_indirect_dma source(%arg11 : memref<128x128xf32, #tpu.memory_space<vmem>>) target(%dma_start3A_228 : memref<10016x128xf32, #tpu.memory_space<vmem_shared>>) offsets(%dma_start3A_225 : memref<128xi32, #tpu.memory_space<vmem>>) semaphore(%run_scoped3A_222 : memref<!tpu.dma_semaphore, #tpu.memory_space<semaphore_mem>>) {add = true}
          %dma_wait3A_229 = arith.constant 0 : i32
          %dma_wait3A_230 = tpu.memref_slice %arg9[%run_scoped3A_144, %dma_wait3A_229] : memref<4x128xi32, #tpu.memory_space<vmem>> -> memref<1x128xi32, #tpu.memory_space<vmem>>
          %dma_wait3A_231 = tpu.memref_squeeze %dma_wait3A_230 : memref<1x128xi32, #tpu.memory_space<vmem>> -> memref<128xi32, #tpu.memory_space<vmem>>
          %dma_wait3A_232 = arith.constant 0 : i32
          %dma_wait3A_233 = arith.constant 0 : i32
          %dma_wait3A_234 = tpu.memref_slice %arg12[%dma_wait3A_232, %dma_wait3A_233] : memref<10016x128xf32, #tpu.memory_space<vmem_shared>> -> memref<10016x128xf32, #tpu.memory_space<vmem_shared>>
          tpu.wait_indirect_dma semaphore(%run_scoped3A_222 : memref<!tpu.dma_semaphore, #tpu.memory_space<semaphore_mem>>) src(%arg11 : memref<128x128xf32, #tpu.memory_space<vmem>>) dst(%dma_wait3A_234 : memref<10016x128xf32, #tpu.memory_space<vmem_shared>>)
          tpu.yield
        }) : () -> ()
        %mul3A_145 = arith.constant 4 : i32
        %mul3A_146 = arith.muli %mul3A_145, %scan3A_72 : i32
        %add3A_147 = arith.constant 2 : i32
        %add3A_148 = arith.addi %mul3A_146, %add3A_147 : i32
        %add3A_149 = arith.constant 1 : i32
        %add3A_150 = arith.addi %add3A_148, %add3A_149 : i32
        %lt3A_151 = arith.constant 80 : i32
        %lt3A_152 = arith.cmpi slt, %add3A_150, %lt3A_151 : i32
        %convert_element_type3A_153 = arith.extui %lt3A_152 : i1 to i32
        %cond3A_154 = arith.constant 0 : i32
        %cond3A_155 = arith.cmpi ne, %convert_element_type3A_153, %cond3A_154 : i32
        scf.if %cond3A_155 {
          %add3A_222 = arith.constant 1 : i32
          %add3A_223 = arith.addi %add3A_148, %add3A_222 : i32
          %dma_start3A_224 = arith.constant 0 : i32
          %dma_start3A_225 = tpu.memref_slice %arg8[%add3A_223, %dma_start3A_224] : memref<80x128xi32, #tpu.memory_space<vmem>> -> memref<1x128xi32, #tpu.memory_space<vmem>>
          %dma_start3A_226 = tpu.memref_squeeze %dma_start3A_225 : memref<1x128xi32, #tpu.memory_space<vmem>> -> memref<128xi32, #tpu.memory_space<vmem>>
          %dma_start3A_227 = arith.constant 0 : i32
          %dma_start3A_228 = arith.constant 0 : i32
          %dma_start3A_229 = tpu.memref_slice %arg4[%dma_start3A_227, %dma_start3A_228] : memref<10016x128xf32, #tpu.memory_space<hbm>> -> memref<10016x128xf32, #tpu.memory_space<hbm>>
          tpu.enqueue_indirect_dma source(%dma_start3A_229 : memref<10016x128xf32, #tpu.memory_space<hbm>>) target(%arg11 : memref<128x128xf32, #tpu.memory_space<vmem>>) offsets(%dma_start3A_226 : memref<128xi32, #tpu.memory_space<vmem>>) semaphore(%arg14 : memref<!tpu.dma_semaphore, #tpu.memory_space<semaphore_mem>>)
        } else {
        }
        %dma_wait3A_156 = arith.constant 0 : i32
        %dma_wait3A_157 = tpu.memref_slice %arg8[%add3A_148, %dma_wait3A_156] : memref<80x128xi32, #tpu.memory_space<vmem>> -> memref<1x128xi32, #tpu.memory_space<vmem>>
        %dma_wait3A_158 = tpu.memref_squeeze %dma_wait3A_157 : memref<1x128xi32, #tpu.memory_space<vmem>> -> memref<128xi32, #tpu.memory_space<vmem>>
        %dma_wait3A_159 = arith.constant 0 : i32
        %dma_wait3A_160 = arith.constant 0 : i32
        %dma_wait3A_161 = tpu.memref_slice %arg4[%dma_wait3A_159, %dma_wait3A_160] : memref<10016x128xf32, #tpu.memory_space<hbm>> -> memref<10016x128xf32, #tpu.memory_space<hbm>>
        tpu.wait_indirect_dma semaphore(%arg13 : memref<!tpu.dma_semaphore, #tpu.memory_space<semaphore_mem>>) src(%dma_wait3A_161 : memref<10016x128xf32, #tpu.memory_space<hbm>>) dst(%arg10 : memref<128x128xf32, #tpu.memory_space<vmem>>)
        %dma_wait3A_162 = arith.constant 2 : i32
        %dma_wait3A_163 = arith.constant 0 : i32
        %dma_wait3A_164 = tpu.memref_slice %arg9[%dma_wait3A_162, %dma_wait3A_163] : memref<4x128xi32, #tpu.memory_space<vmem>> -> memref<1x128xi32, #tpu.memory_space<vmem>>
        %dma_wait3A_165 = tpu.memref_squeeze %dma_wait3A_164 : memref<1x128xi32, #tpu.memory_space<vmem>> -> memref<128xi32, #tpu.memory_space<vmem>>
        %dma_wait3A_166 = arith.constant 0 : i32
        %dma_wait3A_167 = tpu.memref_slice %arg3[%arg1, %add3A_148, %dma_wait3A_166] : memref<16x80x128xi32, #tpu.memory_space<hbm>> -> memref<1x1x128xi32, #tpu.memory_space<hbm>>
        %dma_wait3A_168 = tpu.memref_squeeze %dma_wait3A_167 : memref<1x1x128xi32, #tpu.memory_space<hbm>> -> memref<128xi32, #tpu.memory_space<hbm>>
        %dma_wait3A_169 = arith.constant 0 : i32
        %dma_wait3A_170 = tpu.memref_slice %arg9[%dma_wait3A_162, %dma_wait3A_169] : memref<4x128xi32, #tpu.memory_space<vmem>> -> memref<1x128xi32, #tpu.memory_space<vmem>>
        %dma_wait3A_171 = tpu.memref_squeeze %dma_wait3A_170 : memref<1x128xi32, #tpu.memory_space<vmem>> -> memref<128xi32, #tpu.memory_space<vmem>>
        %dma_wait3A_172 = arith.constant 0 : i32
        %dma_wait3A_173 = tpu.memref_slice %arg3[%arg1, %add3A_148, %dma_wait3A_172] : memref<16x80x128xi32, #tpu.memory_space<hbm>> -> memref<1x1x128xi32, #tpu.memory_space<hbm>>
        %dma_wait3A_174 = tpu.memref_squeeze %dma_wait3A_173 : memref<1x1x128xi32, #tpu.memory_space<hbm>> -> memref<128xi32, #tpu.memory_space<hbm>>
        tpu.wait_dma2 semaphore(%arg17 : memref<!tpu.dma_semaphore, #tpu.memory_space<semaphore_mem>>) src(%dma_wait3A_174 : memref<128xi32, #tpu.memory_space<hbm>>) dst(%dma_wait3A_171 : memref<128xi32, #tpu.memory_space<vmem>>)
        %add3A_175 = arith.constant 2 : i32
        %add3A_176 = arith.addi %add3A_148, %add3A_175 : i32
        %lt3A_177 = arith.constant 80 : i32
        %lt3A_178 = arith.cmpi slt, %add3A_176, %lt3A_177 : i32
        %convert_element_type3A_179 = arith.extui %lt3A_178 : i1 to i32
        %cond3A_180 = arith.constant 0 : i32
        %cond3A_181 = arith.cmpi ne, %convert_element_type3A_179, %cond3A_180 : i32
        scf.if %cond3A_181 {
          %add3A_222 = arith.constant 2 : i32
          %add3A_223 = arith.addi %add3A_148, %add3A_222 : i32
          %dma_start3A_224 = arith.constant 0 : i32
          %dma_start3A_225 = arith.constant 0 : i32
          %dma_start3A_226 = tpu.memref_slice %arg9[%dma_start3A_224, %dma_start3A_225] : memref<4x128xi32, #tpu.memory_space<vmem>> -> memref<1x128xi32, #tpu.memory_space<vmem>>
          %dma_start3A_227 = tpu.memref_squeeze %dma_start3A_226 : memref<1x128xi32, #tpu.memory_space<vmem>> -> memref<128xi32, #tpu.memory_space<vmem>>
          %dma_start3A_228 = arith.constant 0 : i32
          %dma_start3A_229 = tpu.memref_slice %arg3[%arg1, %add3A_223, %dma_start3A_228] : memref<16x80x128xi32, #tpu.memory_space<hbm>> -> memref<1x1x128xi32, #tpu.memory_space<hbm>>
          %dma_start3A_230 = tpu.memref_squeeze %dma_start3A_229 : memref<1x1x128xi32, #tpu.memory_space<hbm>> -> memref<128xi32, #tpu.memory_space<hbm>>
          %dma_start3A_231 = arith.constant 0 : i32
          %dma_start3A_232 = tpu.memref_slice %arg9[%dma_start3A_224, %dma_start3A_231] : memref<4x128xi32, #tpu.memory_space<vmem>> -> memref<1x128xi32, #tpu.memory_space<vmem>>
          %dma_start3A_233 = tpu.memref_squeeze %dma_start3A_232 : memref<1x128xi32, #tpu.memory_space<vmem>> -> memref<128xi32, #tpu.memory_space<vmem>>
          %dma_start3A_234 = arith.constant 0 : i32
          %dma_start3A_235 = tpu.memref_slice %arg3[%arg1, %add3A_223, %dma_start3A_234] : memref<16x80x128xi32, #tpu.memory_space<hbm>> -> memref<1x1x128xi32, #tpu.memory_space<hbm>>
          %dma_start3A_236 = tpu.memref_squeeze %dma_start3A_235 : memref<1x1x128xi32, #tpu.memory_space<hbm>> -> memref<128xi32, #tpu.memory_space<hbm>>
          tpu.enqueue_dma source(%dma_start3A_236 : memref<128xi32, #tpu.memory_space<hbm>>) target(%dma_start3A_233 : memref<128xi32, #tpu.memory_space<vmem>>) target_semaphore(%arg15 : memref<!tpu.dma_semaphore, #tpu.memory_space<semaphore_mem>>)
        } else {
        }
        %run_scoped3A_182 = arith.constant 2 : i32
        "tpu.region"() ({
          %run_scoped3A_222 = tpu.sem_alloc : memref<!tpu.dma_semaphore, #tpu.memory_space<semaphore_mem>>
          %dma_start3A_223 = arith.constant 0 : i32
          %dma_start3A_224 = tpu.memref_slice %arg9[%run_scoped3A_182, %dma_start3A_223] : memref<4x128xi32, #tpu.memory_space<vmem>> -> memref<1x128xi32, #tpu.memory_space<vmem>>
          %dma_start3A_225 = tpu.memref_squeeze %dma_start3A_224 : memref<1x128xi32, #tpu.memory_space<vmem>> -> memref<128xi32, #tpu.memory_space<vmem>>
          %dma_start3A_226 = arith.constant 0 : i32
          %dma_start3A_227 = arith.constant 0 : i32
          %dma_start3A_228 = tpu.memref_slice %arg12[%dma_start3A_226, %dma_start3A_227] : memref<10016x128xf32, #tpu.memory_space<vmem_shared>> -> memref<10016x128xf32, #tpu.memory_space<vmem_shared>>
          tpu.enqueue_indirect_dma source(%arg10 : memref<128x128xf32, #tpu.memory_space<vmem>>) target(%dma_start3A_228 : memref<10016x128xf32, #tpu.memory_space<vmem_shared>>) offsets(%dma_start3A_225 : memref<128xi32, #tpu.memory_space<vmem>>) semaphore(%run_scoped3A_222 : memref<!tpu.dma_semaphore, #tpu.memory_space<semaphore_mem>>) {add = true}
          %dma_wait3A_229 = arith.constant 0 : i32
          %dma_wait3A_230 = tpu.memref_slice %arg9[%run_scoped3A_182, %dma_wait3A_229] : memref<4x128xi32, #tpu.memory_space<vmem>> -> memref<1x128xi32, #tpu.memory_space<vmem>>
          %dma_wait3A_231 = tpu.memref_squeeze %dma_wait3A_230 : memref<1x128xi32, #tpu.memory_space<vmem>> -> memref<128xi32, #tpu.memory_space<vmem>>
          %dma_wait3A_232 = arith.constant 0 : i32
          %dma_wait3A_233 = arith.constant 0 : i32
          %dma_wait3A_234 = tpu.memref_slice %arg12[%dma_wait3A_232, %dma_wait3A_233] : memref<10016x128xf32, #tpu.memory_space<vmem_shared>> -> memref<10016x128xf32, #tpu.memory_space<vmem_shared>>
          tpu.wait_indirect_dma semaphore(%run_scoped3A_222 : memref<!tpu.dma_semaphore, #tpu.memory_space<semaphore_mem>>) src(%arg10 : memref<128x128xf32, #tpu.memory_space<vmem>>) dst(%dma_wait3A_234 : memref<10016x128xf32, #tpu.memory_space<vmem_shared>>)
          tpu.yield
        }) : () -> ()
        %mul3A_183 = arith.constant 4 : i32
        %mul3A_184 = arith.muli %mul3A_183, %scan3A_72 : i32
        %add3A_185 = arith.constant 3 : i32
        %add3A_186 = arith.addi %mul3A_184, %add3A_185 : i32
        %add3A_187 = arith.constant 1 : i32
        %add3A_188 = arith.addi %add3A_186, %add3A_187 : i32
        %lt3A_189 = arith.constant 80 : i32
        %lt3A_190 = arith.cmpi slt, %add3A_188, %lt3A_189 : i32
        %convert_element_type3A_191 = arith.extui %lt3A_190 : i1 to i32
        %cond3A_192 = arith.constant 0 : i32
        %cond3A_193 = arith.cmpi ne, %convert_element_type3A_191, %cond3A_192 : i32
        scf.if %cond3A_193 {
          %add3A_222 = arith.constant 1 : i32
          %add3A_223 = arith.addi %add3A_186, %add3A_222 : i32
          %dma_start3A_224 = arith.constant 0 : i32
          %dma_start3A_225 = tpu.memref_slice %arg8[%add3A_223, %dma_start3A_224] : memref<80x128xi32, #tpu.memory_space<vmem>> -> memref<1x128xi32, #tpu.memory_space<vmem>>
          %dma_start3A_226 = tpu.memref_squeeze %dma_start3A_225 : memref<1x128xi32, #tpu.memory_space<vmem>> -> memref<128xi32, #tpu.memory_space<vmem>>
          %dma_start3A_227 = arith.constant 0 : i32
          %dma_start3A_228 = arith.constant 0 : i32
          %dma_start3A_229 = tpu.memref_slice %arg4[%dma_start3A_227, %dma_start3A_228] : memref<10016x128xf32, #tpu.memory_space<hbm>> -> memref<10016x128xf32, #tpu.memory_space<hbm>>
          tpu.enqueue_indirect_dma source(%dma_start3A_229 : memref<10016x128xf32, #tpu.memory_space<hbm>>) target(%arg10 : memref<128x128xf32, #tpu.memory_space<vmem>>) offsets(%dma_start3A_226 : memref<128xi32, #tpu.memory_space<vmem>>) semaphore(%arg13 : memref<!tpu.dma_semaphore, #tpu.memory_space<semaphore_mem>>)
        } else {
        }
        %dma_wait3A_194 = arith.constant 0 : i32
        %dma_wait3A_195 = tpu.memref_slice %arg8[%add3A_186, %dma_wait3A_194] : memref<80x128xi32, #tpu.memory_space<vmem>> -> memref<1x128xi32, #tpu.memory_space<vmem>>
        %dma_wait3A_196 = tpu.memref_squeeze %dma_wait3A_195 : memref<1x128xi32, #tpu.memory_space<vmem>> -> memref<128xi32, #tpu.memory_space<vmem>>
        %dma_wait3A_197 = arith.constant 0 : i32
        %dma_wait3A_198 = arith.constant 0 : i32
        %dma_wait3A_199 = tpu.memref_slice %arg4[%dma_wait3A_197, %dma_wait3A_198] : memref<10016x128xf32, #tpu.memory_space<hbm>> -> memref<10016x128xf32, #tpu.memory_space<hbm>>
        tpu.wait_indirect_dma semaphore(%arg14 : memref<!tpu.dma_semaphore, #tpu.memory_space<semaphore_mem>>) src(%dma_wait3A_199 : memref<10016x128xf32, #tpu.memory_space<hbm>>) dst(%arg11 : memref<128x128xf32, #tpu.memory_space<vmem>>)
        %dma_wait3A_200 = arith.constant 3 : i32
        %dma_wait3A_201 = arith.constant 0 : i32
        %dma_wait3A_202 = tpu.memref_slice %arg9[%dma_wait3A_200, %dma_wait3A_201] : memref<4x128xi32, #tpu.memory_space<vmem>> -> memref<1x128xi32, #tpu.memory_space<vmem>>
        %dma_wait3A_203 = tpu.memref_squeeze %dma_wait3A_202 : memref<1x128xi32, #tpu.memory_space<vmem>> -> memref<128xi32, #tpu.memory_space<vmem>>
        %dma_wait3A_204 = arith.constant 0 : i32
        %dma_wait3A_205 = tpu.memref_slice %arg3[%arg1, %add3A_186, %dma_wait3A_204] : memref<16x80x128xi32, #tpu.memory_space<hbm>> -> memref<1x1x128xi32, #tpu.memory_space<hbm>>
        %dma_wait3A_206 = tpu.memref_squeeze %dma_wait3A_205 : memref<1x1x128xi32, #tpu.memory_space<hbm>> -> memref<128xi32, #tpu.memory_space<hbm>>
        %dma_wait3A_207 = arith.constant 0 : i32
        %dma_wait3A_208 = tpu.memref_slice %arg9[%dma_wait3A_200, %dma_wait3A_207] : memref<4x128xi32, #tpu.memory_space<vmem>> -> memref<1x128xi32, #tpu.memory_space<vmem>>
        %dma_wait3A_209 = tpu.memref_squeeze %dma_wait3A_208 : memref<1x128xi32, #tpu.memory_space<vmem>> -> memref<128xi32, #tpu.memory_space<vmem>>
        %dma_wait3A_210 = arith.constant 0 : i32
        %dma_wait3A_211 = tpu.memref_slice %arg3[%arg1, %add3A_186, %dma_wait3A_210] : memref<16x80x128xi32, #tpu.memory_space<hbm>> -> memref<1x1x128xi32, #tpu.memory_space<hbm>>
        %dma_wait3A_212 = tpu.memref_squeeze %dma_wait3A_211 : memref<1x1x128xi32, #tpu.memory_space<hbm>> -> memref<128xi32, #tpu.memory_space<hbm>>
        tpu.wait_dma2 semaphore(%arg18 : memref<!tpu.dma_semaphore, #tpu.memory_space<semaphore_mem>>) src(%dma_wait3A_212 : memref<128xi32, #tpu.memory_space<hbm>>) dst(%dma_wait3A_209 : memref<128xi32, #tpu.memory_space<vmem>>)
        %add3A_213 = arith.constant 2 : i32
        %add3A_214 = arith.addi %add3A_186, %add3A_213 : i32
        %lt3A_215 = arith.constant 80 : i32
        %lt3A_216 = arith.cmpi slt, %add3A_214, %lt3A_215 : i32
        %convert_element_type3A_217 = arith.extui %lt3A_216 : i1 to i32
        %cond3A_218 = arith.constant 0 : i32
        %cond3A_219 = arith.cmpi ne, %convert_element_type3A_217, %cond3A_218 : i32
        scf.if %cond3A_219 {
          %add3A_222 = arith.constant 2 : i32
          %add3A_223 = arith.addi %add3A_186, %add3A_222 : i32
          %dma_start3A_224 = arith.constant 1 : i32
          %dma_start3A_225 = arith.constant 0 : i32
          %dma_start3A_226 = tpu.memref_slice %arg9[%dma_start3A_224, %dma_start3A_225] : memref<4x128xi32, #tpu.memory_space<vmem>> -> memref<1x128xi32, #tpu.memory_space<vmem>>
          %dma_start3A_227 = tpu.memref_squeeze %dma_start3A_226 : memref<1x128xi32, #tpu.memory_space<vmem>> -> memref<128xi32, #tpu.memory_space<vmem>>
          %dma_start3A_228 = arith.constant 0 : i32
          %dma_start3A_229 = tpu.memref_slice %arg3[%arg1, %add3A_223, %dma_start3A_228] : memref<16x80x128xi32, #tpu.memory_space<hbm>> -> memref<1x1x128xi32, #tpu.memory_space<hbm>>
          %dma_start3A_230 = tpu.memref_squeeze %dma_start3A_229 : memref<1x1x128xi32, #tpu.memory_space<hbm>> -> memref<128xi32, #tpu.memory_space<hbm>>
          %dma_start3A_231 = arith.constant 0 : i32
          %dma_start3A_232 = tpu.memref_slice %arg9[%dma_start3A_224, %dma_start3A_231] : memref<4x128xi32, #tpu.memory_space<vmem>> -> memref<1x128xi32, #tpu.memory_space<vmem>>
          %dma_start3A_233 = tpu.memref_squeeze %dma_start3A_232 : memref<1x128xi32, #tpu.memory_space<vmem>> -> memref<128xi32, #tpu.memory_space<vmem>>
          %dma_start3A_234 = arith.constant 0 : i32
          %dma_start3A_235 = tpu.memref_slice %arg3[%arg1, %add3A_223, %dma_start3A_234] : memref<16x80x128xi32, #tpu.memory_space<hbm>> -> memref<1x1x128xi32, #tpu.memory_space<hbm>>
          %dma_start3A_236 = tpu.memref_squeeze %dma_start3A_235 : memref<1x1x128xi32, #tpu.memory_space<hbm>> -> memref<128xi32, #tpu.memory_space<hbm>>
          tpu.enqueue_dma source(%dma_start3A_236 : memref<128xi32, #tpu.memory_space<hbm>>) target(%dma_start3A_233 : memref<128xi32, #tpu.memory_space<vmem>>) target_semaphore(%arg16 : memref<!tpu.dma_semaphore, #tpu.memory_space<semaphore_mem>>)
        } else {
        }
        %run_scoped3A_220 = arith.constant 3 : i32
        "tpu.region"() ({
          %run_scoped3A_222 = tpu.sem_alloc : memref<!tpu.dma_semaphore, #tpu.memory_space<semaphore_mem>>
          %dma_start3A_223 = arith.constant 0 : i32
          %dma_start3A_224 = tpu.memref_slice %arg9[%run_scoped3A_220, %dma_start3A_223] : memref<4x128xi32, #tpu.memory_space<vmem>> -> memref<1x128xi32, #tpu.memory_space<vmem>>
          %dma_start3A_225 = tpu.memref_squeeze %dma_start3A_224 : memref<1x128xi32, #tpu.memory_space<vmem>> -> memref<128xi32, #tpu.memory_space<vmem>>
          %dma_start3A_226 = arith.constant 0 : i32
          %dma_start3A_227 = arith.constant 0 : i32
          %dma_start3A_228 = tpu.memref_slice %arg12[%dma_start3A_226, %dma_start3A_227] : memref<10016x128xf32, #tpu.memory_space<vmem_shared>> -> memref<10016x128xf32, #tpu.memory_space<vmem_shared>>
          tpu.enqueue_indirect_dma source(%arg11 : memref<128x128xf32, #tpu.memory_space<vmem>>) target(%dma_start3A_228 : memref<10016x128xf32, #tpu.memory_space<vmem_shared>>) offsets(%dma_start3A_225 : memref<128xi32, #tpu.memory_space<vmem>>) semaphore(%run_scoped3A_222 : memref<!tpu.dma_semaphore, #tpu.memory_space<semaphore_mem>>) {add = true}
          %dma_wait3A_229 = arith.constant 0 : i32
          %dma_wait3A_230 = tpu.memref_slice %arg9[%run_scoped3A_220, %dma_wait3A_229] : memref<4x128xi32, #tpu.memory_space<vmem>> -> memref<1x128xi32, #tpu.memory_space<vmem>>
          %dma_wait3A_231 = tpu.memref_squeeze %dma_wait3A_230 : memref<1x128xi32, #tpu.memory_space<vmem>> -> memref<128xi32, #tpu.memory_space<vmem>>
          %dma_wait3A_232 = arith.constant 0 : i32
          %dma_wait3A_233 = arith.constant 0 : i32
          %dma_wait3A_234 = tpu.memref_slice %arg12[%dma_wait3A_232, %dma_wait3A_233] : memref<10016x128xf32, #tpu.memory_space<vmem_shared>> -> memref<10016x128xf32, #tpu.memory_space<vmem_shared>>
          tpu.wait_indirect_dma semaphore(%run_scoped3A_222 : memref<!tpu.dma_semaphore, #tpu.memory_space<semaphore_mem>>) src(%arg11 : memref<128x128xf32, #tpu.memory_space<vmem>>) dst(%dma_wait3A_234 : memref<10016x128xf32, #tpu.memory_space<vmem_shared>>)
          tpu.yield
        }) : () -> ()
        %scan3A_221 = arith.constant 0 : i32
        scf.yield %scan3A_221 : i32
      }
      %scan3A_58 = arith.constant 20 : i32
      %barrier3A_59 = arith.constant 0 : index
      tpu.barrier barrier_id(%barrier3A_59)
      %scan3A_60 = arith.constant 0 : i32
      %scan3A_61 = arith.constant 0 : i32
      %scan3A_62 = arith.constant 26 : i32
      %scan3A_63 = arith.addi %scan3A_61, %scan3A_62 : i32
      %scan3A_64 = arith.constant 1 : i32
      %scan3A_65 = scf.for %scan3A_72 = %scan3A_61 to %scan3A_63 step %scan3A_64 iter_args(%scan3A_73 = %scan3A_60) -> (i32)  : i32 {
        %mul3A = arith.constant 624 : i32
        %mul3A_74 = arith.muli %arg1, %mul3A : i32
        %mul3A_75 = arith.constant 24 : i32
        %mul3A_76 = arith.muli %scan3A_72, %mul3A_75 : i32
        %add3A = arith.addi %mul3A_74, %mul3A_76 : i32
        %multiple_of3A = tpu.assume_multiple %add3A, 8 : i32
        "tpu.region"() ({
          %run_scoped3A = tpu.sem_alloc : memref<!tpu.dma_semaphore, #tpu.memory_space<semaphore_mem>>
          %dma_start3A_78 = arith.constant 0 : i32
          %dma_start3A_79 = arith.constant 0 : i32
          %dma_start3A_80 = tpu.memref_slice %arg11[%dma_start3A_78, %dma_start3A_79] : memref<128x128xf32, #tpu.memory_space<vmem>> -> memref<24x128xf32, #tpu.memory_space<vmem>>
          %dma_start3A_81 = arith.constant 0 : i32
          %dma_start3A_82 = tpu.memref_slice %arg12[%multiple_of3A, %dma_start3A_81] : memref<10016x128xf32, #tpu.memory_space<vmem_shared>> -> memref<24x128xf32, #tpu.memory_space<vmem_shared>>
          %dma_start3A_83 = arith.constant 0 : i32
          %dma_start3A_84 = arith.constant 0 : i32
          %dma_start3A_85 = tpu.memref_slice %arg11[%dma_start3A_83, %dma_start3A_84] : memref<128x128xf32, #tpu.memory_space<vmem>> -> memref<24x128xf32, #tpu.memory_space<vmem>>
          %dma_start3A_86 = arith.constant 0 : i32
          %dma_start3A_87 = tpu.memref_slice %arg12[%multiple_of3A, %dma_start3A_86] : memref<10016x128xf32, #tpu.memory_space<vmem_shared>> -> memref<24x128xf32, #tpu.memory_space<vmem_shared>>
          tpu.enqueue_dma source(%dma_start3A_87 : memref<24x128xf32, #tpu.memory_space<vmem_shared>>) target(%dma_start3A_85 : memref<24x128xf32, #tpu.memory_space<vmem>>) target_semaphore(%run_scoped3A : memref<!tpu.dma_semaphore, #tpu.memory_space<semaphore_mem>>)
          %dma_wait3A = arith.constant 0 : i32
          %dma_wait3A_88 = arith.constant 0 : i32
          %dma_wait3A_89 = tpu.memref_slice %arg11[%dma_wait3A, %dma_wait3A_88] : memref<128x128xf32, #tpu.memory_space<vmem>> -> memref<24x128xf32, #tpu.memory_space<vmem>>
          %dma_wait3A_90 = arith.constant 0 : i32
          %dma_wait3A_91 = tpu.memref_slice %arg12[%multiple_of3A, %dma_wait3A_90] : memref<10016x128xf32, #tpu.memory_space<vmem_shared>> -> memref<24x128xf32, #tpu.memory_space<vmem_shared>>
          %dma_wait3A_92 = arith.constant 0 : i32
          %dma_wait3A_93 = arith.constant 0 : i32
          %dma_wait3A_94 = tpu.memref_slice %arg11[%dma_wait3A_92, %dma_wait3A_93] : memref<128x128xf32, #tpu.memory_space<vmem>> -> memref<24x128xf32, #tpu.memory_space<vmem>>
          %dma_wait3A_95 = arith.constant 0 : i32
          %dma_wait3A_96 = tpu.memref_slice %arg12[%multiple_of3A, %dma_wait3A_95] : memref<10016x128xf32, #tpu.memory_space<vmem_shared>> -> memref<24x128xf32, #tpu.memory_space<vmem_shared>>
          tpu.wait_dma2 semaphore(%run_scoped3A : memref<!tpu.dma_semaphore, #tpu.memory_space<semaphore_mem>>) src(%dma_wait3A_96 : memref<24x128xf32, #tpu.memory_space<vmem_shared>>) dst(%dma_wait3A_94 : memref<24x128xf32, #tpu.memory_space<vmem>>)
          tpu.yield
        }) : () -> ()
        "tpu.region"() ({
          %run_scoped3A = tpu.sem_alloc : memref<!tpu.dma_semaphore, #tpu.memory_space<semaphore_mem>>
          %dma_start3A_78 = arith.constant 0 : i32
          %dma_start3A_79 = arith.constant 0 : i32
          %dma_start3A_80 = tpu.memref_slice %arg11[%dma_start3A_78, %dma_start3A_79] : memref<128x128xf32, #tpu.memory_space<vmem>> -> memref<24x128xf32, #tpu.memory_space<vmem>>
          %dma_start3A_81 = arith.constant 0 : i32
          %dma_start3A_82 = tpu.memref_slice %arg6[%multiple_of3A, %dma_start3A_81] : memref<10000x128xf32, #tpu.memory_space<hbm>> -> memref<24x128xf32, #tpu.memory_space<hbm>>
          %dma_start3A_83 = arith.constant 0 : i32
          %dma_start3A_84 = tpu.memref_slice %arg6[%multiple_of3A, %dma_start3A_83] : memref<10000x128xf32, #tpu.memory_space<hbm>> -> memref<24x128xf32, #tpu.memory_space<hbm>>
          %dma_start3A_85 = arith.constant 0 : i32
          %dma_start3A_86 = arith.constant 0 : i32
          %dma_start3A_87 = tpu.memref_slice %arg11[%dma_start3A_85, %dma_start3A_86] : memref<128x128xf32, #tpu.memory_space<vmem>> -> memref<24x128xf32, #tpu.memory_space<vmem>>
          tpu.enqueue_dma source(%dma_start3A_87 : memref<24x128xf32, #tpu.memory_space<vmem>>) target(%dma_start3A_84 : memref<24x128xf32, #tpu.memory_space<hbm>>) target_semaphore(%run_scoped3A : memref<!tpu.dma_semaphore, #tpu.memory_space<semaphore_mem>>)
          %dma_wait3A = arith.constant 0 : i32
          %dma_wait3A_88 = arith.constant 0 : i32
          %dma_wait3A_89 = tpu.memref_slice %arg11[%dma_wait3A, %dma_wait3A_88] : memref<128x128xf32, #tpu.memory_space<vmem>> -> memref<24x128xf32, #tpu.memory_space<vmem>>
          %dma_wait3A_90 = arith.constant 0 : i32
          %dma_wait3A_91 = tpu.memref_slice %arg6[%multiple_of3A, %dma_wait3A_90] : memref<10000x128xf32, #tpu.memory_space<hbm>> -> memref<24x128xf32, #tpu.memory_space<hbm>>
          %dma_wait3A_92 = arith.constant 0 : i32
          %dma_wait3A_93 = tpu.memref_slice %arg6[%multiple_of3A, %dma_wait3A_92] : memref<10000x128xf32, #tpu.memory_space<hbm>> -> memref<24x128xf32, #tpu.memory_space<hbm>>
          %dma_wait3A_94 = arith.constant 0 : i32
          %dma_wait3A_95 = arith.constant 0 : i32
          %dma_wait3A_96 = tpu.memref_slice %arg11[%dma_wait3A_94, %dma_wait3A_95] : memref<128x128xf32, #tpu.memory_space<vmem>> -> memref<24x128xf32, #tpu.memory_space<vmem>>
          tpu.wait_dma2 semaphore(%run_scoped3A : memref<!tpu.dma_semaphore, #tpu.memory_space<semaphore_mem>>) src(%dma_wait3A_96 : memref<24x128xf32, #tpu.memory_space<vmem>>) dst(%dma_wait3A_93 : memref<24x128xf32, #tpu.memory_space<hbm>>)
          tpu.yield
        }) : () -> ()
        %scan3A_77 = arith.constant 0 : i32
        scf.yield %scan3A_77 : i32
      }
      %scan3A_66 = arith.constant 26 : i32
      %eq3A_67 = arith.constant 0 : i32
      %eq3A_68 = arith.cmpi eq, %arg1, %eq3A_67 : i32
      %convert_element_type3A_69 = arith.extui %eq3A_68 : i1 to i32
      %cond3A_70 = arith.constant 0 : i32
      %cond3A_71 = arith.cmpi ne, %convert_element_type3A_69, %cond3A_70 : i32
      scf.if %cond3A_71 {
        "tpu.region"() ({
          %run_scoped3A = tpu.sem_alloc : memref<!tpu.dma_semaphore, #tpu.memory_space<semaphore_mem>>
          %dma_start3A_72 = arith.constant 0 : i32
          %dma_start3A_73 = arith.constant 0 : i32
          %dma_start3A_74 = tpu.memref_slice %arg11[%dma_start3A_72, %dma_start3A_73] : memref<128x128xf32, #tpu.memory_space<vmem>> -> memref<16x128xf32, #tpu.memory_space<vmem>>
          %dma_start3A_75 = arith.constant 9984 : i32
          %dma_start3A_76 = arith.constant 0 : i32
          %dma_start3A_77 = tpu.memref_slice %arg12[%dma_start3A_75, %dma_start3A_76] : memref<10016x128xf32, #tpu.memory_space<vmem_shared>> -> memref<16x128xf32, #tpu.memory_space<vmem_shared>>
          %dma_start3A_78 = arith.constant 0 : i32
          %dma_start3A_79 = arith.constant 0 : i32
          %dma_start3A_80 = tpu.memref_slice %arg11[%dma_start3A_78, %dma_start3A_79] : memref<128x128xf32, #tpu.memory_space<vmem>> -> memref<16x128xf32, #tpu.memory_space<vmem>>
          %dma_start3A_81 = arith.constant 9984 : i32
          %dma_start3A_82 = arith.constant 0 : i32
          %dma_start3A_83 = tpu.memref_slice %arg12[%dma_start3A_81, %dma_start3A_82] : memref<10016x128xf32, #tpu.memory_space<vmem_shared>> -> memref<16x128xf32, #tpu.memory_space<vmem_shared>>
          tpu.enqueue_dma source(%dma_start3A_83 : memref<16x128xf32, #tpu.memory_space<vmem_shared>>) target(%dma_start3A_80 : memref<16x128xf32, #tpu.memory_space<vmem>>) target_semaphore(%run_scoped3A : memref<!tpu.dma_semaphore, #tpu.memory_space<semaphore_mem>>)
          %dma_wait3A = arith.constant 0 : i32
          %dma_wait3A_84 = arith.constant 0 : i32
          %dma_wait3A_85 = tpu.memref_slice %arg11[%dma_wait3A, %dma_wait3A_84] : memref<128x128xf32, #tpu.memory_space<vmem>> -> memref<16x128xf32, #tpu.memory_space<vmem>>
          %dma_wait3A_86 = arith.constant 9984 : i32
          %dma_wait3A_87 = arith.constant 0 : i32
          %dma_wait3A_88 = tpu.memref_slice %arg12[%dma_wait3A_86, %dma_wait3A_87] : memref<10016x128xf32, #tpu.memory_space<vmem_shared>> -> memref<16x128xf32, #tpu.memory_space<vmem_shared>>
          %dma_wait3A_89 = arith.constant 0 : i32
          %dma_wait3A_90 = arith.constant 0 : i32
          %dma_wait3A_91 = tpu.memref_slice %arg11[%dma_wait3A_89, %dma_wait3A_90] : memref<128x128xf32, #tpu.memory_space<vmem>> -> memref<16x128xf32, #tpu.memory_space<vmem>>
          %dma_wait3A_92 = arith.constant 9984 : i32
          %dma_wait3A_93 = arith.constant 0 : i32
          %dma_wait3A_94 = tpu.memref_slice %arg12[%dma_wait3A_92, %dma_wait3A_93] : memref<10016x128xf32, #tpu.memory_space<vmem_shared>> -> memref<16x128xf32, #tpu.memory_space<vmem_shared>>
          tpu.wait_dma2 semaphore(%run_scoped3A : memref<!tpu.dma_semaphore, #tpu.memory_space<semaphore_mem>>) src(%dma_wait3A_94 : memref<16x128xf32, #tpu.memory_space<vmem_shared>>) dst(%dma_wait3A_91 : memref<16x128xf32, #tpu.memory_space<vmem>>)
          tpu.yield
        }) : () -> ()
        "tpu.region"() ({
          %run_scoped3A = tpu.sem_alloc : memref<!tpu.dma_semaphore, #tpu.memory_space<semaphore_mem>>
          %dma_start3A_72 = arith.constant 0 : i32
          %dma_start3A_73 = arith.constant 0 : i32
          %dma_start3A_74 = tpu.memref_slice %arg11[%dma_start3A_72, %dma_start3A_73] : memref<128x128xf32, #tpu.memory_space<vmem>> -> memref<16x128xf32, #tpu.memory_space<vmem>>
          %dma_start3A_75 = arith.constant 9984 : i32
          %dma_start3A_76 = arith.constant 0 : i32
          %dma_start3A_77 = tpu.memref_slice %arg6[%dma_start3A_75, %dma_start3A_76] : memref<10000x128xf32, #tpu.memory_space<hbm>> -> memref<16x128xf32, #tpu.memory_space<hbm>>
          %dma_start3A_78 = arith.constant 9984 : i32
          %dma_start3A_79 = arith.constant 0 : i32
          %dma_start3A_80 = tpu.memref_slice %arg6[%dma_start3A_78, %dma_start3A_79] : memref<10000x128xf32, #tpu.memory_space<hbm>> -> memref<16x128xf32, #tpu.memory_space<hbm>>
          %dma_start3A_81 = arith.constant 0 : i32
          %dma_start3A_82 = arith.constant 0 : i32
          %dma_start3A_83 = tpu.memref_slice %arg11[%dma_start3A_81, %dma_start3A_82] : memref<128x128xf32, #tpu.memory_space<vmem>> -> memref<16x128xf32, #tpu.memory_space<vmem>>
          tpu.enqueue_dma source(%dma_start3A_83 : memref<16x128xf32, #tpu.memory_space<vmem>>) target(%dma_start3A_80 : memref<16x128xf32, #tpu.memory_space<hbm>>) target_semaphore(%run_scoped3A : memref<!tpu.dma_semaphore, #tpu.memory_space<semaphore_mem>>)
          %dma_wait3A = arith.constant 0 : i32
          %dma_wait3A_84 = arith.constant 0 : i32
          %dma_wait3A_85 = tpu.memref_slice %arg11[%dma_wait3A, %dma_wait3A_84] : memref<128x128xf32, #tpu.memory_space<vmem>> -> memref<16x128xf32, #tpu.memory_space<vmem>>
          %dma_wait3A_86 = arith.constant 9984 : i32
          %dma_wait3A_87 = arith.constant 0 : i32
          %dma_wait3A_88 = tpu.memref_slice %arg6[%dma_wait3A_86, %dma_wait3A_87] : memref<10000x128xf32, #tpu.memory_space<hbm>> -> memref<16x128xf32, #tpu.memory_space<hbm>>
          %dma_wait3A_89 = arith.constant 9984 : i32
          %dma_wait3A_90 = arith.constant 0 : i32
          %dma_wait3A_91 = tpu.memref_slice %arg6[%dma_wait3A_89, %dma_wait3A_90] : memref<10000x128xf32, #tpu.memory_space<hbm>> -> memref<16x128xf32, #tpu.memory_space<hbm>>
          %dma_wait3A_92 = arith.constant 0 : i32
          %dma_wait3A_93 = arith.constant 0 : i32
          %dma_wait3A_94 = tpu.memref_slice %arg11[%dma_wait3A_92, %dma_wait3A_93] : memref<128x128xf32, #tpu.memory_space<vmem>> -> memref<16x128xf32, #tpu.memory_space<vmem>>
          tpu.wait_dma2 semaphore(%run_scoped3A : memref<!tpu.dma_semaphore, #tpu.memory_space<semaphore_mem>>) src(%dma_wait3A_94 : memref<16x128xf32, #tpu.memory_space<vmem>>) dst(%dma_wait3A_91 : memref<16x128xf32, #tpu.memory_space<hbm>>)
          tpu.yield
        }) : () -> ()
      } else {
      }
    } else {
    }
    %eq3A_2 = arith.constant 1 : i32
    %eq3A_3 = arith.cmpi eq, %arg0, %eq3A_2 : i32
    %convert_element_type3A_4 = arith.extui %eq3A_3 : i1 to i32
    %cond3A_5 = arith.constant 0 : i32
    %cond3A_6 = arith.cmpi ne, %convert_element_type3A_4, %cond3A_5 : i32
    scf.if %cond3A_6 {
      "tpu.region"() ({
        %run_scoped3A = tpu.sem_alloc : memref<!tpu.dma_semaphore, #tpu.memory_space<semaphore_mem>>
        %dma_start3A_72 = arith.constant 0 : i32
        %dma_start3A_73 = arith.constant 0 : i32
        %dma_start3A_74 = tpu.memref_slice %arg2[%arg1, %dma_start3A_72, %dma_start3A_73] : memref<16x80x128xi32, #tpu.memory_space<hbm>> -> memref<1x80x128xi32, #tpu.memory_space<hbm>>
        %dma_start3A_75 = tpu.memref_squeeze %dma_start3A_74 : memref<1x80x128xi32, #tpu.memory_space<hbm>> -> memref<80x128xi32, #tpu.memory_space<hbm>>
        %dma_start3A_76 = arith.constant 0 : i32
        %dma_start3A_77 = arith.constant 0 : i32
        %dma_start3A_78 = tpu.memref_slice %arg2[%arg1, %dma_start3A_76, %dma_start3A_77] : memref<16x80x128xi32, #tpu.memory_space<hbm>> -> memref<1x80x128xi32, #tpu.memory_space<hbm>>
        %dma_start3A_79 = tpu.memref_squeeze %dma_start3A_78 : memref<1x80x128xi32, #tpu.memory_space<hbm>> -> memref<80x128xi32, #tpu.memory_space<hbm>>
        tpu.enqueue_dma source(%dma_start3A_79 : memref<80x128xi32, #tpu.memory_space<hbm>>) target(%arg8 : memref<80x128xi32, #tpu.memory_space<vmem>>) target_semaphore(%run_scoped3A : memref<!tpu.dma_semaphore, #tpu.memory_space<semaphore_mem>>)
        %dma_wait3A = arith.constant 0 : i32
        %dma_wait3A_80 = arith.constant 0 : i32
        %dma_wait3A_81 = tpu.memref_slice %arg2[%arg1, %dma_wait3A, %dma_wait3A_80] : memref<16x80x128xi32, #tpu.memory_space<hbm>> -> memref<1x80x128xi32, #tpu.memory_space<hbm>>
        %dma_wait3A_82 = tpu.memref_squeeze %dma_wait3A_81 : memref<1x80x128xi32, #tpu.memory_space<hbm>> -> memref<80x128xi32, #tpu.memory_space<hbm>>
        %dma_wait3A_83 = arith.constant 0 : i32
        %dma_wait3A_84 = arith.constant 0 : i32
        %dma_wait3A_85 = tpu.memref_slice %arg2[%arg1, %dma_wait3A_83, %dma_wait3A_84] : memref<16x80x128xi32, #tpu.memory_space<hbm>> -> memref<1x80x128xi32, #tpu.memory_space<hbm>>
        %dma_wait3A_86 = tpu.memref_squeeze %dma_wait3A_85 : memref<1x80x128xi32, #tpu.memory_space<hbm>> -> memref<80x128xi32, #tpu.memory_space<hbm>>
        tpu.wait_dma2 semaphore(%run_scoped3A : memref<!tpu.dma_semaphore, #tpu.memory_space<semaphore_mem>>) src(%dma_wait3A_86 : memref<80x128xi32, #tpu.memory_space<hbm>>) dst(%arg8 : memref<80x128xi32, #tpu.memory_space<vmem>>)
        tpu.yield
      }) : () -> ()
      %dma_start3A = arith.constant 0 : i32
      %dma_start3A_7 = arith.constant 0 : i32
      %dma_start3A_8 = arith.constant 0 : i32
      %dma_start3A_9 = tpu.memref_slice %arg9[%dma_start3A_7, %dma_start3A_8] : memref<4x128xi32, #tpu.memory_space<vmem>> -> memref<1x128xi32, #tpu.memory_space<vmem>>
      %dma_start3A_10 = tpu.memref_squeeze %dma_start3A_9 : memref<1x128xi32, #tpu.memory_space<vmem>> -> memref<128xi32, #tpu.memory_space<vmem>>
      %dma_start3A_11 = arith.constant 0 : i32
      %dma_start3A_12 = tpu.memref_slice %arg3[%arg1, %dma_start3A, %dma_start3A_11] : memref<16x80x128xi32, #tpu.memory_space<hbm>> -> memref<1x1x128xi32, #tpu.memory_space<hbm>>
      %dma_start3A_13 = tpu.memref_squeeze %dma_start3A_12 : memref<1x1x128xi32, #tpu.memory_space<hbm>> -> memref<128xi32, #tpu.memory_space<hbm>>
      %dma_start3A_14 = arith.constant 0 : i32
      %dma_start3A_15 = tpu.memref_slice %arg9[%dma_start3A_7, %dma_start3A_14] : memref<4x128xi32, #tpu.memory_space<vmem>> -> memref<1x128xi32, #tpu.memory_space<vmem>>
      %dma_start3A_16 = tpu.memref_squeeze %dma_start3A_15 : memref<1x128xi32, #tpu.memory_space<vmem>> -> memref<128xi32, #tpu.memory_space<vmem>>
      %dma_start3A_17 = arith.constant 0 : i32
      %dma_start3A_18 = tpu.memref_slice %arg3[%arg1, %dma_start3A, %dma_start3A_17] : memref<16x80x128xi32, #tpu.memory_space<hbm>> -> memref<1x1x128xi32, #tpu.memory_space<hbm>>
      %dma_start3A_19 = tpu.memref_squeeze %dma_start3A_18 : memref<1x1x128xi32, #tpu.memory_space<hbm>> -> memref<128xi32, #tpu.memory_space<hbm>>
      tpu.enqueue_dma source(%dma_start3A_19 : memref<128xi32, #tpu.memory_space<hbm>>) target(%dma_start3A_16 : memref<128xi32, #tpu.memory_space<vmem>>) target_semaphore(%arg15 : memref<!tpu.dma_semaphore, #tpu.memory_space<semaphore_mem>>)
      %dma_start3A_20 = arith.constant 1 : i32
      %dma_start3A_21 = arith.constant 1 : i32
      %dma_start3A_22 = arith.constant 0 : i32
      %dma_start3A_23 = tpu.memref_slice %arg9[%dma_start3A_21, %dma_start3A_22] : memref<4x128xi32, #tpu.memory_space<vmem>> -> memref<1x128xi32, #tpu.memory_space<vmem>>
      %dma_start3A_24 = tpu.memref_squeeze %dma_start3A_23 : memref<1x128xi32, #tpu.memory_space<vmem>> -> memref<128xi32, #tpu.memory_space<vmem>>
      %dma_start3A_25 = arith.constant 0 : i32
      %dma_start3A_26 = tpu.memref_slice %arg3[%arg1, %dma_start3A_20, %dma_start3A_25] : memref<16x80x128xi32, #tpu.memory_space<hbm>> -> memref<1x1x128xi32, #tpu.memory_space<hbm>>
      %dma_start3A_27 = tpu.memref_squeeze %dma_start3A_26 : memref<1x1x128xi32, #tpu.memory_space<hbm>> -> memref<128xi32, #tpu.memory_space<hbm>>
      %dma_start3A_28 = arith.constant 0 : i32
      %dma_start3A_29 = tpu.memref_slice %arg9[%dma_start3A_21, %dma_start3A_28] : memref<4x128xi32, #tpu.memory_space<vmem>> -> memref<1x128xi32, #tpu.memory_space<vmem>>
      %dma_start3A_30 = tpu.memref_squeeze %dma_start3A_29 : memref<1x128xi32, #tpu.memory_space<vmem>> -> memref<128xi32, #tpu.memory_space<vmem>>
      %dma_start3A_31 = arith.constant 0 : i32
      %dma_start3A_32 = tpu.memref_slice %arg3[%arg1, %dma_start3A_20, %dma_start3A_31] : memref<16x80x128xi32, #tpu.memory_space<hbm>> -> memref<1x1x128xi32, #tpu.memory_space<hbm>>
      %dma_start3A_33 = tpu.memref_squeeze %dma_start3A_32 : memref<1x1x128xi32, #tpu.memory_space<hbm>> -> memref<128xi32, #tpu.memory_space<hbm>>
      tpu.enqueue_dma source(%dma_start3A_33 : memref<128xi32, #tpu.memory_space<hbm>>) target(%dma_start3A_30 : memref<128xi32, #tpu.memory_space<vmem>>) target_semaphore(%arg16 : memref<!tpu.dma_semaphore, #tpu.memory_space<semaphore_mem>>)
      %dma_start3A_34 = arith.constant 0 : i32
      %dma_start3A_35 = arith.constant 0 : i32
      %dma_start3A_36 = tpu.memref_slice %arg8[%dma_start3A_34, %dma_start3A_35] : memref<80x128xi32, #tpu.memory_space<vmem>> -> memref<1x128xi32, #tpu.memory_space<vmem>>
      %dma_start3A_37 = tpu.memref_squeeze %dma_start3A_36 : memref<1x128xi32, #tpu.memory_space<vmem>> -> memref<128xi32, #tpu.memory_space<vmem>>
      %dma_start3A_38 = arith.constant 0 : i32
      %dma_start3A_39 = arith.constant 0 : i32
      %dma_start3A_40 = tpu.memref_slice %arg5[%dma_start3A_38, %dma_start3A_39] : memref<10016x128xf32, #tpu.memory_space<hbm>> -> memref<10016x128xf32, #tpu.memory_space<hbm>>
      tpu.enqueue_indirect_dma source(%dma_start3A_40 : memref<10016x128xf32, #tpu.memory_space<hbm>>) target(%arg10 : memref<128x128xf32, #tpu.memory_space<vmem>>) offsets(%dma_start3A_37 : memref<128xi32, #tpu.memory_space<vmem>>) semaphore(%arg13 : memref<!tpu.dma_semaphore, #tpu.memory_space<semaphore_mem>>)
      %scan3A = arith.constant 0 : i32
      %scan3A_41 = arith.constant 0 : i32
      %scan3A_42 = arith.constant 26 : i32
      %scan3A_43 = arith.addi %scan3A_41, %scan3A_42 : i32
      %scan3A_44 = arith.constant 1 : i32
      %scan3A_45 = scf.for %scan3A_72 = %scan3A_41 to %scan3A_43 step %scan3A_44 iter_args(%scan3A_73 = %scan3A) -> (i32)  : i32 {
        %mul3A = arith.constant 624 : i32
        %mul3A_74 = arith.muli %arg1, %mul3A : i32
        %mul3A_75 = arith.constant 24 : i32
        %mul3A_76 = arith.muli %scan3A_72, %mul3A_75 : i32
        %add3A = arith.addi %mul3A_74, %mul3A_76 : i32
        %multiple_of3A = tpu.assume_multiple %add3A, 8 : i32
        "tpu.region"() ({
          %run_scoped3A = tpu.sem_alloc : memref<!tpu.dma_semaphore, #tpu.memory_space<semaphore_mem>>
          %dma_start3A_78 = arith.constant 0 : i32
          %dma_start3A_79 = arith.constant 0 : i32
          %dma_start3A_80 = tpu.memref_slice %arg11[%dma_start3A_78, %dma_start3A_79] : memref<128x128xf32, #tpu.memory_space<vmem>> -> memref<24x128xf32, #tpu.memory_space<vmem>>
          %dma_start3A_81 = arith.constant 0 : i32
          %dma_start3A_82 = tpu.memref_slice %arg5[%multiple_of3A, %dma_start3A_81] : memref<10016x128xf32, #tpu.memory_space<hbm>> -> memref<24x128xf32, #tpu.memory_space<hbm>>
          %dma_start3A_83 = arith.constant 0 : i32
          %dma_start3A_84 = arith.constant 0 : i32
          %dma_start3A_85 = tpu.memref_slice %arg11[%dma_start3A_83, %dma_start3A_84] : memref<128x128xf32, #tpu.memory_space<vmem>> -> memref<24x128xf32, #tpu.memory_space<vmem>>
          %dma_start3A_86 = arith.constant 0 : i32
          %dma_start3A_87 = tpu.memref_slice %arg5[%multiple_of3A, %dma_start3A_86] : memref<10016x128xf32, #tpu.memory_space<hbm>> -> memref<24x128xf32, #tpu.memory_space<hbm>>
          tpu.enqueue_dma source(%dma_start3A_87 : memref<24x128xf32, #tpu.memory_space<hbm>>) target(%dma_start3A_85 : memref<24x128xf32, #tpu.memory_space<vmem>>) target_semaphore(%run_scoped3A : memref<!tpu.dma_semaphore, #tpu.memory_space<semaphore_mem>>)
          %dma_wait3A = arith.constant 0 : i32
          %dma_wait3A_88 = arith.constant 0 : i32
          %dma_wait3A_89 = tpu.memref_slice %arg11[%dma_wait3A, %dma_wait3A_88] : memref<128x128xf32, #tpu.memory_space<vmem>> -> memref<24x128xf32, #tpu.memory_space<vmem>>
          %dma_wait3A_90 = arith.constant 0 : i32
          %dma_wait3A_91 = tpu.memref_slice %arg5[%multiple_of3A, %dma_wait3A_90] : memref<10016x128xf32, #tpu.memory_space<hbm>> -> memref<24x128xf32, #tpu.memory_space<hbm>>
          %dma_wait3A_92 = arith.constant 0 : i32
          %dma_wait3A_93 = arith.constant 0 : i32
          %dma_wait3A_94 = tpu.memref_slice %arg11[%dma_wait3A_92, %dma_wait3A_93] : memref<128x128xf32, #tpu.memory_space<vmem>> -> memref<24x128xf32, #tpu.memory_space<vmem>>
          %dma_wait3A_95 = arith.constant 0 : i32
          %dma_wait3A_96 = tpu.memref_slice %arg5[%multiple_of3A, %dma_wait3A_95] : memref<10016x128xf32, #tpu.memory_space<hbm>> -> memref<24x128xf32, #tpu.memory_space<hbm>>
          tpu.wait_dma2 semaphore(%run_scoped3A : memref<!tpu.dma_semaphore, #tpu.memory_space<semaphore_mem>>) src(%dma_wait3A_96 : memref<24x128xf32, #tpu.memory_space<hbm>>) dst(%dma_wait3A_94 : memref<24x128xf32, #tpu.memory_space<vmem>>)
          tpu.yield
        }) : () -> ()
        "tpu.region"() ({
          %run_scoped3A = tpu.sem_alloc : memref<!tpu.dma_semaphore, #tpu.memory_space<semaphore_mem>>
          %dma_start3A_78 = arith.constant 0 : i32
          %dma_start3A_79 = arith.constant 0 : i32
          %dma_start3A_80 = tpu.memref_slice %arg11[%dma_start3A_78, %dma_start3A_79] : memref<128x128xf32, #tpu.memory_space<vmem>> -> memref<24x128xf32, #tpu.memory_space<vmem>>
          %dma_start3A_81 = arith.constant 0 : i32
          %dma_start3A_82 = tpu.memref_slice %arg12[%multiple_of3A, %dma_start3A_81] : memref<10016x128xf32, #tpu.memory_space<vmem_shared>> -> memref<24x128xf32, #tpu.memory_space<vmem_shared>>
          %dma_start3A_83 = arith.constant 0 : i32
          %dma_start3A_84 = tpu.memref_slice %arg12[%multiple_of3A, %dma_start3A_83] : memref<10016x128xf32, #tpu.memory_space<vmem_shared>> -> memref<24x128xf32, #tpu.memory_space<vmem_shared>>
          %dma_start3A_85 = arith.constant 0 : i32
          %dma_start3A_86 = arith.constant 0 : i32
          %dma_start3A_87 = tpu.memref_slice %arg11[%dma_start3A_85, %dma_start3A_86] : memref<128x128xf32, #tpu.memory_space<vmem>> -> memref<24x128xf32, #tpu.memory_space<vmem>>
          tpu.enqueue_dma source(%dma_start3A_87 : memref<24x128xf32, #tpu.memory_space<vmem>>) target(%dma_start3A_84 : memref<24x128xf32, #tpu.memory_space<vmem_shared>>) target_semaphore(%run_scoped3A : memref<!tpu.dma_semaphore, #tpu.memory_space<semaphore_mem>>)
          %dma_wait3A = arith.constant 0 : i32
          %dma_wait3A_88 = arith.constant 0 : i32
          %dma_wait3A_89 = tpu.memref_slice %arg11[%dma_wait3A, %dma_wait3A_88] : memref<128x128xf32, #tpu.memory_space<vmem>> -> memref<24x128xf32, #tpu.memory_space<vmem>>
          %dma_wait3A_90 = arith.constant 0 : i32
          %dma_wait3A_91 = tpu.memref_slice %arg12[%multiple_of3A, %dma_wait3A_90] : memref<10016x128xf32, #tpu.memory_space<vmem_shared>> -> memref<24x128xf32, #tpu.memory_space<vmem_shared>>
          %dma_wait3A_92 = arith.constant 0 : i32
          %dma_wait3A_93 = tpu.memref_slice %arg12[%multiple_of3A, %dma_wait3A_92] : memref<10016x128xf32, #tpu.memory_space<vmem_shared>> -> memref<24x128xf32, #tpu.memory_space<vmem_shared>>
          %dma_wait3A_94 = arith.constant 0 : i32
          %dma_wait3A_95 = arith.constant 0 : i32
          %dma_wait3A_96 = tpu.memref_slice %arg11[%dma_wait3A_94, %dma_wait3A_95] : memref<128x128xf32, #tpu.memory_space<vmem>> -> memref<24x128xf32, #tpu.memory_space<vmem>>
          tpu.wait_dma2 semaphore(%run_scoped3A : memref<!tpu.dma_semaphore, #tpu.memory_space<semaphore_mem>>) src(%dma_wait3A_96 : memref<24x128xf32, #tpu.memory_space<vmem>>) dst(%dma_wait3A_93 : memref<24x128xf32, #tpu.memory_space<vmem_shared>>)
          tpu.yield
        }) : () -> ()
        %scan3A_77 = arith.constant 0 : i32
        scf.yield %scan3A_77 : i32
      }
      %scan3A_46 = arith.constant 26 : i32
      %eq3A_47 = arith.constant 0 : i32
      %eq3A_48 = arith.cmpi eq, %arg1, %eq3A_47 : i32
      %convert_element_type3A_49 = arith.extui %eq3A_48 : i1 to i32
      %cond3A_50 = arith.constant 0 : i32
      %cond3A_51 = arith.cmpi ne, %convert_element_type3A_49, %cond3A_50 : i32
      scf.if %cond3A_51 {
        "tpu.region"() ({
          %run_scoped3A = tpu.sem_alloc : memref<!tpu.dma_semaphore, #tpu.memory_space<semaphore_mem>>
          %dma_start3A_72 = arith.constant 0 : i32
          %dma_start3A_73 = arith.constant 0 : i32
          %dma_start3A_74 = tpu.memref_slice %arg11[%dma_start3A_72, %dma_start3A_73] : memref<128x128xf32, #tpu.memory_space<vmem>> -> memref<16x128xf32, #tpu.memory_space<vmem>>
          %dma_start3A_75 = arith.constant 9984 : i32
          %dma_start3A_76 = arith.constant 0 : i32
          %dma_start3A_77 = tpu.memref_slice %arg5[%dma_start3A_75, %dma_start3A_76] : memref<10016x128xf32, #tpu.memory_space<hbm>> -> memref<16x128xf32, #tpu.memory_space<hbm>>
          %dma_start3A_78 = arith.constant 0 : i32
          %dma_start3A_79 = arith.constant 0 : i32
          %dma_start3A_80 = tpu.memref_slice %arg11[%dma_start3A_78, %dma_start3A_79] : memref<128x128xf32, #tpu.memory_space<vmem>> -> memref<16x128xf32, #tpu.memory_space<vmem>>
          %dma_start3A_81 = arith.constant 9984 : i32
          %dma_start3A_82 = arith.constant 0 : i32
          %dma_start3A_83 = tpu.memref_slice %arg5[%dma_start3A_81, %dma_start3A_82] : memref<10016x128xf32, #tpu.memory_space<hbm>> -> memref<16x128xf32, #tpu.memory_space<hbm>>
          tpu.enqueue_dma source(%dma_start3A_83 : memref<16x128xf32, #tpu.memory_space<hbm>>) target(%dma_start3A_80 : memref<16x128xf32, #tpu.memory_space<vmem>>) target_semaphore(%run_scoped3A : memref<!tpu.dma_semaphore, #tpu.memory_space<semaphore_mem>>)
          %dma_wait3A = arith.constant 0 : i32
          %dma_wait3A_84 = arith.constant 0 : i32
          %dma_wait3A_85 = tpu.memref_slice %arg11[%dma_wait3A, %dma_wait3A_84] : memref<128x128xf32, #tpu.memory_space<vmem>> -> memref<16x128xf32, #tpu.memory_space<vmem>>
          %dma_wait3A_86 = arith.constant 9984 : i32
          %dma_wait3A_87 = arith.constant 0 : i32
          %dma_wait3A_88 = tpu.memref_slice %arg5[%dma_wait3A_86, %dma_wait3A_87] : memref<10016x128xf32, #tpu.memory_space<hbm>> -> memref<16x128xf32, #tpu.memory_space<hbm>>
          %dma_wait3A_89 = arith.constant 0 : i32
          %dma_wait3A_90 = arith.constant 0 : i32
          %dma_wait3A_91 = tpu.memref_slice %arg11[%dma_wait3A_89, %dma_wait3A_90] : memref<128x128xf32, #tpu.memory_space<vmem>> -> memref<16x128xf32, #tpu.memory_space<vmem>>
          %dma_wait3A_92 = arith.constant 9984 : i32
          %dma_wait3A_93 = arith.constant 0 : i32
          %dma_wait3A_94 = tpu.memref_slice %arg5[%dma_wait3A_92, %dma_wait3A_93] : memref<10016x128xf32, #tpu.memory_space<hbm>> -> memref<16x128xf32, #tpu.memory_space<hbm>>
          tpu.wait_dma2 semaphore(%run_scoped3A : memref<!tpu.dma_semaphore, #tpu.memory_space<semaphore_mem>>) src(%dma_wait3A_94 : memref<16x128xf32, #tpu.memory_space<hbm>>) dst(%dma_wait3A_91 : memref<16x128xf32, #tpu.memory_space<vmem>>)
          tpu.yield
        }) : () -> ()
        "tpu.region"() ({
          %run_scoped3A = tpu.sem_alloc : memref<!tpu.dma_semaphore, #tpu.memory_space<semaphore_mem>>
          %dma_start3A_72 = arith.constant 0 : i32
          %dma_start3A_73 = arith.constant 0 : i32
          %dma_start3A_74 = tpu.memref_slice %arg11[%dma_start3A_72, %dma_start3A_73] : memref<128x128xf32, #tpu.memory_space<vmem>> -> memref<16x128xf32, #tpu.memory_space<vmem>>
          %dma_start3A_75 = arith.constant 9984 : i32
          %dma_start3A_76 = arith.constant 0 : i32
          %dma_start3A_77 = tpu.memref_slice %arg12[%dma_start3A_75, %dma_start3A_76] : memref<10016x128xf32, #tpu.memory_space<vmem_shared>> -> memref<16x128xf32, #tpu.memory_space<vmem_shared>>
          %dma_start3A_78 = arith.constant 9984 : i32
          %dma_start3A_79 = arith.constant 0 : i32
          %dma_start3A_80 = tpu.memref_slice %arg12[%dma_start3A_78, %dma_start3A_79] : memref<10016x128xf32, #tpu.memory_space<vmem_shared>> -> memref<16x128xf32, #tpu.memory_space<vmem_shared>>
          %dma_start3A_81 = arith.constant 0 : i32
          %dma_start3A_82 = arith.constant 0 : i32
          %dma_start3A_83 = tpu.memref_slice %arg11[%dma_start3A_81, %dma_start3A_82] : memref<128x128xf32, #tpu.memory_space<vmem>> -> memref<16x128xf32, #tpu.memory_space<vmem>>
          tpu.enqueue_dma source(%dma_start3A_83 : memref<16x128xf32, #tpu.memory_space<vmem>>) target(%dma_start3A_80 : memref<16x128xf32, #tpu.memory_space<vmem_shared>>) target_semaphore(%run_scoped3A : memref<!tpu.dma_semaphore, #tpu.memory_space<semaphore_mem>>)
          %dma_wait3A = arith.constant 0 : i32
          %dma_wait3A_84 = arith.constant 0 : i32
          %dma_wait3A_85 = tpu.memref_slice %arg11[%dma_wait3A, %dma_wait3A_84] : memref<128x128xf32, #tpu.memory_space<vmem>> -> memref<16x128xf32, #tpu.memory_space<vmem>>
          %dma_wait3A_86 = arith.constant 9984 : i32
          %dma_wait3A_87 = arith.constant 0 : i32
          %dma_wait3A_88 = tpu.memref_slice %arg12[%dma_wait3A_86, %dma_wait3A_87] : memref<10016x128xf32, #tpu.memory_space<vmem_shared>> -> memref<16x128xf32, #tpu.memory_space<vmem_shared>>
          %dma_wait3A_89 = arith.constant 9984 : i32
          %dma_wait3A_90 = arith.constant 0 : i32
          %dma_wait3A_91 = tpu.memref_slice %arg12[%dma_wait3A_89, %dma_wait3A_90] : memref<10016x128xf32, #tpu.memory_space<vmem_shared>> -> memref<16x128xf32, #tpu.memory_space<vmem_shared>>
          %dma_wait3A_92 = arith.constant 0 : i32
          %dma_wait3A_93 = arith.constant 0 : i32
          %dma_wait3A_94 = tpu.memref_slice %arg11[%dma_wait3A_92, %dma_wait3A_93] : memref<128x128xf32, #tpu.memory_space<vmem>> -> memref<16x128xf32, #tpu.memory_space<vmem>>
          tpu.wait_dma2 semaphore(%run_scoped3A : memref<!tpu.dma_semaphore, #tpu.memory_space<semaphore_mem>>) src(%dma_wait3A_94 : memref<16x128xf32, #tpu.memory_space<vmem>>) dst(%dma_wait3A_91 : memref<16x128xf32, #tpu.memory_space<vmem_shared>>)
          tpu.yield
        }) : () -> ()
      } else {
      }
      %barrier3A = arith.constant 0 : index
      tpu.barrier barrier_id(%barrier3A)
      %scan3A_52 = arith.constant 0 : i32
      %scan3A_53 = arith.constant 0 : i32
      %scan3A_54 = arith.constant 20 : i32
      %scan3A_55 = arith.addi %scan3A_53, %scan3A_54 : i32
      %scan3A_56 = arith.constant 1 : i32
      %scan3A_57 = scf.for %scan3A_72 = %scan3A_53 to %scan3A_55 step %scan3A_56 iter_args(%scan3A_73 = %scan3A_52) -> (i32)  : i32 {
        %mul3A = arith.constant 4 : i32
        %mul3A_74 = arith.muli %mul3A, %scan3A_72 : i32
        %add3A = arith.constant 0 : i32
        %add3A_75 = arith.addi %mul3A_74, %add3A : i32
        %add3A_76 = arith.constant 1 : i32
        %add3A_77 = arith.addi %add3A_75, %add3A_76 : i32
        %lt3A = arith.constant 80 : i32
        %lt3A_78 = arith.cmpi slt, %add3A_77, %lt3A : i32
        %convert_element_type3A_79 = arith.extui %lt3A_78 : i1 to i32
        %cond3A_80 = arith.constant 0 : i32
        %cond3A_81 = arith.cmpi ne, %convert_element_type3A_79, %cond3A_80 : i32
        scf.if %cond3A_81 {
          %add3A_222 = arith.constant 1 : i32
          %add3A_223 = arith.addi %add3A_75, %add3A_222 : i32
          %dma_start3A_224 = arith.constant 0 : i32
          %dma_start3A_225 = tpu.memref_slice %arg8[%add3A_223, %dma_start3A_224] : memref<80x128xi32, #tpu.memory_space<vmem>> -> memref<1x128xi32, #tpu.memory_space<vmem>>
          %dma_start3A_226 = tpu.memref_squeeze %dma_start3A_225 : memref<1x128xi32, #tpu.memory_space<vmem>> -> memref<128xi32, #tpu.memory_space<vmem>>
          %dma_start3A_227 = arith.constant 0 : i32
          %dma_start3A_228 = arith.constant 0 : i32
          %dma_start3A_229 = tpu.memref_slice %arg5[%dma_start3A_227, %dma_start3A_228] : memref<10016x128xf32, #tpu.memory_space<hbm>> -> memref<10016x128xf32, #tpu.memory_space<hbm>>
          tpu.enqueue_indirect_dma source(%dma_start3A_229 : memref<10016x128xf32, #tpu.memory_space<hbm>>) target(%arg11 : memref<128x128xf32, #tpu.memory_space<vmem>>) offsets(%dma_start3A_226 : memref<128xi32, #tpu.memory_space<vmem>>) semaphore(%arg14 : memref<!tpu.dma_semaphore, #tpu.memory_space<semaphore_mem>>)
        } else {
        }
        %dma_wait3A = arith.constant 0 : i32
        %dma_wait3A_82 = tpu.memref_slice %arg8[%add3A_75, %dma_wait3A] : memref<80x128xi32, #tpu.memory_space<vmem>> -> memref<1x128xi32, #tpu.memory_space<vmem>>
        %dma_wait3A_83 = tpu.memref_squeeze %dma_wait3A_82 : memref<1x128xi32, #tpu.memory_space<vmem>> -> memref<128xi32, #tpu.memory_space<vmem>>
        %dma_wait3A_84 = arith.constant 0 : i32
        %dma_wait3A_85 = arith.constant 0 : i32
        %dma_wait3A_86 = tpu.memref_slice %arg5[%dma_wait3A_84, %dma_wait3A_85] : memref<10016x128xf32, #tpu.memory_space<hbm>> -> memref<10016x128xf32, #tpu.memory_space<hbm>>
        tpu.wait_indirect_dma semaphore(%arg13 : memref<!tpu.dma_semaphore, #tpu.memory_space<semaphore_mem>>) src(%dma_wait3A_86 : memref<10016x128xf32, #tpu.memory_space<hbm>>) dst(%arg10 : memref<128x128xf32, #tpu.memory_space<vmem>>)
        %dma_wait3A_87 = arith.constant 0 : i32
        %dma_wait3A_88 = arith.constant 0 : i32
        %dma_wait3A_89 = tpu.memref_slice %arg9[%dma_wait3A_87, %dma_wait3A_88] : memref<4x128xi32, #tpu.memory_space<vmem>> -> memref<1x128xi32, #tpu.memory_space<vmem>>
        %dma_wait3A_90 = tpu.memref_squeeze %dma_wait3A_89 : memref<1x128xi32, #tpu.memory_space<vmem>> -> memref<128xi32, #tpu.memory_space<vmem>>
        %dma_wait3A_91 = arith.constant 0 : i32
        %dma_wait3A_92 = tpu.memref_slice %arg3[%arg1, %add3A_75, %dma_wait3A_91] : memref<16x80x128xi32, #tpu.memory_space<hbm>> -> memref<1x1x128xi32, #tpu.memory_space<hbm>>
        %dma_wait3A_93 = tpu.memref_squeeze %dma_wait3A_92 : memref<1x1x128xi32, #tpu.memory_space<hbm>> -> memref<128xi32, #tpu.memory_space<hbm>>
        %dma_wait3A_94 = arith.constant 0 : i32
        %dma_wait3A_95 = tpu.memref_slice %arg9[%dma_wait3A_87, %dma_wait3A_94] : memref<4x128xi32, #tpu.memory_space<vmem>> -> memref<1x128xi32, #tpu.memory_space<vmem>>
        %dma_wait3A_96 = tpu.memref_squeeze %dma_wait3A_95 : memref<1x128xi32, #tpu.memory_space<vmem>> -> memref<128xi32, #tpu.memory_space<vmem>>
        %dma_wait3A_97 = arith.constant 0 : i32
        %dma_wait3A_98 = tpu.memref_slice %arg3[%arg1, %add3A_75, %dma_wait3A_97] : memref<16x80x128xi32, #tpu.memory_space<hbm>> -> memref<1x1x128xi32, #tpu.memory_space<hbm>>
        %dma_wait3A_99 = tpu.memref_squeeze %dma_wait3A_98 : memref<1x1x128xi32, #tpu.memory_space<hbm>> -> memref<128xi32, #tpu.memory_space<hbm>>
        tpu.wait_dma2 semaphore(%arg15 : memref<!tpu.dma_semaphore, #tpu.memory_space<semaphore_mem>>) src(%dma_wait3A_99 : memref<128xi32, #tpu.memory_space<hbm>>) dst(%dma_wait3A_96 : memref<128xi32, #tpu.memory_space<vmem>>)
        %add3A_100 = arith.constant 2 : i32
        %add3A_101 = arith.addi %add3A_75, %add3A_100 : i32
        %lt3A_102 = arith.constant 80 : i32
        %lt3A_103 = arith.cmpi slt, %add3A_101, %lt3A_102 : i32
        %convert_element_type3A_104 = arith.extui %lt3A_103 : i1 to i32
        %cond3A_105 = arith.constant 0 : i32
        %cond3A_106 = arith.cmpi ne, %convert_element_type3A_104, %cond3A_105 : i32
        scf.if %cond3A_106 {
          %add3A_222 = arith.constant 2 : i32
          %add3A_223 = arith.addi %add3A_75, %add3A_222 : i32
          %dma_start3A_224 = arith.constant 2 : i32
          %dma_start3A_225 = arith.constant 0 : i32
          %dma_start3A_226 = tpu.memref_slice %arg9[%dma_start3A_224, %dma_start3A_225] : memref<4x128xi32, #tpu.memory_space<vmem>> -> memref<1x128xi32, #tpu.memory_space<vmem>>
          %dma_start3A_227 = tpu.memref_squeeze %dma_start3A_226 : memref<1x128xi32, #tpu.memory_space<vmem>> -> memref<128xi32, #tpu.memory_space<vmem>>
          %dma_start3A_228 = arith.constant 0 : i32
          %dma_start3A_229 = tpu.memref_slice %arg3[%arg1, %add3A_223, %dma_start3A_228] : memref<16x80x128xi32, #tpu.memory_space<hbm>> -> memref<1x1x128xi32, #tpu.memory_space<hbm>>
          %dma_start3A_230 = tpu.memref_squeeze %dma_start3A_229 : memref<1x1x128xi32, #tpu.memory_space<hbm>> -> memref<128xi32, #tpu.memory_space<hbm>>
          %dma_start3A_231 = arith.constant 0 : i32
          %dma_start3A_232 = tpu.memref_slice %arg9[%dma_start3A_224, %dma_start3A_231] : memref<4x128xi32, #tpu.memory_space<vmem>> -> memref<1x128xi32, #tpu.memory_space<vmem>>
          %dma_start3A_233 = tpu.memref_squeeze %dma_start3A_232 : memref<1x128xi32, #tpu.memory_space<vmem>> -> memref<128xi32, #tpu.memory_space<vmem>>
          %dma_start3A_234 = arith.constant 0 : i32
          %dma_start3A_235 = tpu.memref_slice %arg3[%arg1, %add3A_223, %dma_start3A_234] : memref<16x80x128xi32, #tpu.memory_space<hbm>> -> memref<1x1x128xi32, #tpu.memory_space<hbm>>
          %dma_start3A_236 = tpu.memref_squeeze %dma_start3A_235 : memref<1x1x128xi32, #tpu.memory_space<hbm>> -> memref<128xi32, #tpu.memory_space<hbm>>
          tpu.enqueue_dma source(%dma_start3A_236 : memref<128xi32, #tpu.memory_space<hbm>>) target(%dma_start3A_233 : memref<128xi32, #tpu.memory_space<vmem>>) target_semaphore(%arg17 : memref<!tpu.dma_semaphore, #tpu.memory_space<semaphore_mem>>)
        } else {
        }
        %run_scoped3A = arith.constant 0 : i32
        "tpu.region"() ({
          %run_scoped3A_222 = tpu.sem_alloc : memref<!tpu.dma_semaphore, #tpu.memory_space<semaphore_mem>>
          %dma_start3A_223 = arith.constant 0 : i32
          %dma_start3A_224 = tpu.memref_slice %arg9[%run_scoped3A, %dma_start3A_223] : memref<4x128xi32, #tpu.memory_space<vmem>> -> memref<1x128xi32, #tpu.memory_space<vmem>>
          %dma_start3A_225 = tpu.memref_squeeze %dma_start3A_224 : memref<1x128xi32, #tpu.memory_space<vmem>> -> memref<128xi32, #tpu.memory_space<vmem>>
          %dma_start3A_226 = arith.constant 0 : i32
          %dma_start3A_227 = arith.constant 0 : i32
          %dma_start3A_228 = tpu.memref_slice %arg12[%dma_start3A_226, %dma_start3A_227] : memref<10016x128xf32, #tpu.memory_space<vmem_shared>> -> memref<10016x128xf32, #tpu.memory_space<vmem_shared>>
          tpu.enqueue_indirect_dma source(%arg10 : memref<128x128xf32, #tpu.memory_space<vmem>>) target(%dma_start3A_228 : memref<10016x128xf32, #tpu.memory_space<vmem_shared>>) offsets(%dma_start3A_225 : memref<128xi32, #tpu.memory_space<vmem>>) semaphore(%run_scoped3A_222 : memref<!tpu.dma_semaphore, #tpu.memory_space<semaphore_mem>>) {add = true}
          %dma_wait3A_229 = arith.constant 0 : i32
          %dma_wait3A_230 = tpu.memref_slice %arg9[%run_scoped3A, %dma_wait3A_229] : memref<4x128xi32, #tpu.memory_space<vmem>> -> memref<1x128xi32, #tpu.memory_space<vmem>>
          %dma_wait3A_231 = tpu.memref_squeeze %dma_wait3A_230 : memref<1x128xi32, #tpu.memory_space<vmem>> -> memref<128xi32, #tpu.memory_space<vmem>>
          %dma_wait3A_232 = arith.constant 0 : i32
          %dma_wait3A_233 = arith.constant 0 : i32
          %dma_wait3A_234 = tpu.memref_slice %arg12[%dma_wait3A_232, %dma_wait3A_233] : memref<10016x128xf32, #tpu.memory_space<vmem_shared>> -> memref<10016x128xf32, #tpu.memory_space<vmem_shared>>
          tpu.wait_indirect_dma semaphore(%run_scoped3A_222 : memref<!tpu.dma_semaphore, #tpu.memory_space<semaphore_mem>>) src(%arg10 : memref<128x128xf32, #tpu.memory_space<vmem>>) dst(%dma_wait3A_234 : memref<10016x128xf32, #tpu.memory_space<vmem_shared>>)
          tpu.yield
        }) : () -> ()
        %mul3A_107 = arith.constant 4 : i32
        %mul3A_108 = arith.muli %mul3A_107, %scan3A_72 : i32
        %add3A_109 = arith.constant 1 : i32
        %add3A_110 = arith.addi %mul3A_108, %add3A_109 : i32
        %add3A_111 = arith.constant 1 : i32
        %add3A_112 = arith.addi %add3A_110, %add3A_111 : i32
        %lt3A_113 = arith.constant 80 : i32
        %lt3A_114 = arith.cmpi slt, %add3A_112, %lt3A_113 : i32
        %convert_element_type3A_115 = arith.extui %lt3A_114 : i1 to i32
        %cond3A_116 = arith.constant 0 : i32
        %cond3A_117 = arith.cmpi ne, %convert_element_type3A_115, %cond3A_116 : i32
        scf.if %cond3A_117 {
          %add3A_222 = arith.constant 1 : i32
          %add3A_223 = arith.addi %add3A_110, %add3A_222 : i32
          %dma_start3A_224 = arith.constant 0 : i32
          %dma_start3A_225 = tpu.memref_slice %arg8[%add3A_223, %dma_start3A_224] : memref<80x128xi32, #tpu.memory_space<vmem>> -> memref<1x128xi32, #tpu.memory_space<vmem>>
          %dma_start3A_226 = tpu.memref_squeeze %dma_start3A_225 : memref<1x128xi32, #tpu.memory_space<vmem>> -> memref<128xi32, #tpu.memory_space<vmem>>
          %dma_start3A_227 = arith.constant 0 : i32
          %dma_start3A_228 = arith.constant 0 : i32
          %dma_start3A_229 = tpu.memref_slice %arg5[%dma_start3A_227, %dma_start3A_228] : memref<10016x128xf32, #tpu.memory_space<hbm>> -> memref<10016x128xf32, #tpu.memory_space<hbm>>
          tpu.enqueue_indirect_dma source(%dma_start3A_229 : memref<10016x128xf32, #tpu.memory_space<hbm>>) target(%arg10 : memref<128x128xf32, #tpu.memory_space<vmem>>) offsets(%dma_start3A_226 : memref<128xi32, #tpu.memory_space<vmem>>) semaphore(%arg13 : memref<!tpu.dma_semaphore, #tpu.memory_space<semaphore_mem>>)
        } else {
        }
        %dma_wait3A_118 = arith.constant 0 : i32
        %dma_wait3A_119 = tpu.memref_slice %arg8[%add3A_110, %dma_wait3A_118] : memref<80x128xi32, #tpu.memory_space<vmem>> -> memref<1x128xi32, #tpu.memory_space<vmem>>
        %dma_wait3A_120 = tpu.memref_squeeze %dma_wait3A_119 : memref<1x128xi32, #tpu.memory_space<vmem>> -> memref<128xi32, #tpu.memory_space<vmem>>
        %dma_wait3A_121 = arith.constant 0 : i32
        %dma_wait3A_122 = arith.constant 0 : i32
        %dma_wait3A_123 = tpu.memref_slice %arg5[%dma_wait3A_121, %dma_wait3A_122] : memref<10016x128xf32, #tpu.memory_space<hbm>> -> memref<10016x128xf32, #tpu.memory_space<hbm>>
        tpu.wait_indirect_dma semaphore(%arg14 : memref<!tpu.dma_semaphore, #tpu.memory_space<semaphore_mem>>) src(%dma_wait3A_123 : memref<10016x128xf32, #tpu.memory_space<hbm>>) dst(%arg11 : memref<128x128xf32, #tpu.memory_space<vmem>>)
        %dma_wait3A_124 = arith.constant 1 : i32
        %dma_wait3A_125 = arith.constant 0 : i32
        %dma_wait3A_126 = tpu.memref_slice %arg9[%dma_wait3A_124, %dma_wait3A_125] : memref<4x128xi32, #tpu.memory_space<vmem>> -> memref<1x128xi32, #tpu.memory_space<vmem>>
        %dma_wait3A_127 = tpu.memref_squeeze %dma_wait3A_126 : memref<1x128xi32, #tpu.memory_space<vmem>> -> memref<128xi32, #tpu.memory_space<vmem>>
        %dma_wait3A_128 = arith.constant 0 : i32
        %dma_wait3A_129 = tpu.memref_slice %arg3[%arg1, %add3A_110, %dma_wait3A_128] : memref<16x80x128xi32, #tpu.memory_space<hbm>> -> memref<1x1x128xi32, #tpu.memory_space<hbm>>
        %dma_wait3A_130 = tpu.memref_squeeze %dma_wait3A_129 : memref<1x1x128xi32, #tpu.memory_space<hbm>> -> memref<128xi32, #tpu.memory_space<hbm>>
        %dma_wait3A_131 = arith.constant 0 : i32
        %dma_wait3A_132 = tpu.memref_slice %arg9[%dma_wait3A_124, %dma_wait3A_131] : memref<4x128xi32, #tpu.memory_space<vmem>> -> memref<1x128xi32, #tpu.memory_space<vmem>>
        %dma_wait3A_133 = tpu.memref_squeeze %dma_wait3A_132 : memref<1x128xi32, #tpu.memory_space<vmem>> -> memref<128xi32, #tpu.memory_space<vmem>>
        %dma_wait3A_134 = arith.constant 0 : i32
        %dma_wait3A_135 = tpu.memref_slice %arg3[%arg1, %add3A_110, %dma_wait3A_134] : memref<16x80x128xi32, #tpu.memory_space<hbm>> -> memref<1x1x128xi32, #tpu.memory_space<hbm>>
        %dma_wait3A_136 = tpu.memref_squeeze %dma_wait3A_135 : memref<1x1x128xi32, #tpu.memory_space<hbm>> -> memref<128xi32, #tpu.memory_space<hbm>>
        tpu.wait_dma2 semaphore(%arg16 : memref<!tpu.dma_semaphore, #tpu.memory_space<semaphore_mem>>) src(%dma_wait3A_136 : memref<128xi32, #tpu.memory_space<hbm>>) dst(%dma_wait3A_133 : memref<128xi32, #tpu.memory_space<vmem>>)
        %add3A_137 = arith.constant 2 : i32
        %add3A_138 = arith.addi %add3A_110, %add3A_137 : i32
        %lt3A_139 = arith.constant 80 : i32
        %lt3A_140 = arith.cmpi slt, %add3A_138, %lt3A_139 : i32
        %convert_element_type3A_141 = arith.extui %lt3A_140 : i1 to i32
        %cond3A_142 = arith.constant 0 : i32
        %cond3A_143 = arith.cmpi ne, %convert_element_type3A_141, %cond3A_142 : i32
        scf.if %cond3A_143 {
          %add3A_222 = arith.constant 2 : i32
          %add3A_223 = arith.addi %add3A_110, %add3A_222 : i32
          %dma_start3A_224 = arith.constant 3 : i32
          %dma_start3A_225 = arith.constant 0 : i32
          %dma_start3A_226 = tpu.memref_slice %arg9[%dma_start3A_224, %dma_start3A_225] : memref<4x128xi32, #tpu.memory_space<vmem>> -> memref<1x128xi32, #tpu.memory_space<vmem>>
          %dma_start3A_227 = tpu.memref_squeeze %dma_start3A_226 : memref<1x128xi32, #tpu.memory_space<vmem>> -> memref<128xi32, #tpu.memory_space<vmem>>
          %dma_start3A_228 = arith.constant 0 : i32
          %dma_start3A_229 = tpu.memref_slice %arg3[%arg1, %add3A_223, %dma_start3A_228] : memref<16x80x128xi32, #tpu.memory_space<hbm>> -> memref<1x1x128xi32, #tpu.memory_space<hbm>>
          %dma_start3A_230 = tpu.memref_squeeze %dma_start3A_229 : memref<1x1x128xi32, #tpu.memory_space<hbm>> -> memref<128xi32, #tpu.memory_space<hbm>>
          %dma_start3A_231 = arith.constant 0 : i32
          %dma_start3A_232 = tpu.memref_slice %arg9[%dma_start3A_224, %dma_start3A_231] : memref<4x128xi32, #tpu.memory_space<vmem>> -> memref<1x128xi32, #tpu.memory_space<vmem>>
          %dma_start3A_233 = tpu.memref_squeeze %dma_start3A_232 : memref<1x128xi32, #tpu.memory_space<vmem>> -> memref<128xi32, #tpu.memory_space<vmem>>
          %dma_start3A_234 = arith.constant 0 : i32
          %dma_start3A_235 = tpu.memref_slice %arg3[%arg1, %add3A_223, %dma_start3A_234] : memref<16x80x128xi32, #tpu.memory_space<hbm>> -> memref<1x1x128xi32, #tpu.memory_space<hbm>>
          %dma_start3A_236 = tpu.memref_squeeze %dma_start3A_235 : memref<1x1x128xi32, #tpu.memory_space<hbm>> -> memref<128xi32, #tpu.memory_space<hbm>>
          tpu.enqueue_dma source(%dma_start3A_236 : memref<128xi32, #tpu.memory_space<hbm>>) target(%dma_start3A_233 : memref<128xi32, #tpu.memory_space<vmem>>) target_semaphore(%arg18 : memref<!tpu.dma_semaphore, #tpu.memory_space<semaphore_mem>>)
        } else {
        }
        %run_scoped3A_144 = arith.constant 1 : i32
        "tpu.region"() ({
          %run_scoped3A_222 = tpu.sem_alloc : memref<!tpu.dma_semaphore, #tpu.memory_space<semaphore_mem>>
          %dma_start3A_223 = arith.constant 0 : i32
          %dma_start3A_224 = tpu.memref_slice %arg9[%run_scoped3A_144, %dma_start3A_223] : memref<4x128xi32, #tpu.memory_space<vmem>> -> memref<1x128xi32, #tpu.memory_space<vmem>>
          %dma_start3A_225 = tpu.memref_squeeze %dma_start3A_224 : memref<1x128xi32, #tpu.memory_space<vmem>> -> memref<128xi32, #tpu.memory_space<vmem>>
          %dma_start3A_226 = arith.constant 0 : i32
          %dma_start3A_227 = arith.constant 0 : i32
          %dma_start3A_228 = tpu.memref_slice %arg12[%dma_start3A_226, %dma_start3A_227] : memref<10016x128xf32, #tpu.memory_space<vmem_shared>> -> memref<10016x128xf32, #tpu.memory_space<vmem_shared>>
          tpu.enqueue_indirect_dma source(%arg11 : memref<128x128xf32, #tpu.memory_space<vmem>>) target(%dma_start3A_228 : memref<10016x128xf32, #tpu.memory_space<vmem_shared>>) offsets(%dma_start3A_225 : memref<128xi32, #tpu.memory_space<vmem>>) semaphore(%run_scoped3A_222 : memref<!tpu.dma_semaphore, #tpu.memory_space<semaphore_mem>>) {add = true}
          %dma_wait3A_229 = arith.constant 0 : i32
          %dma_wait3A_230 = tpu.memref_slice %arg9[%run_scoped3A_144, %dma_wait3A_229] : memref<4x128xi32, #tpu.memory_space<vmem>> -> memref<1x128xi32, #tpu.memory_space<vmem>>
          %dma_wait3A_231 = tpu.memref_squeeze %dma_wait3A_230 : memref<1x128xi32, #tpu.memory_space<vmem>> -> memref<128xi32, #tpu.memory_space<vmem>>
          %dma_wait3A_232 = arith.constant 0 : i32
          %dma_wait3A_233 = arith.constant 0 : i32
          %dma_wait3A_234 = tpu.memref_slice %arg12[%dma_wait3A_232, %dma_wait3A_233] : memref<10016x128xf32, #tpu.memory_space<vmem_shared>> -> memref<10016x128xf32, #tpu.memory_space<vmem_shared>>
          tpu.wait_indirect_dma semaphore(%run_scoped3A_222 : memref<!tpu.dma_semaphore, #tpu.memory_space<semaphore_mem>>) src(%arg11 : memref<128x128xf32, #tpu.memory_space<vmem>>) dst(%dma_wait3A_234 : memref<10016x128xf32, #tpu.memory_space<vmem_shared>>)
          tpu.yield
        }) : () -> ()
        %mul3A_145 = arith.constant 4 : i32
        %mul3A_146 = arith.muli %mul3A_145, %scan3A_72 : i32
        %add3A_147 = arith.constant 2 : i32
        %add3A_148 = arith.addi %mul3A_146, %add3A_147 : i32
        %add3A_149 = arith.constant 1 : i32
        %add3A_150 = arith.addi %add3A_148, %add3A_149 : i32
        %lt3A_151 = arith.constant 80 : i32
        %lt3A_152 = arith.cmpi slt, %add3A_150, %lt3A_151 : i32
        %convert_element_type3A_153 = arith.extui %lt3A_152 : i1 to i32
        %cond3A_154 = arith.constant 0 : i32
        %cond3A_155 = arith.cmpi ne, %convert_element_type3A_153, %cond3A_154 : i32
        scf.if %cond3A_155 {
          %add3A_222 = arith.constant 1 : i32
          %add3A_223 = arith.addi %add3A_148, %add3A_222 : i32
          %dma_start3A_224 = arith.constant 0 : i32
          %dma_start3A_225 = tpu.memref_slice %arg8[%add3A_223, %dma_start3A_224] : memref<80x128xi32, #tpu.memory_space<vmem>> -> memref<1x128xi32, #tpu.memory_space<vmem>>
          %dma_start3A_226 = tpu.memref_squeeze %dma_start3A_225 : memref<1x128xi32, #tpu.memory_space<vmem>> -> memref<128xi32, #tpu.memory_space<vmem>>
          %dma_start3A_227 = arith.constant 0 : i32
          %dma_start3A_228 = arith.constant 0 : i32
          %dma_start3A_229 = tpu.memref_slice %arg5[%dma_start3A_227, %dma_start3A_228] : memref<10016x128xf32, #tpu.memory_space<hbm>> -> memref<10016x128xf32, #tpu.memory_space<hbm>>
          tpu.enqueue_indirect_dma source(%dma_start3A_229 : memref<10016x128xf32, #tpu.memory_space<hbm>>) target(%arg11 : memref<128x128xf32, #tpu.memory_space<vmem>>) offsets(%dma_start3A_226 : memref<128xi32, #tpu.memory_space<vmem>>) semaphore(%arg14 : memref<!tpu.dma_semaphore, #tpu.memory_space<semaphore_mem>>)
        } else {
        }
        %dma_wait3A_156 = arith.constant 0 : i32
        %dma_wait3A_157 = tpu.memref_slice %arg8[%add3A_148, %dma_wait3A_156] : memref<80x128xi32, #tpu.memory_space<vmem>> -> memref<1x128xi32, #tpu.memory_space<vmem>>
        %dma_wait3A_158 = tpu.memref_squeeze %dma_wait3A_157 : memref<1x128xi32, #tpu.memory_space<vmem>> -> memref<128xi32, #tpu.memory_space<vmem>>
        %dma_wait3A_159 = arith.constant 0 : i32
        %dma_wait3A_160 = arith.constant 0 : i32
        %dma_wait3A_161 = tpu.memref_slice %arg5[%dma_wait3A_159, %dma_wait3A_160] : memref<10016x128xf32, #tpu.memory_space<hbm>> -> memref<10016x128xf32, #tpu.memory_space<hbm>>
        tpu.wait_indirect_dma semaphore(%arg13 : memref<!tpu.dma_semaphore, #tpu.memory_space<semaphore_mem>>) src(%dma_wait3A_161 : memref<10016x128xf32, #tpu.memory_space<hbm>>) dst(%arg10 : memref<128x128xf32, #tpu.memory_space<vmem>>)
        %dma_wait3A_162 = arith.constant 2 : i32
        %dma_wait3A_163 = arith.constant 0 : i32
        %dma_wait3A_164 = tpu.memref_slice %arg9[%dma_wait3A_162, %dma_wait3A_163] : memref<4x128xi32, #tpu.memory_space<vmem>> -> memref<1x128xi32, #tpu.memory_space<vmem>>
        %dma_wait3A_165 = tpu.memref_squeeze %dma_wait3A_164 : memref<1x128xi32, #tpu.memory_space<vmem>> -> memref<128xi32, #tpu.memory_space<vmem>>
        %dma_wait3A_166 = arith.constant 0 : i32
        %dma_wait3A_167 = tpu.memref_slice %arg3[%arg1, %add3A_148, %dma_wait3A_166] : memref<16x80x128xi32, #tpu.memory_space<hbm>> -> memref<1x1x128xi32, #tpu.memory_space<hbm>>
        %dma_wait3A_168 = tpu.memref_squeeze %dma_wait3A_167 : memref<1x1x128xi32, #tpu.memory_space<hbm>> -> memref<128xi32, #tpu.memory_space<hbm>>
        %dma_wait3A_169 = arith.constant 0 : i32
        %dma_wait3A_170 = tpu.memref_slice %arg9[%dma_wait3A_162, %dma_wait3A_169] : memref<4x128xi32, #tpu.memory_space<vmem>> -> memref<1x128xi32, #tpu.memory_space<vmem>>
        %dma_wait3A_171 = tpu.memref_squeeze %dma_wait3A_170 : memref<1x128xi32, #tpu.memory_space<vmem>> -> memref<128xi32, #tpu.memory_space<vmem>>
        %dma_wait3A_172 = arith.constant 0 : i32
        %dma_wait3A_173 = tpu.memref_slice %arg3[%arg1, %add3A_148, %dma_wait3A_172] : memref<16x80x128xi32, #tpu.memory_space<hbm>> -> memref<1x1x128xi32, #tpu.memory_space<hbm>>
        %dma_wait3A_174 = tpu.memref_squeeze %dma_wait3A_173 : memref<1x1x128xi32, #tpu.memory_space<hbm>> -> memref<128xi32, #tpu.memory_space<hbm>>
        tpu.wait_dma2 semaphore(%arg17 : memref<!tpu.dma_semaphore, #tpu.memory_space<semaphore_mem>>) src(%dma_wait3A_174 : memref<128xi32, #tpu.memory_space<hbm>>) dst(%dma_wait3A_171 : memref<128xi32, #tpu.memory_space<vmem>>)
        %add3A_175 = arith.constant 2 : i32
        %add3A_176 = arith.addi %add3A_148, %add3A_175 : i32
        %lt3A_177 = arith.constant 80 : i32
        %lt3A_178 = arith.cmpi slt, %add3A_176, %lt3A_177 : i32
        %convert_element_type3A_179 = arith.extui %lt3A_178 : i1 to i32
        %cond3A_180 = arith.constant 0 : i32
        %cond3A_181 = arith.cmpi ne, %convert_element_type3A_179, %cond3A_180 : i32
        scf.if %cond3A_181 {
          %add3A_222 = arith.constant 2 : i32
          %add3A_223 = arith.addi %add3A_148, %add3A_222 : i32
          %dma_start3A_224 = arith.constant 0 : i32
          %dma_start3A_225 = arith.constant 0 : i32
          %dma_start3A_226 = tpu.memref_slice %arg9[%dma_start3A_224, %dma_start3A_225] : memref<4x128xi32, #tpu.memory_space<vmem>> -> memref<1x128xi32, #tpu.memory_space<vmem>>
          %dma_start3A_227 = tpu.memref_squeeze %dma_start3A_226 : memref<1x128xi32, #tpu.memory_space<vmem>> -> memref<128xi32, #tpu.memory_space<vmem>>
          %dma_start3A_228 = arith.constant 0 : i32
          %dma_start3A_229 = tpu.memref_slice %arg3[%arg1, %add3A_223, %dma_start3A_228] : memref<16x80x128xi32, #tpu.memory_space<hbm>> -> memref<1x1x128xi32, #tpu.memory_space<hbm>>
          %dma_start3A_230 = tpu.memref_squeeze %dma_start3A_229 : memref<1x1x128xi32, #tpu.memory_space<hbm>> -> memref<128xi32, #tpu.memory_space<hbm>>
          %dma_start3A_231 = arith.constant 0 : i32
          %dma_start3A_232 = tpu.memref_slice %arg9[%dma_start3A_224, %dma_start3A_231] : memref<4x128xi32, #tpu.memory_space<vmem>> -> memref<1x128xi32, #tpu.memory_space<vmem>>
          %dma_start3A_233 = tpu.memref_squeeze %dma_start3A_232 : memref<1x128xi32, #tpu.memory_space<vmem>> -> memref<128xi32, #tpu.memory_space<vmem>>
          %dma_start3A_234 = arith.constant 0 : i32
          %dma_start3A_235 = tpu.memref_slice %arg3[%arg1, %add3A_223, %dma_start3A_234] : memref<16x80x128xi32, #tpu.memory_space<hbm>> -> memref<1x1x128xi32, #tpu.memory_space<hbm>>
          %dma_start3A_236 = tpu.memref_squeeze %dma_start3A_235 : memref<1x1x128xi32, #tpu.memory_space<hbm>> -> memref<128xi32, #tpu.memory_space<hbm>>
          tpu.enqueue_dma source(%dma_start3A_236 : memref<128xi32, #tpu.memory_space<hbm>>) target(%dma_start3A_233 : memref<128xi32, #tpu.memory_space<vmem>>) target_semaphore(%arg15 : memref<!tpu.dma_semaphore, #tpu.memory_space<semaphore_mem>>)
        } else {
        }
        %run_scoped3A_182 = arith.constant 2 : i32
        "tpu.region"() ({
          %run_scoped3A_222 = tpu.sem_alloc : memref<!tpu.dma_semaphore, #tpu.memory_space<semaphore_mem>>
          %dma_start3A_223 = arith.constant 0 : i32
          %dma_start3A_224 = tpu.memref_slice %arg9[%run_scoped3A_182, %dma_start3A_223] : memref<4x128xi32, #tpu.memory_space<vmem>> -> memref<1x128xi32, #tpu.memory_space<vmem>>
          %dma_start3A_225 = tpu.memref_squeeze %dma_start3A_224 : memref<1x128xi32, #tpu.memory_space<vmem>> -> memref<128xi32, #tpu.memory_space<vmem>>
          %dma_start3A_226 = arith.constant 0 : i32
          %dma_start3A_227 = arith.constant 0 : i32
          %dma_start3A_228 = tpu.memref_slice %arg12[%dma_start3A_226, %dma_start3A_227] : memref<10016x128xf32, #tpu.memory_space<vmem_shared>> -> memref<10016x128xf32, #tpu.memory_space<vmem_shared>>
          tpu.enqueue_indirect_dma source(%arg10 : memref<128x128xf32, #tpu.memory_space<vmem>>) target(%dma_start3A_228 : memref<10016x128xf32, #tpu.memory_space<vmem_shared>>) offsets(%dma_start3A_225 : memref<128xi32, #tpu.memory_space<vmem>>) semaphore(%run_scoped3A_222 : memref<!tpu.dma_semaphore, #tpu.memory_space<semaphore_mem>>) {add = true}
          %dma_wait3A_229 = arith.constant 0 : i32
          %dma_wait3A_230 = tpu.memref_slice %arg9[%run_scoped3A_182, %dma_wait3A_229] : memref<4x128xi32, #tpu.memory_space<vmem>> -> memref<1x128xi32, #tpu.memory_space<vmem>>
          %dma_wait3A_231 = tpu.memref_squeeze %dma_wait3A_230 : memref<1x128xi32, #tpu.memory_space<vmem>> -> memref<128xi32, #tpu.memory_space<vmem>>
          %dma_wait3A_232 = arith.constant 0 : i32
          %dma_wait3A_233 = arith.constant 0 : i32
          %dma_wait3A_234 = tpu.memref_slice %arg12[%dma_wait3A_232, %dma_wait3A_233] : memref<10016x128xf32, #tpu.memory_space<vmem_shared>> -> memref<10016x128xf32, #tpu.memory_space<vmem_shared>>
          tpu.wait_indirect_dma semaphore(%run_scoped3A_222 : memref<!tpu.dma_semaphore, #tpu.memory_space<semaphore_mem>>) src(%arg10 : memref<128x128xf32, #tpu.memory_space<vmem>>) dst(%dma_wait3A_234 : memref<10016x128xf32, #tpu.memory_space<vmem_shared>>)
          tpu.yield
        }) : () -> ()
        %mul3A_183 = arith.constant 4 : i32
        %mul3A_184 = arith.muli %mul3A_183, %scan3A_72 : i32
        %add3A_185 = arith.constant 3 : i32
        %add3A_186 = arith.addi %mul3A_184, %add3A_185 : i32
        %add3A_187 = arith.constant 1 : i32
        %add3A_188 = arith.addi %add3A_186, %add3A_187 : i32
        %lt3A_189 = arith.constant 80 : i32
        %lt3A_190 = arith.cmpi slt, %add3A_188, %lt3A_189 : i32
        %convert_element_type3A_191 = arith.extui %lt3A_190 : i1 to i32
        %cond3A_192 = arith.constant 0 : i32
        %cond3A_193 = arith.cmpi ne, %convert_element_type3A_191, %cond3A_192 : i32
        scf.if %cond3A_193 {
          %add3A_222 = arith.constant 1 : i32
          %add3A_223 = arith.addi %add3A_186, %add3A_222 : i32
          %dma_start3A_224 = arith.constant 0 : i32
          %dma_start3A_225 = tpu.memref_slice %arg8[%add3A_223, %dma_start3A_224] : memref<80x128xi32, #tpu.memory_space<vmem>> -> memref<1x128xi32, #tpu.memory_space<vmem>>
          %dma_start3A_226 = tpu.memref_squeeze %dma_start3A_225 : memref<1x128xi32, #tpu.memory_space<vmem>> -> memref<128xi32, #tpu.memory_space<vmem>>
          %dma_start3A_227 = arith.constant 0 : i32
          %dma_start3A_228 = arith.constant 0 : i32
          %dma_start3A_229 = tpu.memref_slice %arg5[%dma_start3A_227, %dma_start3A_228] : memref<10016x128xf32, #tpu.memory_space<hbm>> -> memref<10016x128xf32, #tpu.memory_space<hbm>>
          tpu.enqueue_indirect_dma source(%dma_start3A_229 : memref<10016x128xf32, #tpu.memory_space<hbm>>) target(%arg10 : memref<128x128xf32, #tpu.memory_space<vmem>>) offsets(%dma_start3A_226 : memref<128xi32, #tpu.memory_space<vmem>>) semaphore(%arg13 : memref<!tpu.dma_semaphore, #tpu.memory_space<semaphore_mem>>)
        } else {
        }
        %dma_wait3A_194 = arith.constant 0 : i32
        %dma_wait3A_195 = tpu.memref_slice %arg8[%add3A_186, %dma_wait3A_194] : memref<80x128xi32, #tpu.memory_space<vmem>> -> memref<1x128xi32, #tpu.memory_space<vmem>>
        %dma_wait3A_196 = tpu.memref_squeeze %dma_wait3A_195 : memref<1x128xi32, #tpu.memory_space<vmem>> -> memref<128xi32, #tpu.memory_space<vmem>>
        %dma_wait3A_197 = arith.constant 0 : i32
        %dma_wait3A_198 = arith.constant 0 : i32
        %dma_wait3A_199 = tpu.memref_slice %arg5[%dma_wait3A_197, %dma_wait3A_198] : memref<10016x128xf32, #tpu.memory_space<hbm>> -> memref<10016x128xf32, #tpu.memory_space<hbm>>
        tpu.wait_indirect_dma semaphore(%arg14 : memref<!tpu.dma_semaphore, #tpu.memory_space<semaphore_mem>>) src(%dma_wait3A_199 : memref<10016x128xf32, #tpu.memory_space<hbm>>) dst(%arg11 : memref<128x128xf32, #tpu.memory_space<vmem>>)
        %dma_wait3A_200 = arith.constant 3 : i32
        %dma_wait3A_201 = arith.constant 0 : i32
        %dma_wait3A_202 = tpu.memref_slice %arg9[%dma_wait3A_200, %dma_wait3A_201] : memref<4x128xi32, #tpu.memory_space<vmem>> -> memref<1x128xi32, #tpu.memory_space<vmem>>
        %dma_wait3A_203 = tpu.memref_squeeze %dma_wait3A_202 : memref<1x128xi32, #tpu.memory_space<vmem>> -> memref<128xi32, #tpu.memory_space<vmem>>
        %dma_wait3A_204 = arith.constant 0 : i32
        %dma_wait3A_205 = tpu.memref_slice %arg3[%arg1, %add3A_186, %dma_wait3A_204] : memref<16x80x128xi32, #tpu.memory_space<hbm>> -> memref<1x1x128xi32, #tpu.memory_space<hbm>>
        %dma_wait3A_206 = tpu.memref_squeeze %dma_wait3A_205 : memref<1x1x128xi32, #tpu.memory_space<hbm>> -> memref<128xi32, #tpu.memory_space<hbm>>
        %dma_wait3A_207 = arith.constant 0 : i32
        %dma_wait3A_208 = tpu.memref_slice %arg9[%dma_wait3A_200, %dma_wait3A_207] : memref<4x128xi32, #tpu.memory_space<vmem>> -> memref<1x128xi32, #tpu.memory_space<vmem>>
        %dma_wait3A_209 = tpu.memref_squeeze %dma_wait3A_208 : memref<1x128xi32, #tpu.memory_space<vmem>> -> memref<128xi32, #tpu.memory_space<vmem>>
        %dma_wait3A_210 = arith.constant 0 : i32
        %dma_wait3A_211 = tpu.memref_slice %arg3[%arg1, %add3A_186, %dma_wait3A_210] : memref<16x80x128xi32, #tpu.memory_space<hbm>> -> memref<1x1x128xi32, #tpu.memory_space<hbm>>
        %dma_wait3A_212 = tpu.memref_squeeze %dma_wait3A_211 : memref<1x1x128xi32, #tpu.memory_space<hbm>> -> memref<128xi32, #tpu.memory_space<hbm>>
        tpu.wait_dma2 semaphore(%arg18 : memref<!tpu.dma_semaphore, #tpu.memory_space<semaphore_mem>>) src(%dma_wait3A_212 : memref<128xi32, #tpu.memory_space<hbm>>) dst(%dma_wait3A_209 : memref<128xi32, #tpu.memory_space<vmem>>)
        %add3A_213 = arith.constant 2 : i32
        %add3A_214 = arith.addi %add3A_186, %add3A_213 : i32
        %lt3A_215 = arith.constant 80 : i32
        %lt3A_216 = arith.cmpi slt, %add3A_214, %lt3A_215 : i32
        %convert_element_type3A_217 = arith.extui %lt3A_216 : i1 to i32
        %cond3A_218 = arith.constant 0 : i32
        %cond3A_219 = arith.cmpi ne, %convert_element_type3A_217, %cond3A_218 : i32
        scf.if %cond3A_219 {
          %add3A_222 = arith.constant 2 : i32
          %add3A_223 = arith.addi %add3A_186, %add3A_222 : i32
          %dma_start3A_224 = arith.constant 1 : i32
          %dma_start3A_225 = arith.constant 0 : i32
          %dma_start3A_226 = tpu.memref_slice %arg9[%dma_start3A_224, %dma_start3A_225] : memref<4x128xi32, #tpu.memory_space<vmem>> -> memref<1x128xi32, #tpu.memory_space<vmem>>
          %dma_start3A_227 = tpu.memref_squeeze %dma_start3A_226 : memref<1x128xi32, #tpu.memory_space<vmem>> -> memref<128xi32, #tpu.memory_space<vmem>>
          %dma_start3A_228 = arith.constant 0 : i32
          %dma_start3A_229 = tpu.memref_slice %arg3[%arg1, %add3A_223, %dma_start3A_228] : memref<16x80x128xi32, #tpu.memory_space<hbm>> -> memref<1x1x128xi32, #tpu.memory_space<hbm>>
          %dma_start3A_230 = tpu.memref_squeeze %dma_start3A_229 : memref<1x1x128xi32, #tpu.memory_space<hbm>> -> memref<128xi32, #tpu.memory_space<hbm>>
          %dma_start3A_231 = arith.constant 0 : i32
          %dma_start3A_232 = tpu.memref_slice %arg9[%dma_start3A_224, %dma_start3A_231] : memref<4x128xi32, #tpu.memory_space<vmem>> -> memref<1x128xi32, #tpu.memory_space<vmem>>
          %dma_start3A_233 = tpu.memref_squeeze %dma_start3A_232 : memref<1x128xi32, #tpu.memory_space<vmem>> -> memref<128xi32, #tpu.memory_space<vmem>>
          %dma_start3A_234 = arith.constant 0 : i32
          %dma_start3A_235 = tpu.memref_slice %arg3[%arg1, %add3A_223, %dma_start3A_234] : memref<16x80x128xi32, #tpu.memory_space<hbm>> -> memref<1x1x128xi32, #tpu.memory_space<hbm>>
          %dma_start3A_236 = tpu.memref_squeeze %dma_start3A_235 : memref<1x1x128xi32, #tpu.memory_space<hbm>> -> memref<128xi32, #tpu.memory_space<hbm>>
          tpu.enqueue_dma source(%dma_start3A_236 : memref<128xi32, #tpu.memory_space<hbm>>) target(%dma_start3A_233 : memref<128xi32, #tpu.memory_space<vmem>>) target_semaphore(%arg16 : memref<!tpu.dma_semaphore, #tpu.memory_space<semaphore_mem>>)
        } else {
        }
        %run_scoped3A_220 = arith.constant 3 : i32
        "tpu.region"() ({
          %run_scoped3A_222 = tpu.sem_alloc : memref<!tpu.dma_semaphore, #tpu.memory_space<semaphore_mem>>
          %dma_start3A_223 = arith.constant 0 : i32
          %dma_start3A_224 = tpu.memref_slice %arg9[%run_scoped3A_220, %dma_start3A_223] : memref<4x128xi32, #tpu.memory_space<vmem>> -> memref<1x128xi32, #tpu.memory_space<vmem>>
          %dma_start3A_225 = tpu.memref_squeeze %dma_start3A_224 : memref<1x128xi32, #tpu.memory_space<vmem>> -> memref<128xi32, #tpu.memory_space<vmem>>
          %dma_start3A_226 = arith.constant 0 : i32
          %dma_start3A_227 = arith.constant 0 : i32
          %dma_start3A_228 = tpu.memref_slice %arg12[%dma_start3A_226, %dma_start3A_227] : memref<10016x128xf32, #tpu.memory_space<vmem_shared>> -> memref<10016x128xf32, #tpu.memory_space<vmem_shared>>
          tpu.enqueue_indirect_dma source(%arg11 : memref<128x128xf32, #tpu.memory_space<vmem>>) target(%dma_start3A_228 : memref<10016x128xf32, #tpu.memory_space<vmem_shared>>) offsets(%dma_start3A_225 : memref<128xi32, #tpu.memory_space<vmem>>) semaphore(%run_scoped3A_222 : memref<!tpu.dma_semaphore, #tpu.memory_space<semaphore_mem>>) {add = true}
          %dma_wait3A_229 = arith.constant 0 : i32
          %dma_wait3A_230 = tpu.memref_slice %arg9[%run_scoped3A_220, %dma_wait3A_229] : memref<4x128xi32, #tpu.memory_space<vmem>> -> memref<1x128xi32, #tpu.memory_space<vmem>>
          %dma_wait3A_231 = tpu.memref_squeeze %dma_wait3A_230 : memref<1x128xi32, #tpu.memory_space<vmem>> -> memref<128xi32, #tpu.memory_space<vmem>>
          %dma_wait3A_232 = arith.constant 0 : i32
          %dma_wait3A_233 = arith.constant 0 : i32
          %dma_wait3A_234 = tpu.memref_slice %arg12[%dma_wait3A_232, %dma_wait3A_233] : memref<10016x128xf32, #tpu.memory_space<vmem_shared>> -> memref<10016x128xf32, #tpu.memory_space<vmem_shared>>
          tpu.wait_indirect_dma semaphore(%run_scoped3A_222 : memref<!tpu.dma_semaphore, #tpu.memory_space<semaphore_mem>>) src(%arg11 : memref<128x128xf32, #tpu.memory_space<vmem>>) dst(%dma_wait3A_234 : memref<10016x128xf32, #tpu.memory_space<vmem_shared>>)
          tpu.yield
        }) : () -> ()
        %scan3A_221 = arith.constant 0 : i32
        scf.yield %scan3A_221 : i32
      }
      %scan3A_58 = arith.constant 20 : i32
      %barrier3A_59 = arith.constant 0 : index
      tpu.barrier barrier_id(%barrier3A_59)
      %scan3A_60 = arith.constant 0 : i32
      %scan3A_61 = arith.constant 0 : i32
      %scan3A_62 = arith.constant 26 : i32
      %scan3A_63 = arith.addi %scan3A_61, %scan3A_62 : i32
      %scan3A_64 = arith.constant 1 : i32
      %scan3A_65 = scf.for %scan3A_72 = %scan3A_61 to %scan3A_63 step %scan3A_64 iter_args(%scan3A_73 = %scan3A_60) -> (i32)  : i32 {
        %mul3A = arith.constant 624 : i32
        %mul3A_74 = arith.muli %arg1, %mul3A : i32
        %mul3A_75 = arith.constant 24 : i32
        %mul3A_76 = arith.muli %scan3A_72, %mul3A_75 : i32
        %add3A = arith.addi %mul3A_74, %mul3A_76 : i32
        %multiple_of3A = tpu.assume_multiple %add3A, 8 : i32
        "tpu.region"() ({
          %run_scoped3A = tpu.sem_alloc : memref<!tpu.dma_semaphore, #tpu.memory_space<semaphore_mem>>
          %dma_start3A_78 = arith.constant 0 : i32
          %dma_start3A_79 = arith.constant 0 : i32
          %dma_start3A_80 = tpu.memref_slice %arg11[%dma_start3A_78, %dma_start3A_79] : memref<128x128xf32, #tpu.memory_space<vmem>> -> memref<24x128xf32, #tpu.memory_space<vmem>>
          %dma_start3A_81 = arith.constant 0 : i32
          %dma_start3A_82 = tpu.memref_slice %arg12[%multiple_of3A, %dma_start3A_81] : memref<10016x128xf32, #tpu.memory_space<vmem_shared>> -> memref<24x128xf32, #tpu.memory_space<vmem_shared>>
          %dma_start3A_83 = arith.constant 0 : i32
          %dma_start3A_84 = arith.constant 0 : i32
          %dma_start3A_85 = tpu.memref_slice %arg11[%dma_start3A_83, %dma_start3A_84] : memref<128x128xf32, #tpu.memory_space<vmem>> -> memref<24x128xf32, #tpu.memory_space<vmem>>
          %dma_start3A_86 = arith.constant 0 : i32
          %dma_start3A_87 = tpu.memref_slice %arg12[%multiple_of3A, %dma_start3A_86] : memref<10016x128xf32, #tpu.memory_space<vmem_shared>> -> memref<24x128xf32, #tpu.memory_space<vmem_shared>>
          tpu.enqueue_dma source(%dma_start3A_87 : memref<24x128xf32, #tpu.memory_space<vmem_shared>>) target(%dma_start3A_85 : memref<24x128xf32, #tpu.memory_space<vmem>>) target_semaphore(%run_scoped3A : memref<!tpu.dma_semaphore, #tpu.memory_space<semaphore_mem>>)
          %dma_wait3A = arith.constant 0 : i32
          %dma_wait3A_88 = arith.constant 0 : i32
          %dma_wait3A_89 = tpu.memref_slice %arg11[%dma_wait3A, %dma_wait3A_88] : memref<128x128xf32, #tpu.memory_space<vmem>> -> memref<24x128xf32, #tpu.memory_space<vmem>>
          %dma_wait3A_90 = arith.constant 0 : i32
          %dma_wait3A_91 = tpu.memref_slice %arg12[%multiple_of3A, %dma_wait3A_90] : memref<10016x128xf32, #tpu.memory_space<vmem_shared>> -> memref<24x128xf32, #tpu.memory_space<vmem_shared>>
          %dma_wait3A_92 = arith.constant 0 : i32
          %dma_wait3A_93 = arith.constant 0 : i32
          %dma_wait3A_94 = tpu.memref_slice %arg11[%dma_wait3A_92, %dma_wait3A_93] : memref<128x128xf32, #tpu.memory_space<vmem>> -> memref<24x128xf32, #tpu.memory_space<vmem>>
          %dma_wait3A_95 = arith.constant 0 : i32
          %dma_wait3A_96 = tpu.memref_slice %arg12[%multiple_of3A, %dma_wait3A_95] : memref<10016x128xf32, #tpu.memory_space<vmem_shared>> -> memref<24x128xf32, #tpu.memory_space<vmem_shared>>
          tpu.wait_dma2 semaphore(%run_scoped3A : memref<!tpu.dma_semaphore, #tpu.memory_space<semaphore_mem>>) src(%dma_wait3A_96 : memref<24x128xf32, #tpu.memory_space<vmem_shared>>) dst(%dma_wait3A_94 : memref<24x128xf32, #tpu.memory_space<vmem>>)
          tpu.yield
        }) : () -> ()
        "tpu.region"() ({
          %run_scoped3A = tpu.sem_alloc : memref<!tpu.dma_semaphore, #tpu.memory_space<semaphore_mem>>
          %dma_start3A_78 = arith.constant 0 : i32
          %dma_start3A_79 = arith.constant 0 : i32
          %dma_start3A_80 = tpu.memref_slice %arg11[%dma_start3A_78, %dma_start3A_79] : memref<128x128xf32, #tpu.memory_space<vmem>> -> memref<24x128xf32, #tpu.memory_space<vmem>>
          %dma_start3A_81 = arith.constant 0 : i32
          %dma_start3A_82 = tpu.memref_slice %arg7[%multiple_of3A, %dma_start3A_81] : memref<10000x128xf32, #tpu.memory_space<hbm>> -> memref<24x128xf32, #tpu.memory_space<hbm>>
          %dma_start3A_83 = arith.constant 0 : i32
          %dma_start3A_84 = tpu.memref_slice %arg7[%multiple_of3A, %dma_start3A_83] : memref<10000x128xf32, #tpu.memory_space<hbm>> -> memref<24x128xf32, #tpu.memory_space<hbm>>
          %dma_start3A_85 = arith.constant 0 : i32
          %dma_start3A_86 = arith.constant 0 : i32
          %dma_start3A_87 = tpu.memref_slice %arg11[%dma_start3A_85, %dma_start3A_86] : memref<128x128xf32, #tpu.memory_space<vmem>> -> memref<24x128xf32, #tpu.memory_space<vmem>>
          tpu.enqueue_dma source(%dma_start3A_87 : memref<24x128xf32, #tpu.memory_space<vmem>>) target(%dma_start3A_84 : memref<24x128xf32, #tpu.memory_space<hbm>>) target_semaphore(%run_scoped3A : memref<!tpu.dma_semaphore, #tpu.memory_space<semaphore_mem>>)
          %dma_wait3A = arith.constant 0 : i32
          %dma_wait3A_88 = arith.constant 0 : i32
          %dma_wait3A_89 = tpu.memref_slice %arg11[%dma_wait3A, %dma_wait3A_88] : memref<128x128xf32, #tpu.memory_space<vmem>> -> memref<24x128xf32, #tpu.memory_space<vmem>>
          %dma_wait3A_90 = arith.constant 0 : i32
          %dma_wait3A_91 = tpu.memref_slice %arg7[%multiple_of3A, %dma_wait3A_90] : memref<10000x128xf32, #tpu.memory_space<hbm>> -> memref<24x128xf32, #tpu.memory_space<hbm>>
          %dma_wait3A_92 = arith.constant 0 : i32
          %dma_wait3A_93 = tpu.memref_slice %arg7[%multiple_of3A, %dma_wait3A_92] : memref<10000x128xf32, #tpu.memory_space<hbm>> -> memref<24x128xf32, #tpu.memory_space<hbm>>
          %dma_wait3A_94 = arith.constant 0 : i32
          %dma_wait3A_95 = arith.constant 0 : i32
          %dma_wait3A_96 = tpu.memref_slice %arg11[%dma_wait3A_94, %dma_wait3A_95] : memref<128x128xf32, #tpu.memory_space<vmem>> -> memref<24x128xf32, #tpu.memory_space<vmem>>
          tpu.wait_dma2 semaphore(%run_scoped3A : memref<!tpu.dma_semaphore, #tpu.memory_space<semaphore_mem>>) src(%dma_wait3A_96 : memref<24x128xf32, #tpu.memory_space<vmem>>) dst(%dma_wait3A_93 : memref<24x128xf32, #tpu.memory_space<hbm>>)
          tpu.yield
        }) : () -> ()
        %scan3A_77 = arith.constant 0 : i32
        scf.yield %scan3A_77 : i32
      }
      %scan3A_66 = arith.constant 26 : i32
      %eq3A_67 = arith.constant 0 : i32
      %eq3A_68 = arith.cmpi eq, %arg1, %eq3A_67 : i32
      %convert_element_type3A_69 = arith.extui %eq3A_68 : i1 to i32
      %cond3A_70 = arith.constant 0 : i32
      %cond3A_71 = arith.cmpi ne, %convert_element_type3A_69, %cond3A_70 : i32
      scf.if %cond3A_71 {
        "tpu.region"() ({
          %run_scoped3A = tpu.sem_alloc : memref<!tpu.dma_semaphore, #tpu.memory_space<semaphore_mem>>
          %dma_start3A_72 = arith.constant 0 : i32
          %dma_start3A_73 = arith.constant 0 : i32
          %dma_start3A_74 = tpu.memref_slice %arg11[%dma_start3A_72, %dma_start3A_73] : memref<128x128xf32, #tpu.memory_space<vmem>> -> memref<16x128xf32, #tpu.memory_space<vmem>>
          %dma_start3A_75 = arith.constant 9984 : i32
          %dma_start3A_76 = arith.constant 0 : i32
          %dma_start3A_77 = tpu.memref_slice %arg12[%dma_start3A_75, %dma_start3A_76] : memref<10016x128xf32, #tpu.memory_space<vmem_shared>> -> memref<16x128xf32, #tpu.memory_space<vmem_shared>>
          %dma_start3A_78 = arith.constant 0 : i32
          %dma_start3A_79 = arith.constant 0 : i32
          %dma_start3A_80 = tpu.memref_slice %arg11[%dma_start3A_78, %dma_start3A_79] : memref<128x128xf32, #tpu.memory_space<vmem>> -> memref<16x128xf32, #tpu.memory_space<vmem>>
          %dma_start3A_81 = arith.constant 9984 : i32
          %dma_start3A_82 = arith.constant 0 : i32
          %dma_start3A_83 = tpu.memref_slice %arg12[%dma_start3A_81, %dma_start3A_82] : memref<10016x128xf32, #tpu.memory_space<vmem_shared>> -> memref<16x128xf32, #tpu.memory_space<vmem_shared>>
          tpu.enqueue_dma source(%dma_start3A_83 : memref<16x128xf32, #tpu.memory_space<vmem_shared>>) target(%dma_start3A_80 : memref<16x128xf32, #tpu.memory_space<vmem>>) target_semaphore(%run_scoped3A : memref<!tpu.dma_semaphore, #tpu.memory_space<semaphore_mem>>)
          %dma_wait3A = arith.constant 0 : i32
          %dma_wait3A_84 = arith.constant 0 : i32
          %dma_wait3A_85 = tpu.memref_slice %arg11[%dma_wait3A, %dma_wait3A_84] : memref<128x128xf32, #tpu.memory_space<vmem>> -> memref<16x128xf32, #tpu.memory_space<vmem>>
          %dma_wait3A_86 = arith.constant 9984 : i32
          %dma_wait3A_87 = arith.constant 0 : i32
          %dma_wait3A_88 = tpu.memref_slice %arg12[%dma_wait3A_86, %dma_wait3A_87] : memref<10016x128xf32, #tpu.memory_space<vmem_shared>> -> memref<16x128xf32, #tpu.memory_space<vmem_shared>>
          %dma_wait3A_89 = arith.constant 0 : i32
          %dma_wait3A_90 = arith.constant 0 : i32
          %dma_wait3A_91 = tpu.memref_slice %arg11[%dma_wait3A_89, %dma_wait3A_90] : memref<128x128xf32, #tpu.memory_space<vmem>> -> memref<16x128xf32, #tpu.memory_space<vmem>>
          %dma_wait3A_92 = arith.constant 9984 : i32
          %dma_wait3A_93 = arith.constant 0 : i32
          %dma_wait3A_94 = tpu.memref_slice %arg12[%dma_wait3A_92, %dma_wait3A_93] : memref<10016x128xf32, #tpu.memory_space<vmem_shared>> -> memref<16x128xf32, #tpu.memory_space<vmem_shared>>
          tpu.wait_dma2 semaphore(%run_scoped3A : memref<!tpu.dma_semaphore, #tpu.memory_space<semaphore_mem>>) src(%dma_wait3A_94 : memref<16x128xf32, #tpu.memory_space<vmem_shared>>) dst(%dma_wait3A_91 : memref<16x128xf32, #tpu.memory_space<vmem>>)
          tpu.yield
        }) : () -> ()
        "tpu.region"() ({
          %run_scoped3A = tpu.sem_alloc : memref<!tpu.dma_semaphore, #tpu.memory_space<semaphore_mem>>
          %dma_start3A_72 = arith.constant 0 : i32
          %dma_start3A_73 = arith.constant 0 : i32
          %dma_start3A_74 = tpu.memref_slice %arg11[%dma_start3A_72, %dma_start3A_73] : memref<128x128xf32, #tpu.memory_space<vmem>> -> memref<16x128xf32, #tpu.memory_space<vmem>>
          %dma_start3A_75 = arith.constant 9984 : i32
          %dma_start3A_76 = arith.constant 0 : i32
          %dma_start3A_77 = tpu.memref_slice %arg7[%dma_start3A_75, %dma_start3A_76] : memref<10000x128xf32, #tpu.memory_space<hbm>> -> memref<16x128xf32, #tpu.memory_space<hbm>>
          %dma_start3A_78 = arith.constant 9984 : i32
          %dma_start3A_79 = arith.constant 0 : i32
          %dma_start3A_80 = tpu.memref_slice %arg7[%dma_start3A_78, %dma_start3A_79] : memref<10000x128xf32, #tpu.memory_space<hbm>> -> memref<16x128xf32, #tpu.memory_space<hbm>>
          %dma_start3A_81 = arith.constant 0 : i32
          %dma_start3A_82 = arith.constant 0 : i32
          %dma_start3A_83 = tpu.memref_slice %arg11[%dma_start3A_81, %dma_start3A_82] : memref<128x128xf32, #tpu.memory_space<vmem>> -> memref<16x128xf32, #tpu.memory_space<vmem>>
          tpu.enqueue_dma source(%dma_start3A_83 : memref<16x128xf32, #tpu.memory_space<vmem>>) target(%dma_start3A_80 : memref<16x128xf32, #tpu.memory_space<hbm>>) target_semaphore(%run_scoped3A : memref<!tpu.dma_semaphore, #tpu.memory_space<semaphore_mem>>)
          %dma_wait3A = arith.constant 0 : i32
          %dma_wait3A_84 = arith.constant 0 : i32
          %dma_wait3A_85 = tpu.memref_slice %arg11[%dma_wait3A, %dma_wait3A_84] : memref<128x128xf32, #tpu.memory_space<vmem>> -> memref<16x128xf32, #tpu.memory_space<vmem>>
          %dma_wait3A_86 = arith.constant 9984 : i32
          %dma_wait3A_87 = arith.constant 0 : i32
          %dma_wait3A_88 = tpu.memref_slice %arg7[%dma_wait3A_86, %dma_wait3A_87] : memref<10000x128xf32, #tpu.memory_space<hbm>> -> memref<16x128xf32, #tpu.memory_space<hbm>>
          %dma_wait3A_89 = arith.constant 9984 : i32
          %dma_wait3A_90 = arith.constant 0 : i32
          %dma_wait3A_91 = tpu.memref_slice %arg7[%dma_wait3A_89, %dma_wait3A_90] : memref<10000x128xf32, #tpu.memory_space<hbm>> -> memref<16x128xf32, #tpu.memory_space<hbm>>
          %dma_wait3A_92 = arith.constant 0 : i32
          %dma_wait3A_93 = arith.constant 0 : i32
          %dma_wait3A_94 = tpu.memref_slice %arg11[%dma_wait3A_92, %dma_wait3A_93] : memref<128x128xf32, #tpu.memory_space<vmem>> -> memref<16x128xf32, #tpu.memory_space<vmem>>
          tpu.wait_dma2 semaphore(%run_scoped3A : memref<!tpu.dma_semaphore, #tpu.memory_space<semaphore_mem>>) src(%dma_wait3A_94 : memref<16x128xf32, #tpu.memory_space<vmem>>) dst(%dma_wait3A_91 : memref<16x128xf32, #tpu.memory_space<hbm>>)
          tpu.yield
        }) : () -> ()
      } else {
      }
    } else {
    }
    return
  }
}

module attributes {stable_mosaic.version = 14 : i64} {
  func.func @_proj_body(%arg0: i32, %arg1: memref<1000x256xf32, #tpu.memory_space<vmem>>, %arg2: memref<256x256xf32, #tpu.memory_space<vmem>>, %arg3: memref<1000x32xf32, #tpu.memory_space<vmem>>, %arg4: memref<1000x128xf32, #tpu.memory_space<vmem>>, %arg5: memref<1000x128xf32, #tpu.memory_space<vmem>>, %arg6: memref<1000x1xf32, #tpu.memory_space<vmem>>) attributes {dimension_semantics = [#tpu.dimension_semantics<arbitrary>], iteration_bounds = array<i64: 10>, scalar_prefetch = 0 : i64, scratch_operands = 0 : i64, tpu.core_type = #tpu.core_type<tc>, window_params = [{transform_indices = @transform_0, window_bounds = array<i64: 1000, 256>}, {pipeline_mode = #tpu.pipeline_mode<synchronous>, transform_indices = @transform_1, window_bounds = array<i64: 256, 256>}, {transform_indices = @transform_2, window_bounds = array<i64: 1000, 32>}, {transform_indices = @transform_3, window_bounds = array<i64: 1000, 128>}, {transform_indices = @transform_4, window_bounds = array<i64: 1000, 128>}, {transform_indices = @transform_5, window_bounds = array<i64: 1000, 1>}]} {
    %get3A = arith.constant 0 : index
    %get3A_0 = arith.constant 0 : index
    %get3A_1 = vector.load %arg3[%get3A, %get3A_0] : memref<1000x32xf32, #tpu.memory_space<vmem>>, vector<1000x32xf32>
    %reduce_sum3A = arith.constant dense<0.000000e+00> : vector<1000xf32>
    %reduce_sum3A_2 = vector.multi_reduction <add>, %get3A_1, %reduce_sum3A [1] : vector<1000x32xf32> to vector<1000xf32>
    %add3A = arith.constant 1.000000e+00 : f32
    %add3A_3 = vector.broadcast %add3A : f32 to vector<1000xf32>
    %add3A_4 = arith.addf %add3A_3, %reduce_sum3A_2 : vector<1000xf32>
    %rsqrt3A = math.rsqrt %add3A_4 : vector<1000xf32>
    %get3A_5 = arith.constant 0 : index
    %get3A_6 = arith.constant 0 : index
    %get3A_7 = vector.load %arg1[%get3A_5, %get3A_6] : memref<1000x256xf32, #tpu.memory_space<vmem>>, vector<1000x256xf32>
    %get3A_8 = arith.constant 0 : index
    %get3A_9 = arith.constant 0 : index
    %get3A_10 = vector.load %arg2[%get3A_8, %get3A_9] : memref<256x256xf32, #tpu.memory_space<vmem>>, vector<256x256xf32>
    %dot_general3A = arith.constant dense<0.000000e+00> : vector<1000x256xf32>
    %dot_general3A_11 = tpu.matmul %get3A_7, %get3A_10, %dot_general3A {dimension_numbers = #tpu.dot_dimension_numbers<[1], [0], [0], [1], [0, 0, 1, 1], [], []>, transpose_lhs_hint = false} : vector<1000x256xf32>, vector<256x256xf32>, vector<1000x256xf32> -> vector<1000x256xf32>
    %broadcast_in_dim3A = vector.shape_cast %rsqrt3A : vector<1000xf32> to vector<1000x1xf32>
    %mul3A = vector.broadcast %broadcast_in_dim3A : vector<1000x1xf32> to vector<1000x256xf32>
    %mul3A_12 = arith.mulf %dot_general3A_11, %mul3A : vector<1000x256xf32>
    %slice3A = vector.extract_strided_slice %mul3A_12 {offsets = [0, 0], sizes = [1000, 128], strides = [1, 1]} : vector<1000x256xf32> to vector<1000x128xf32>
    %swap3A = arith.constant 0 : index
    %swap3A_13 = arith.constant 0 : index
    %swap3A_14 = vector.load %arg4[%swap3A, %swap3A_13] : memref<1000x128xf32, #tpu.memory_space<vmem>>, vector<1000x128xf32>
    tpu.vector_store %arg4[%swap3A, %swap3A_13], %slice3A {strides = array<i32>} : memref<1000x128xf32, #tpu.memory_space<vmem>>, vector<1000x128xf32>,
    %slice3A_15 = vector.extract_strided_slice %mul3A_12 {offsets = [0, 128], sizes = [1000, 128], strides = [1, 1]} : vector<1000x256xf32> to vector<1000x128xf32>
    %swap3A_16 = arith.constant 0 : index
    %swap3A_17 = arith.constant 0 : index
    %swap3A_18 = vector.load %arg5[%swap3A_16, %swap3A_17] : memref<1000x128xf32, #tpu.memory_space<vmem>>, vector<1000x128xf32>
    tpu.vector_store %arg5[%swap3A_16, %swap3A_17], %slice3A_15 {strides = array<i32>} : memref<1000x128xf32, #tpu.memory_space<vmem>>, vector<1000x128xf32>,
    %broadcast_in_dim3A_19 = vector.shape_cast %rsqrt3A : vector<1000xf32> to vector<1000x1xf32>
    %swap3A_20 = arith.constant 0 : index
    %swap3A_21 = arith.constant 0 : index
    %swap3A_22 = vector.load %arg6[%swap3A_20, %swap3A_21] : memref<1000x1xf32, #tpu.memory_space<vmem>>, vector<1000x1xf32>
    tpu.vector_store %arg6[%swap3A_20, %swap3A_21], %broadcast_in_dim3A_19 {strides = array<i32>} : memref<1000x1xf32, #tpu.memory_space<vmem>>, vector<1000x1xf32>,
    return
  }
  func.func @transform_0(%arg0: i32) -> (i32, i32) {
    %c0_i32 = arith.constant 0 : i32
    %c0_i32_0 = arith.constant 0 : i32
    return %arg0, %c0_i32 : i32, i32
  }
  func.func @transform_1(%arg0: i32) -> (i32, i32) {
    %c0_i32 = arith.constant 0 : i32
    %c0_i32_0 = arith.constant 0 : i32
    %c0_i32_1 = arith.constant 0 : i32
    return %c0_i32, %c0_i32_0 : i32, i32
  }
  func.func @transform_2(%arg0: i32) -> (i32, i32) {
    %c0_i32 = arith.constant 0 : i32
    %c0_i32_0 = arith.constant 0 : i32
    return %arg0, %c0_i32 : i32, i32
  }
  func.func @transform_3(%arg0: i32) -> (i32, i32) {
    %c0_i32 = arith.constant 0 : i32
    %c0_i32_0 = arith.constant 0 : i32
    return %arg0, %c0_i32 : i32, i32
  }
  func.func @transform_4(%arg0: i32) -> (i32, i32) {
    %c0_i32 = arith.constant 0 : i32
    %c0_i32_0 = arith.constant 0 : i32
    return %arg0, %c0_i32 : i32, i32
  }
  func.func @transform_5(%arg0: i32) -> (i32, i32) {
    %c0_i32 = arith.constant 0 : i32
    %c0_i32_0 = arith.constant 0 : i32
    return %arg0, %c0_i32 : i32, i32
  }
}

module attributes {stable_mosaic.version = 14 : i64} {
  func.func @_final_body(%arg0: i32, %arg1: memref<1000x128xf32, #tpu.memory_space<vmem>>, %arg2: memref<1000x128xf32, #tpu.memory_space<vmem>>, %arg3: memref<1000x1xf32, #tpu.memory_space<vmem>>, %arg4: memref<1x256xf32, #tpu.memory_space<vmem>>, %arg5: memref<1000x256xf32, #tpu.memory_space<vmem>>) attributes {dimension_semantics = [#tpu.dimension_semantics<arbitrary>], iteration_bounds = array<i64: 10>, scalar_prefetch = 0 : i64, scratch_operands = 0 : i64, tpu.core_type = #tpu.core_type<tc>, window_params = [{transform_indices = @transform_0, window_bounds = array<i64: 1000, 128>}, {transform_indices = @transform_1, window_bounds = array<i64: 1000, 128>}, {transform_indices = @transform_2, window_bounds = array<i64: 1000, 1>}, {pipeline_mode = #tpu.pipeline_mode<synchronous>, transform_indices = @transform_3, window_bounds = array<i64: 1, 256>}, {transform_indices = @transform_4, window_bounds = array<i64: 1000, 256>}]} {
    %get3A = arith.constant 0 : index
    %get3A_0 = arith.constant 0 : index
    %get3A_1 = vector.load %arg3[%get3A, %get3A_0] : memref<1000x1xf32, #tpu.memory_space<vmem>>, vector<1000x1xf32>
    %get3A_2 = arith.constant 0 : index
    %get3A_3 = arith.constant 0 : index
    %get3A_4 = vector.load %arg1[%get3A_2, %get3A_3] : memref<1000x128xf32, #tpu.memory_space<vmem>>, vector<1000x128xf32>
    %mul3A = vector.broadcast %get3A_1 : vector<1000x1xf32> to vector<1000x128xf32>
    %mul3A_5 = arith.mulf %get3A_4, %mul3A : vector<1000x128xf32>
    %get3A_6 = arith.constant 0 : index
    %get3A_7 = arith.constant 0 : index
    %get3A_8 = vector.load %arg4[%get3A_6, %get3A_7] : memref<1x256xf32, #tpu.memory_space<vmem>>, vector<1x128xf32>
    %add3A = vector.broadcast %get3A_8 : vector<1x128xf32> to vector<1000x128xf32>
    %add3A_9 = arith.addf %mul3A_5, %add3A : vector<1000x128xf32>
    %swap3A = arith.constant 0 : index
    %swap3A_10 = arith.constant 0 : index
    %swap3A_11 = vector.load %arg5[%swap3A, %swap3A_10] : memref<1000x256xf32, #tpu.memory_space<vmem>>, vector<1000x128xf32>
    tpu.vector_store %arg5[%swap3A, %swap3A_10], %add3A_9 {strides = array<i32>} : memref<1000x256xf32, #tpu.memory_space<vmem>>, vector<1000x128xf32>,
    %get3A_12 = arith.constant 0 : index
    %get3A_13 = arith.constant 0 : index
    %get3A_14 = vector.load %arg2[%get3A_12, %get3A_13] : memref<1000x128xf32, #tpu.memory_space<vmem>>, vector<1000x128xf32>
    %mul3A_15 = vector.broadcast %get3A_1 : vector<1000x1xf32> to vector<1000x128xf32>
    %mul3A_16 = arith.mulf %get3A_14, %mul3A_15 : vector<1000x128xf32>
    %get3A_17 = arith.constant 0 : index
    %get3A_18 = arith.constant 128 : index
    %get3A_19 = vector.load %arg4[%get3A_17, %get3A_18] : memref<1x256xf32, #tpu.memory_space<vmem>>, vector<1x128xf32>
    %add3A_20 = vector.broadcast %get3A_19 : vector<1x128xf32> to vector<1000x128xf32>
    %add3A_21 = arith.addf %mul3A_16, %add3A_20 : vector<1000x128xf32>
    %swap3A_22 = arith.constant 0 : index
    %swap3A_23 = arith.constant 128 : index
    %swap3A_24 = vector.load %arg5[%swap3A_22, %swap3A_23] : memref<1000x256xf32, #tpu.memory_space<vmem>>, vector<1000x128xf32>
    tpu.vector_store %arg5[%swap3A_22, %swap3A_23], %add3A_21 {strides = array<i32>} : memref<1000x256xf32, #tpu.memory_space<vmem>>, vector<1000x128xf32>,
    return
  }
  func.func @transform_0(%arg0: i32) -> (i32, i32) {
    %c0_i32 = arith.constant 0 : i32
    %c0_i32_0 = arith.constant 0 : i32
    return %arg0, %c0_i32 : i32, i32
  }
  func.func @transform_1(%arg0: i32) -> (i32, i32) {
    %c0_i32 = arith.constant 0 : i32
    %c0_i32_0 = arith.constant 0 : i32
    return %arg0, %c0_i32 : i32, i32
  }
  func.func @transform_2(%arg0: i32) -> (i32, i32) {
    %c0_i32 = arith.constant 0 : i32
    %c0_i32_0 = arith.constant 0 : i32
    return %arg0, %c0_i32 : i32, i32
  }
  func.func @transform_3(%arg0: i32) -> (i32, i32) {
    %c0_i32 = arith.constant 0 : i32
    %c0_i32_0 = arith.constant 0 : i32
    %c0_i32_1 = arith.constant 0 : i32
    return %c0_i32, %c0_i32_0 : i32, i32
  }
  func.func @transform_4(%arg0: i32) -> (i32, i32) {
    %c0_i32 = arith.constant 0 : i32
    %c0_i32_0 = arith.constant 0 : i32
    return %arg0, %c0_i32 : i32, i32
  }
}

</mosaic_0001>

<sc_bundles>
// kernel: kernel.6.cloned.1.call-start
scs
__scs_entry_jumppad:
0x0: {  	(pc) =	sbr.rel $0x88, $3  }
0x1: {  	(tag) =	ssettag $0x0;
	lr =	simm.s32 $0x1  }
0x2: {  	[smem:$0x3F9D] =	sst lr;
	_ =	strace $0xD0000000  }
0x3: {  	_ = 	snop  }
0x4: {  	_ = 	snop  }
0x5: {  	_ = 	snop  }
0x6: {  	_ = 	snop  }
0x7: {  	_ = 	snop  }
__scs_overlays_trampoline_lowered:
0x8: {  	[smem:$0x3FAC] =	sst s0  }
0x9: {  	[smem:$0x3FAD] =	sst s1  }
0xa: {  	[smem:$0x3FAE] =	sst s2  }
0xb: {  	[smem:$0x3FAF] =	sst s3  }
0xc: {  	[smem:$0x3FB0] =	sst s4  }
0xd: {  	[smem:$0x3FB1] =	sst s5  }
0xe: {  	[smem:$0x3FB2] =	sst s6  }
0xf: {  	[smem:$0x3FB3] =	sst s7  }
0x10: {  	[smem:$0x3FB4] =	sst s8  }
0x11: {  	[smem:$0x3FB5] =	sst s9;
	s0 =	simm.s32 @!p0 $0x0  }
0x12: {  	s1 =	sld [smem:$0x3F9B];
	s0 =	simm.s32 @p0 $0x1  }
0x13: {  	[smem:$0x3FB6] =	sst s0;
	s0 =	simm.s32 @!p1 $0x0  }
0x14: {  	s2 =	sld [smem:$0x3F9A];
	s0 =	simm.s32 @p1 $0x1  }
0x15: {  	[smem:$0x3FB7] =	sst s0;
	s0 =	simm.s32 @!p2 $0x0  }
0x16: {  	s3 =	sld [smem:$0x3FDB];
	s0 =	simm.s32 @p2 $0x1  }
0x17: {  	s4 =	simm.s32 $0x1BF5;
	[smem:$0x3FB9] =	sst s0  }
0x18: {  	s0 =	sld [smem:$0x3F9C];
	_ =	swait.ge [sflag:s4], $0x0  }
0x19: {  	s7 =	sld [smem:$0x3F9D]  }
0x1a: {  	s8 =	sadd.s32 $0xFFFFE003, lr  }
0x1b: {  	s9 =	sadd.s32 $0xFFFFFEF7, lr;
	s5 =	simm.s32 $0xFFFFFFFF;
	p2 =	slt.u32 s8, $0xFFFFF086  }
0x1c: {  	p1 =	slt.u32 s9, $0xF7A;
	s5 =	simm.s32 @!p2 $0x0  }
0x1d: {  	s5 =	simm.s32 @p1 $0x1;
	p0 =	seq.s32 s7, s2  }
0x1e: {  	s7 =	smul.u32 @!p0 $0xF7A, s2;
	p2 =	seq.s32 @!p0 s5, $0x0  }
0x1f: {  	s9 =	smul.u32 $0xF7A, s1;
	s8 =	simm.s32 @!p0 $0x1BF5;
	p2 =	por !p2, p0  }
0x20: {  	[sflag:s8] =	ssyncset.s32 @!p0 $0xFFFFF086;
	s6 =	sadd.s32 @!p0 s3, s7;
	s7 =	simm.s32 @!p0 $0x108  }
0x21: {  	s3 =	sadd.s32 s3, s9;
	s6 =	sadd.s32 @!p0 $0x88, s6;
	s7 =	simm.s32 @p2 $0x1082  }
0x22: {  	[simem:s7], [sflag:s8] =	dma.local @!p0 [hbm:s6], $0xF7A  }
0x23: {  	s9 =	sor.u32 $0xD0000000, s2;
	s6 =	simm.s32 $0x108;
	_ =	swait.ge @!p0 [sflag:s8], $0x0  }
0x24: {  	s3 =	sadd.s32 $0x88, s3;
	s6 =	simm.s32 @!p1 $0x1082;
	[sflag:s4] =	ssyncset.s32 $0xFFFFF086  }
0x25: {  	[simem:s6], [sflag:s4] =	dma.local [hbm:s3], $0xF7A  }
0x26: {  	[smem:$0x3F9D] =	sst s1;
	(tag) =	ssettag s2;
	_ =	strace s9  }
0x27: {  	s1 =	sld [smem:$0x3FAD]  }
0x28: {  	s2 =	sld [smem:$0x3FAE]  }
0x29: {  	s4 =	sld [smem:$0x3FB0]  }
0x2a: {  	p0 =	seq.s32 s5, $0x0;
	s5 =	sld [smem:$0x3FB1]  }
0x2b: {  	s6 =	sld [smem:$0x3FB2]  }
0x2c: {  	s7 =	sld [smem:$0x3FB3]  }
0x2d: {  	s3 =	simm.s32 $0x108;
	s8 =	sld [smem:$0x3FB4]  }
0x2e: {  	s3 =	simm.s32 @!p0 $0x1082;
	s9 =	sld [smem:$0x3FB5]  }
0x2f: {  	lr =	sadd.s32 s0, s3;
	s0 =	sld [smem:$0x3FAC]  }
0x30: {  	s3 =	sld [smem:$0x3FAF]  }
0x31: {  	[smem:$0x3FB8] =	sst s10  }
0x32: {  	s10 =	sld [smem:$0x3FB6];
	_ =	sdelay $0x3  }
0x33: {  	p0 =	seq.s32 s10, $0x1;
	s10 =	sld [smem:$0x3FB8];
	_ =	sdelay $0x3  }
0x34: {  	[smem:$0x3FB8] =	sst s10  }
0x35: {  	s10 =	sld [smem:$0x3FB7];
	_ =	sdelay $0x3  }
0x36: {  	p1 =	seq.s32 s10, $0x1;
	s10 =	sld [smem:$0x3FB8];
	_ =	sdelay $0x3  }
0x37: {  	[smem:$0x3FB8] =	sst s10  }
0x38: {  	s10 =	sld [smem:$0x3FB9]  }
0x39: {  	_ = 	snop;
	(pc) =	sbr.ind lr, $3  }
0x3a: {  	_ = 	snop  }
0x3b: {  	_ = 	snop  }
0x3c: {  	p2 =	seq.s32 s10, $0x1;
	s10 =	sld [smem:$0x3FB8]  }
0x3d: {  	_ =	shalt  }
0x3e: {  	_ =	shalt  }
0x3f: {  	_ =	shalt  }
0x40: {  	_ =	shalt  }
0x41: {  	_ =	shalt  }
0x42: {  	_ =	shalt  }
0x43: {  	_ =	shalt  }
0x44: {  	_ =	shalt  }
0x45: {  	_ =	shalt  }
0x46: {  	_ =	shalt  }
0x47: {  	_ =	shalt  }
0x48: {  	_ =	shalt  }
0x49: {  	_ =	shalt  }
0x4a: {  	_ =	shalt  }
0x4b: {  	_ =	shalt  }
0x4c: {  	_ =	shalt  }
0x4d: {  	_ =	shalt  }
0x4e: {  	_ =	shalt  }
0x4f: {  	_ =	shalt  }
0x50: {  	_ =	shalt  }
0x51: {  	_ =	shalt  }
0x52: {  	_ =	shalt  }
0x53: {  	_ =	shalt  }
0x54: {  	_ =	shalt  }
0x55: {  	_ =	shalt  }
0x56: {  	_ =	shalt  }
0x57: {  	_ =	shalt  }
0x58: {  	_ =	shalt  }
0x59: {  	_ =	shalt  }
0x5a: {  	_ =	shalt  }
0x5b: {  	_ =	shalt  }
0x5c: {  	_ =	shalt  }
0x5d: {  	_ =	shalt  }
0x5e: {  	_ =	shalt  }
0x5f: {  	_ =	shalt  }
0x60: {  	_ =	shalt  }
0x61: {  	_ =	shalt  }
0x62: {  	_ =	shalt  }
0x63: {  	_ =	shalt  }
0x64: {  	_ =	shalt  }
0x65: {  	_ =	shalt  }
0x66: {  	_ =	shalt  }
0x67: {  	_ =	shalt  }
0x68: {  	_ =	shalt  }
0x69: {  	_ =	shalt  }
0x6a: {  	_ =	shalt  }
0x6b: {  	_ =	shalt  }
0x6c: {  	_ =	shalt  }
0x6d: {  	_ =	shalt  }
0x6e: {  	_ =	shalt  }
0x6f: {  	_ =	shalt  }
0x70: {  	_ =	shalt  }
0x71: {  	_ =	shalt  }
0x72: {  	_ =	shalt  }
0x73: {  	_ =	shalt  }
0x74: {  	_ =	shalt  }
0x75: {  	_ =	shalt  }
0x76: {  	_ =	shalt  }
0x77: {  	_ =	shalt  }
0x78: {  	_ =	shalt  }
0x79: {  	_ =	shalt  }
0x7a: {  	_ =	shalt  }
0x7b: {  	_ =	shalt  }
0x7c: {  	_ =	shalt  }
0x7d: {  	_ =	shalt  }
0x7e: {  	_ =	shalt  }
0x7f: {  	_ =	shalt  }
0x80: {  	_ =	shalt  }
0x81: {  	_ =	shalt  }
0x82: {  	_ =	shalt  }
0x83: {  	_ =	shalt  }
0x84: {  	_ =	shalt  }
0x85: {  	_ =	shalt  }
0x86: {  	_ =	shalt  }
0x87: {  	_ =	shalt  }
.Lfunc_end0:
.L_simem_size_0:
called_computation_lowered:
.L_overlay_start_0:
0x88: {  	s2 =	sld [smem:$0x3FD9]  }
0x89: {  	s3 =	sld [smem:$0x3FFE];
	_ =	sdelay $0x1  }
0x8a: {  	s1 =	srdreg.scid  }
0x8b: {  	s0 =	sand.u32 $0x1, s1  }
0x8c: {  	s17 =	sshll.u32 s0, $0xA;
	s2 =	sadd.s32 s3, s2  }
0x8d: {  	s2 =	sadd.s32 s2, s17  }
0x8e: {  	[smem:$0x3FC4] =	sst s2  }
0x8f: {  	_ = 	snop  }
0x90: {  	s2 =	sld [smem:$0x3FD0];
	(tm) =	ssettm $0x1  }
0x91: {  	s18 =	sld [smem:$0x3FFB];
	_ =	sdelay $0x3  }
0x92: {  	_ =	strace s18  }
0x93: {  	s3 =	sld [smem:$0x3FFC];
	_ =	sdelay $0x3  }
0x94: {  	_ =	strace s3  }
0x95: {  	s3 =	sld [smem:$0x3FFD];
	_ =	sdelay $0x3  }
0x96: {  	_ =	strace s3  }
0x97: {  	_ =	strace $0x8FFFFFFF  }
0x98: {  	s19 =	sld [smem:$0x3FDB];
	_ =	sdelay $0x1  }
0x99: {  	s4 =	simm.s32 $_scs_section_size  }
0x9a: {  	s5 =	simm.s32 $_size__tile_overlayer_lowered;
	s6 =	simm.s32 $_tile_overlayer_lowered  }
0x9b: {  	s22 =	simm.s32 $0x1BFF;
	s21 =	sshll.u32 s6, $0x1;
	s3 =	sadd.s32 s4, s19  }
0x9c: {  	s7 =	simm.s32 $0x0;
	s20 =	sshll.u32 s5, $0x1;
	s5 =	sadd.s32 s21, s3  }
0x9d: {  	[timem:s7], [sflag:s22] =	dma.local [hbm:s5], s20  }
0x9e: {  	_ =	swait.ge [sflag:s22], s20  }
0x9f: {  	s4 =	ssub.s32 $0x0, s20;
	[sflag:s22] =	ssyncset.done $0x0  }
0xa0: {  	[sflag:s22] =	ssyncadd.s32 s4;
	_ =	sdelay $0x1  }
0xa1: {  	s23 =	simm.s32 $0x1B8B  }
0xa2: {  	_ =	swait.ge [sflag:s23], $0x1  }
0xa3: {  	[sflag:s23] =	ssyncset.done $0x0  }
0xa4: {  	s25 =	simm.s32 $0x1B8E;
	s24 =	sld [smem:$0x3FFE];
	[sflag:s23] =	ssyncadd.s32 $0xFFFFFFFF  }
0xa5: {  	s26 =	simm.s32 $execute0_lowered;
	[smem:$0x3FD2] =	sst s25  }
0xa6: {  	s5 =	sshll.u32 s26, $0x1;
	_ =	strace $0x80000046;
	[dreg:$0x1] =	wrdreg $0xFFFFFFFF  }
0xa7: {  	s28 =	simm.s32 $_size_execute0_lowered;
	s3 =	sadd.s32 s3, s5;
	[dreg:$0x0] =	wrdreg $0x0  }
0xa8: {  	s5 =	sshll.u32 s28, $0x1;
	[dreg:$0x2] =	wrdreg s3  }
0xa9: {  	[dreg:$0x3] =	wrdreg s5  }
0xaa: {  	[dreg:$0x4] =	wrdreg $0xC0  }
0xab: {  	_ =	task [dreg:s7], $0x5FFFF  }
0xac: {  	[dreg:$0x1] =	wrdreg $0xFFFFFFFF  }
0xad: {  	[dreg:$0x0] =	wrdreg $0x60  }
0xae: {  	[dreg:$0x2] =	wrdreg s24  }
0xaf: {  	[dreg:$0x3] =	wrdreg s2  }
0xb0: {  	[dreg:$0x4] =	wrdreg $0x9  }
0xb1: {  	_ =	task.clear_ibuf [dreg:s7], $0x5FFFF;
	_ =	strace $0x90000046  }
0xb2: {  	s29 =	simm.s32 $0x9;
	_ =	strace $0x80000048  }
0xb3: {  	_ =	swait.ge [sflag:s29], $0x1  }
0xb4: {  	[sflag:s29] =	ssyncadd.s32 $0xFFFFFFFF  }
0xb5: {  	_ =	strace $0x90000048  }
0xb6: {  	_ =	sfence  }
0xb7: {  	s30 =	sld [smem:$0x0];
	_ =	sdelay $0x2  }
0xb8: {  	s31 =	sshll.u32 s1, $0xD;
	s1 =	sshrl.u32 s1, $0x2  }
0xb9: {  	s3 =	sand.u32 $0x4000, s31;
	s1 =	sadd.s32 s1, s30  }
0xba: {  	s0 =	sor.u32 s3, s0;
	s1 =	sshll.u32 s1, $0x11  }
0xbb: {  	s0 =	sor.u32 s1, s0  }
0xbc: {  	s0 =	sadd.s32 $0x8F2B, s0  }
0xbd: {  	[sflag:s0] =	ssyncadd.remote.s32 $0x1  }
0xbe: {  	_ =	sfence.sel $0xFFFF  }
0xbf: {  	[dreg:$0x0] =	wrdreg $0xFFFFFFFF;
	(pc) =	sbr.abs _section_cstart, $3  }
0xc0: {  	[dreg:$0x1] =	wrdreg $0xFFFFFFFF  }
0xc1: {  	_ =	task.clear_ibuf [dreg:s7], $0x2FFFF;
	_ =	strace $0x9FFFFFFF  }
0xc2: {  	(tm) =	ssettm $0x7FFFFFFF  }
0xc3: {  	_ =	shalt  }
tec
execute0_lowered:
.L_overlay_start_1:
0x0: {  	(tag) =	ssettag $0x1  }
0x1: {  	s3 =	rddreg [dreg:$0x0];
	s1 =	srdreg.scid  }
0x2: {  	s0 =	stileid.u32;
	s4 =	rddreg [dreg:$0x1];
	s9 =	simm.s32 $0x400  }
0x3: {  	s5 =	sand.u32 $0x1, s1;
	s2 =	sshll.u32 s0, $0x1;
	s8 =	sshrl.u32 s0, $0x2  }
0x4: {  	s1 =	rddreg [dreg:$0x2];
	s6 =	sor.u32 s5, s2;
	s8 =	smul.u32 $0x13C00, s8  }
0x5: {  	s2 =	simm.s32 $0x0;
	s5 =	ssub.s32 $0x2, s5;
	s7 =	smul.u32 $0x271, s6  }
0x6: {  	[smem:$0x7FF] =	sst s2;
	s6 =	sshll.u32 s6, $0x7;
	s31 =	sshrl.u32 s5, $0x1  }
0x7: {  	_ =	strace $0x80000047;
	s6 =	sand.u32 $0x380, s6;
	s5 =	ssub.s32 s5, s31  }
0x8: {  	s3 =	sadd.s32 s7, s3;
	s6 =	sor.u32 s8, s6;
	s5 =	smax.u32 s5, $0x1  }
0x9: {  	s7 =	simm.s32 $0x1400;
	s8 =	simm.s32 $0x80;
	s6 =	sshrl.u32 s6, $0x3  }
0xa: {  	v0 =	vimm.f32 $0.0e+00;
	v1 =	vimm.s32 $0x0;
	v2 =	vimm.f32 $1.000000000e+00;
	s3 =	sadd.s32 $0x1400, s3;
	s4 =	sadd.s32 s4, s6;
	s6 =	simm.s32 $0x1  }
.LBB2_1:
0xb: {  	s10 =	simm.s32 $0x40;
	s11 =	simm.s32 $0x0  }
.LBB2_2:
0xc: {  	p0 =	sne.s32 s10, $0x9C00;
	[tilespmem:s11+$0x1400] =	vst v0;
	s11 =	smov.u32 s10;
	s10 =	sadd.s32 $0x40, s10  }
.Ltmp0:
0xd: {  	(pc) =	sbr.rel @p0 .LBB2_2-.Ltmp0, $2  }
0xe: {  	_ =	sdelay $0x2  }
0xf: {  	s11 =	sshra.s32 s11, $0x2  }
0x10: {  	[tilespmem:s11+$0x1400] =	vst v0  }
0x11: {  	s10 =	simm.s32 $0x0;
	[tilespmem:$0x1380] =	vst v1  }
0x12: {  	[tilespmem:s10], [sflag:$0x1] =	stream.linear.gather [hbm4b:s3+s10], $0x1388, $0x38;
	[tilespmem:$0x3B80] =	vst v63  }
0x13: {  	_ =	swait.ge [sflag:s6], $0x1388  }
0x14: {  	[sflag:s6] =	ssyncset.done $0x0  }
0x15: {  	s11 =	simm.s32 $0x0;
	s10 =	simm.s32 $0x40;
	[sflag:s6] =	ssyncadd.s32 $0xFFFFEC78  }
.LBB2_4:
0x16: {  	p0 =	sne.s32 s10, $0x4DC0;
	v3 =	vld [tilespmem:s11+$0x0];
	_ =	sdelay $0x3  }
.Ltmp1:
0x17: {  	(pc) =	sbr.rel @p0 .LBB2_4-.Ltmp1, $2  }
0x18: {  	_ =	sdelay $0x2  }
0x19: {  	s11 =	sshra.s32 s10, $0x2;
	s10 =	sadd.s32 $0x40, s10;
	[tilespmem:v3+s7+$0x0] =	vst.idx.add.f32.msk $0xffff, v2  }
0x1a: {  	v3 =	vld [tilespmem:s11+$0x0];
	_ =	sdelay $0x7  }
0x1b: {  	[tilespmem:v3+s7+$0x0] =	vst.idx.add.f32.msk $0xffff, v2  }
0x1c: {  	v3 =	vld [tilespmem:$0x1380];
	_ =	sdelay $0x5  }
0x1d: {  	s2 =	sadd.s32 $0x1, s2  }
0x1e: {  	p0 =	sne.s32 s2, s5  }
.Ltmp2:
0x1f: {  	[tilespmem:v3+s7+$0x0] =	vst.idx.add.f32.msk $0xff, v2;
	(pc) =	sbr.rel @p0 .LBB2_1-.Ltmp2, $4  }
0x20: {  	[hbm4b:s4+s8] =	stream.strided.scatter [tilespmem:s7], [sflag:$0x1], $0x2780, s9, s8, $0x38;
	[tilespmem:$0x3B80] =	vst v63  }
0x21: {  	_ =	swait.ge [sflag:s6], $0x2780  }
0x22: {  	[sflag:s6] =	ssyncset.done $0x0  }
0x23: {  	[sflag:s6] =	ssyncadd.s32 $0xFFFFD880  }
0x24: {  	_ =	sfence.sel $0x180000  }
0x25: {  	[bflag:$0x0] =	sbarrier.arrive $0xFFFF  }
0x26: {  	p0 =	sne.s32 s0, $0x0;
	_ =	strace $0x90000047  }
0x27: {  	s0 =	sadd.s32 @!p0 $0x100000, s1;
	[bflag:$0x2] =	sbarrier.arrive $0xFFFF  }
0x28: {  	[sflag:s0] =	ssyncadd.tile.s32 @!p0 $0x1;
	_ =	shalt  }
.Lfunc_end2:
_tile_overlayer_lowered:
.L_overlay_start_2:
0x29: {  	(tag) =	ssettag $0x2  }
0x2a: {  	s0 =	rddreg [dreg:$0x0];
	s2 =	stileid.u32  }
0x2b: {  	s1 =	rddreg [dreg:$0x1];
	p0 =	sne.s32 s2, $0x0  }
0x2c: {  	s3 =	rddreg [dreg:$0x2];
	[bflag:$0x3] =	sbarrier.arrive $0xFFFF;
	s2 =	simm.s32 @!p0 $0x1C01  }
0x2d: {  	[timem:s3], [sflag:s2] =	dma.local @!p0 [hbm:s0], s1  }
0x2e: {  	s0 =	simm.s32 @!p0 $0x1  }
0x2f: {  	_ =	swait.ge @!p0 [sflag:s0], s1  }
0x30: {  	s1 =	ssub.s32 @!p0 $0x0, s1;
	[sflag:s0] =	ssyncset.done @!p0 $0x0  }
0x31: {  	[sflag:s0] =	ssyncadd.s32 @!p0 s1  }
0x32: {  	[bflag:$0x3] =	sbarrier.arrive $0xFFFF  }
0x33: {  	_ =	shalt  }

// kernel: kernel.9.cloned.1.call-start
scs
__scs_entry_jumppad:
0x0: {  	(pc) =	sbr.rel $0x88, $3  }
0x1: {  	(tag) =	ssettag $0x0;
	lr =	simm.s32 $0x1  }
0x2: {  	[smem:$0x3F9D] =	sst lr;
	_ =	strace $0xD0000000  }
0x3: {  	_ = 	snop  }
0x4: {  	_ = 	snop  }
0x5: {  	_ = 	snop  }
0x6: {  	_ = 	snop  }
0x7: {  	_ = 	snop  }
__scs_overlays_trampoline_lowered:
0x8: {  	[smem:$0x3FAC] =	sst s0  }
0x9: {  	[smem:$0x3FAD] =	sst s1  }
0xa: {  	[smem:$0x3FAE] =	sst s2  }
0xb: {  	[smem:$0x3FAF] =	sst s3  }
0xc: {  	[smem:$0x3FB0] =	sst s4  }
0xd: {  	[smem:$0x3FB1] =	sst s5  }
0xe: {  	[smem:$0x3FB2] =	sst s6  }
0xf: {  	[smem:$0x3FB3] =	sst s7  }
0x10: {  	[smem:$0x3FB4] =	sst s8  }
0x11: {  	[smem:$0x3FB5] =	sst s9;
	s0 =	simm.s32 @!p0 $0x0  }
0x12: {  	s1 =	sld [smem:$0x3F9B];
	s0 =	simm.s32 @p0 $0x1  }
0x13: {  	[smem:$0x3FB6] =	sst s0;
	s0 =	simm.s32 @!p1 $0x0  }
0x14: {  	s2 =	sld [smem:$0x3F9A];
	s0 =	simm.s32 @p1 $0x1  }
0x15: {  	[smem:$0x3FB7] =	sst s0;
	s0 =	simm.s32 @!p2 $0x0  }
0x16: {  	s3 =	sld [smem:$0x3FDB];
	s0 =	simm.s32 @p2 $0x1  }
0x17: {  	s4 =	simm.s32 $0x1BF5;
	[smem:$0x3FB9] =	sst s0  }
0x18: {  	s0 =	sld [smem:$0x3F9C];
	_ =	swait.ge [sflag:s4], $0x0  }
0x19: {  	s7 =	sld [smem:$0x3F9D]  }
0x1a: {  	s8 =	sadd.s32 $0xFFFFE003, lr  }
0x1b: {  	s9 =	sadd.s32 $0xFFFFFEF7, lr;
	s5 =	simm.s32 $0xFFFFFFFF;
	p2 =	slt.u32 s8, $0xFFFFF086  }
0x1c: {  	p1 =	slt.u32 s9, $0xF7A;
	s5 =	simm.s32 @!p2 $0x0  }
0x1d: {  	s5 =	simm.s32 @p1 $0x1;
	p0 =	seq.s32 s7, s2  }
0x1e: {  	s7 =	smul.u32 @!p0 $0xF7A, s2;
	p2 =	seq.s32 @!p0 s5, $0x0  }
0x1f: {  	s9 =	smul.u32 $0xF7A, s1;
	s8 =	simm.s32 @!p0 $0x1BF5;
	p2 =	por !p2, p0  }
0x20: {  	[sflag:s8] =	ssyncset.s32 @!p0 $0xFFFFF086;
	s6 =	sadd.s32 @!p0 s3, s7;
	s7 =	simm.s32 @!p0 $0x108  }
0x21: {  	s3 =	sadd.s32 s3, s9;
	s6 =	sadd.s32 @!p0 $0x88, s6;
	s7 =	simm.s32 @p2 $0x1082  }
0x22: {  	[simem:s7], [sflag:s8] =	dma.local @!p0 [hbm:s6], $0xF7A  }
0x23: {  	s9 =	sor.u32 $0xD0000000, s2;
	s6 =	simm.s32 $0x108;
	_ =	swait.ge @!p0 [sflag:s8], $0x0  }
0x24: {  	s3 =	sadd.s32 $0x88, s3;
	s6 =	simm.s32 @!p1 $0x1082;
	[sflag:s4] =	ssyncset.s32 $0xFFFFF086  }
0x25: {  	[simem:s6], [sflag:s4] =	dma.local [hbm:s3], $0xF7A  }
0x26: {  	[smem:$0x3F9D] =	sst s1;
	(tag) =	ssettag s2;
	_ =	strace s9  }
0x27: {  	s1 =	sld [smem:$0x3FAD]  }
0x28: {  	s2 =	sld [smem:$0x3FAE]  }
0x29: {  	s4 =	sld [smem:$0x3FB0]  }
0x2a: {  	p0 =	seq.s32 s5, $0x0;
	s5 =	sld [smem:$0x3FB1]  }
0x2b: {  	s6 =	sld [smem:$0x3FB2]  }
0x2c: {  	s7 =	sld [smem:$0x3FB3]  }
0x2d: {  	s3 =	simm.s32 $0x108;
	s8 =	sld [smem:$0x3FB4]  }
0x2e: {  	s3 =	simm.s32 @!p0 $0x1082;
	s9 =	sld [smem:$0x3FB5]  }
0x2f: {  	lr =	sadd.s32 s0, s3;
	s0 =	sld [smem:$0x3FAC]  }
0x30: {  	s3 =	sld [smem:$0x3FAF]  }
0x31: {  	[smem:$0x3FB8] =	sst s10  }
0x32: {  	s10 =	sld [smem:$0x3FB6];
	_ =	sdelay $0x3  }
0x33: {  	p0 =	seq.s32 s10, $0x1;
	s10 =	sld [smem:$0x3FB8];
	_ =	sdelay $0x3  }
0x34: {  	[smem:$0x3FB8] =	sst s10  }
0x35: {  	s10 =	sld [smem:$0x3FB7];
	_ =	sdelay $0x3  }
0x36: {  	p1 =	seq.s32 s10, $0x1;
	s10 =	sld [smem:$0x3FB8];
	_ =	sdelay $0x3  }
0x37: {  	[smem:$0x3FB8] =	sst s10  }
0x38: {  	s10 =	sld [smem:$0x3FB9]  }
0x39: {  	_ = 	snop;
	(pc) =	sbr.ind lr, $3  }
0x3a: {  	_ = 	snop  }
0x3b: {  	_ = 	snop  }
0x3c: {  	p2 =	seq.s32 s10, $0x1;
	s10 =	sld [smem:$0x3FB8]  }
0x3d: {  	_ =	shalt  }
0x3e: {  	_ =	shalt  }
0x3f: {  	_ =	shalt  }
0x40: {  	_ =	shalt  }
0x41: {  	_ =	shalt  }
0x42: {  	_ =	shalt  }
0x43: {  	_ =	shalt  }
0x44: {  	_ =	shalt  }
0x45: {  	_ =	shalt  }
0x46: {  	_ =	shalt  }
0x47: {  	_ =	shalt  }
0x48: {  	_ =	shalt  }
0x49: {  	_ =	shalt  }
0x4a: {  	_ =	shalt  }
0x4b: {  	_ =	shalt  }
0x4c: {  	_ =	shalt  }
0x4d: {  	_ =	shalt  }
0x4e: {  	_ =	shalt  }
0x4f: {  	_ =	shalt  }
0x50: {  	_ =	shalt  }
0x51: {  	_ =	shalt  }
0x52: {  	_ =	shalt  }
0x53: {  	_ =	shalt  }
0x54: {  	_ =	shalt  }
0x55: {  	_ =	shalt  }
0x56: {  	_ =	shalt  }
0x57: {  	_ =	shalt  }
0x58: {  	_ =	shalt  }
0x59: {  	_ =	shalt  }
0x5a: {  	_ =	shalt  }
0x5b: {  	_ =	shalt  }
0x5c: {  	_ =	shalt  }
0x5d: {  	_ =	shalt  }
0x5e: {  	_ =	shalt  }
0x5f: {  	_ =	shalt  }
0x60: {  	_ =	shalt  }
0x61: {  	_ =	shalt  }
0x62: {  	_ =	shalt  }
0x63: {  	_ =	shalt  }
0x64: {  	_ =	shalt  }
0x65: {  	_ =	shalt  }
0x66: {  	_ =	shalt  }
0x67: {  	_ =	shalt  }
0x68: {  	_ =	shalt  }
0x69: {  	_ =	shalt  }
0x6a: {  	_ =	shalt  }
0x6b: {  	_ =	shalt  }
0x6c: {  	_ =	shalt  }
0x6d: {  	_ =	shalt  }
0x6e: {  	_ =	shalt  }
0x6f: {  	_ =	shalt  }
0x70: {  	_ =	shalt  }
0x71: {  	_ =	shalt  }
0x72: {  	_ =	shalt  }
0x73: {  	_ =	shalt  }
0x74: {  	_ =	shalt  }
0x75: {  	_ =	shalt  }
0x76: {  	_ =	shalt  }
0x77: {  	_ =	shalt  }
0x78: {  	_ =	shalt  }
0x79: {  	_ =	shalt  }
0x7a: {  	_ =	shalt  }
0x7b: {  	_ =	shalt  }
0x7c: {  	_ =	shalt  }
0x7d: {  	_ =	shalt  }
0x7e: {  	_ =	shalt  }
0x7f: {  	_ =	shalt  }
0x80: {  	_ =	shalt  }
0x81: {  	_ =	shalt  }
0x82: {  	_ =	shalt  }
0x83: {  	_ =	shalt  }
0x84: {  	_ =	shalt  }
0x85: {  	_ =	shalt  }
0x86: {  	_ =	shalt  }
0x87: {  	_ =	shalt  }
.Lfunc_end0:
.L_simem_size_0:
called_computation.1_lowered:
.L_overlay_start_0:
0x88: {  	s2 =	sld [smem:$0x3FD9]  }
0x89: {  	s3 =	sld [smem:$0x3FFE];
	_ =	sdelay $0x1  }
0x8a: {  	s1 =	srdreg.scid  }
0x8b: {  	s0 =	sand.u32 $0x1, s1  }
0x8c: {  	s17 =	sshll.u32 s0, $0xA;
	s2 =	sadd.s32 s3, s2  }
0x8d: {  	s2 =	sadd.s32 s2, s17  }
0x8e: {  	[smem:$0x3FC4] =	sst s2  }
0x8f: {  	_ = 	snop  }
0x90: {  	s2 =	sld [smem:$0x3FD0];
	(tm) =	ssettm $0x1  }
0x91: {  	s18 =	sld [smem:$0x3FFB];
	_ =	sdelay $0x3  }
0x92: {  	_ =	strace s18  }
0x93: {  	s3 =	sld [smem:$0x3FFC];
	_ =	sdelay $0x3  }
0x94: {  	_ =	strace s3  }
0x95: {  	s3 =	sld [smem:$0x3FFD];
	_ =	sdelay $0x3  }
0x96: {  	_ =	strace s3  }
0x97: {  	_ =	strace $0x8FFFFFFF  }
0x98: {  	s19 =	sld [smem:$0x3FDB];
	_ =	sdelay $0x1  }
0x99: {  	s4 =	simm.s32 $_scs_section_size  }
0x9a: {  	s5 =	simm.s32 $_size__tile_overlayer_lowered;
	s6 =	simm.s32 $_tile_overlayer_lowered  }
0x9b: {  	s22 =	simm.s32 $0x1BFF;
	s21 =	sshll.u32 s6, $0x1;
	s3 =	sadd.s32 s4, s19  }
0x9c: {  	s7 =	simm.s32 $0x0;
	s20 =	sshll.u32 s5, $0x1;
	s5 =	sadd.s32 s21, s3  }
0x9d: {  	[timem:s7], [sflag:s22] =	dma.local [hbm:s5], s20  }
0x9e: {  	_ =	swait.ge [sflag:s22], s20  }
0x9f: {  	s4 =	ssub.s32 $0x0, s20;
	[sflag:s22] =	ssyncset.done $0x0  }
0xa0: {  	[sflag:s22] =	ssyncadd.s32 s4;
	_ =	sdelay $0x1  }
0xa1: {  	s23 =	simm.s32 $0x1B8B  }
0xa2: {  	_ =	swait.ge [sflag:s23], $0x1  }
0xa3: {  	[sflag:s23] =	ssyncset.done $0x0  }
0xa4: {  	s25 =	simm.s32 $0x1B8E;
	s24 =	sld [smem:$0x3FFE];
	[sflag:s23] =	ssyncadd.s32 $0xFFFFFFFF  }
0xa5: {  	s26 =	simm.s32 $execute0_lowered;
	[smem:$0x3FD2] =	sst s25  }
0xa6: {  	s5 =	sshll.u32 s26, $0x1;
	_ =	strace $0x80000049;
	[dreg:$0x1] =	wrdreg $0xFFFFFFFF  }
0xa7: {  	s28 =	simm.s32 $_size_execute0_lowered;
	s3 =	sadd.s32 s3, s5;
	[dreg:$0x0] =	wrdreg $0x0  }
0xa8: {  	s5 =	sshll.u32 s28, $0x1;
	[dreg:$0x2] =	wrdreg s3  }
0xa9: {  	[dreg:$0x3] =	wrdreg s5  }
0xaa: {  	[dreg:$0x4] =	wrdreg $0xC0  }
0xab: {  	_ =	task [dreg:s7], $0x5FFFF  }
0xac: {  	[dreg:$0x1] =	wrdreg $0xFFFFFFFF  }
0xad: {  	[dreg:$0x0] =	wrdreg $0x60  }
0xae: {  	[dreg:$0x2] =	wrdreg s24  }
0xaf: {  	[dreg:$0x3] =	wrdreg s2  }
0xb0: {  	[dreg:$0x4] =	wrdreg $0xAA000  }
0xb1: {  	[dreg:$0x5] =	wrdreg $0x9  }
0xb2: {  	_ =	task.clear_ibuf [dreg:s7], $0x6FFFF;
	_ =	strace $0x90000049  }
0xb3: {  	s29 =	simm.s32 $0x9;
	_ =	strace $0x8000004B  }
0xb4: {  	_ =	swait.ge [sflag:s29], $0x1  }
0xb5: {  	[sflag:s29] =	ssyncadd.s32 $0xFFFFFFFF  }
0xb6: {  	_ =	strace $0x9000004B  }
0xb7: {  	_ =	sfence  }
0xb8: {  	s30 =	sld [smem:$0x0];
	_ =	sdelay $0x2  }
0xb9: {  	s31 =	sshll.u32 s1, $0xD;
	s1 =	sshrl.u32 s1, $0x2  }
0xba: {  	s3 =	sand.u32 $0x4000, s31;
	s1 =	sadd.s32 s1, s30  }
0xbb: {  	s0 =	sor.u32 s3, s0;
	s1 =	sshll.u32 s1, $0x11  }
0xbc: {  	s0 =	sor.u32 s1, s0  }
0xbd: {  	s0 =	sadd.s32 $0x8F2B, s0  }
0xbe: {  	[sflag:s0] =	ssyncadd.remote.s32 $0x1  }
0xbf: {  	_ =	sfence.sel $0xFFFF  }
0xc0: {  	[dreg:$0x0] =	wrdreg $0xFFFFFFFF;
	(pc) =	sbr.abs _section_cstart, $3  }
0xc1: {  	[dreg:$0x1] =	wrdreg $0xFFFFFFFF  }
0xc2: {  	_ =	task.clear_ibuf [dreg:s7], $0x2FFFF;
	_ =	strace $0x9FFFFFFF  }
0xc3: {  	(tm) =	ssettm $0x7FFFFFFF  }
tec
execute0_lowered:
.L_overlay_start_1:
0x0: {  	(tag) =	ssettag $0x1  }
0x1: {  	s0 =	rddreg [dreg:$0x0]  }
0x2: {  	s1 =	rddreg [dreg:$0x1]  }
0x3: {  	s7 =	stileid.u32;
	s2 =	rddreg [dreg:$0x2];
	s4 =	simm.s32 $0x0  }
0x4: {  	s5 =	srdreg.scid;
	s21 =	simm.s32 $0x7;
	s22 =	simm.s32 $0x2800  }
0x5: {  	s28 =	simm.s32 $0x1;
	s29 =	simm.s32 $0x3;
	s30 =	simm.s32 $0x2900  }
0x6: {  	s31 =	simm.s32 $0x2;
	s3 =	smul.u32 $0x2800, s7;
	[smem:$0x7FF] =	sst s4  }
0x7: {  	s9 =	sand.u32 $0x1, s5;
	s5 =	sadd.s32 $0xB400, s0;
	s6 =	sadd.s32 $0x10400, s0  }
0x8: {  	s13 =	sadd.s32 $0x37600, s0;
	s14 =	sadd.s32 $0x5E800, s0;
	s24 =	smul.u32 $0x2700, s7  }
0x9: {  	s25 =	smul.u32 $0x4E000, s7;
	s26 =	sadd.s32 $0x27000, s1;
	p1 =	sne.s32 s7, $0x0  }
0xa: {  	p2 =	seq.s32 s7, $0x0;
	_ =	strace $0x8000004A;
	[dreg:$0x9] =	wrdreg s26  }
0xb: {  	s7 =	simm.s32 $0x6;
	s11 =	ssub.s32 $0x2, s9;
	[dreg:$0x4] =	wrdreg s13  }
0xc: {  	p0 =	seq.s32 s9, $0x1;
	[dreg:$0x5] =	wrdreg s14;
	s26 =	simm.s32 $0x6A00  }
0xd: {  	s8 =	sshrl.u32 s3, $0x3;
	s12 =	sshrl.u32 s11, $0x1;
	s16 =	sadd.s32 s24, s1  }
0xe: {  	s17 =	sshrl.u32 s25, $0x2;
	s18 =	sadd.s32 s24, s13;
	s19 =	sadd.s32 s24, s6  }
0xf: {  	s20 =	sadd.s32 s24, s14;
	s24 =	simm.s32 $0x80;
	[dreg:$0xd] =	wrdreg s16  }
0x10: {  	s25 =	simm.s32 $0x2A00;
	s23 =	sadd.s32 s5, s8;
	[dreg:$0xf] =	wrdreg s18  }
0x11: {  	s11 =	ssub.s32 s11, s12;
	s12 =	sadd.s32 $0x138000, s2;
	[dreg:$0x6] =	wrdreg s23  }
0x12: {  	s10 =	sadd.s32 s8, s0;
	s0 =	sadd.s32 $0x37400, s0;
	[dreg:$0xa] =	wrdreg s12  }
.Ltmp0:
0x13: {  	s10 =	sadd.s32 $0x6400, s10;
	[dreg:$0xb] =	wrdreg s0;
	(pc) =	sbr.rel .LBB2_1-.Ltmp0, $4  }
0x14: {  	s14 =	simm.s32 $0x5;
	s9 =	sadd.s32 $0x10, s23;
	[dreg:$0x7] =	wrdreg s10  }
0x15: {  	s15 =	smax.u32 s11, $0x1;
	s23 =	simm.s32 $0x2880;
	[dreg:$0x8] =	wrdreg s9  }
0x16: {  	s0 =	simm.s32 $0x4;
	[dreg:$0xc] =	wrdreg s15;
	s15 =	sadd.s32 s17, s2  }
0x17: {  	s12 =	simm.s32 $0x2980;
	s10 =	simm.s32 $0x0;
	[dreg:$0xe] =	wrdreg s15  }
.LBB2_16:
0x18: {  	s8 =	rddreg [dreg:$0xa]  }
0x19: {  	[tilespmem:s26], [sflag:$0x7] =	stream.linear.gather [spmem:s8], $0x800, $0x38;
	[tilespmem:$0x1E300] =	vst v63  }
0x1a: {  	_ =	swait.ge [sflag:s21], $0x800  }
0x1b: {  	[sflag:s21] =	ssyncset.done $0x0  }
0x1c: {  	s18 =	sadd.s32 $0x27000, s9;
	[sflag:s21] =	ssyncadd.s32 $0xFFFFF800  }
0x1d: {  	[hbm4b:s18+s4] =	stream.linear.scatter [tilespmem:s26], [sflag:$0x7], $0x800, $0x38;
	[tilespmem:$0x1E300] =	vst v63  }
0x1e: {  	_ =	swait.ge [sflag:s21], $0x800  }
0x1f: {  	[sflag:s21] =	ssyncset.done $0x0  }
0x20: {  	[sflag:s21] =	ssyncadd.s32 $0xFFFFF800  }
.LBB2_17:
0x21: {  	s10 =	sadd.s32 $0x1, s10;
	s8 =	rddreg [dreg:$0xc]  }
0x22: {  	p3 =	sne.s32 s10, s8  }
.Ltmp1:
0x23: {  	_ = 	snop;
	(pc) =	sbr.rel @!p3 .LBB2_18-.Ltmp1, $1  }
0x24: {  	_ =	sdelay $0x3  }
.LBB2_1:
0x25: {  	[dreg:$0x10] =	wrdreg s10  }
0x26: {  	s8 =	rddreg [dreg:$0x7]  }
0x27: {  	[tilespmem:s4], [sflag:$0x7] =	stream.linear.gather [hbm4b:s8+s4], $0x2800, $0x38;
	[tilespmem:$0x1E300] =	vst v63  }
0x28: {  	_ =	swait.ge [sflag:s21], $0x2800  }
.Ltmp2:
0x29: {  	[sflag:s21] =	ssyncset.done $0x0;
	(pc) =	sbr.rel @!p0 .LBB2_2-.Ltmp2, $4  }
0x2a: {  	s17 =	rddreg [dreg:$0x6];
	[sflag:s21] =	ssyncadd.s32 $0xFFFFD800  }
0x2b: {  	[tilespmem:s22], [sflag:$0x3] =	stream.linear.gather [hbm4b:s17+s4], $0x80, $0x38;
	[tilespmem:$0x1E300] =	vst v63  }
0x2c: {  	s18 =	rddreg [dreg:$0x8]  }
0x2d: {  	[tilespmem:s23], [sflag:$0x4] =	stream.linear.gather [hbm4b:s18+s4], $0x80, $0x38;
	[tilespmem:$0x1E300] =	vst v63  }
0x2e: {  	s8 =	simm.s32 $0x0  }
0x2f: {  	[tilespmem:s25], [sflag:$0x1] =	stream.indirect.gather [hbm4b:s6+s24], $0x80, s8, s24, $0xb8;
	[tilespmem:$0x1E300] =	vst v63  }
0x30: {  	s18 =	sadd.s32 $0x0, s19  }
0x31: {  	[tilespmem:s26], [sflag:$0x7] =	stream.linear.gather [hbm4b:s18+s4], $0xC00, $0x38;
	[tilespmem:$0x1E300] =	vst v63  }
0x32: {  	_ =	swait.ge [sflag:s21], $0xC00  }
0x33: {  	[sflag:s21] =	ssyncset.done $0x0  }
0x34: {  	[sflag:s21] =	ssyncadd.s32 $0xFFFFF400  }
0x35: {  	[spmem:s15] =	stream.linear.scatter [tilespmem:s26], [sflag:$0x7], $0xC00, $0x38;
	[tilespmem:$0x1E300] =	vst v63  }
0x36: {  	s10 =	simm.s32 $0x180;
	_ =	swait.ge [sflag:s21], $0xC00  }
0x37: {  	s11 =	simm.s32 $0x300;
	s9 =	sadd.s32 $0xC00, s15;
	[sflag:s21] =	ssyncset.done $0x0  }
.LBB2_10:
0x38: {  	s8 =	sadd.s32 s10, s19  }
0x39: {  	[sflag:s21] =	ssyncadd.s32 $0xFFFFF400;
	s10 =	smov.u32 s11;
	s13 =	sadd.s32 $0x180, s11  }
0x3a: {  	[tilespmem:s26], [sflag:$0x7] =	stream.linear.gather [hbm4b:s8+s4], $0xC00, $0x38;
	[tilespmem:$0x1E300] =	vst v63  }
0x3b: {  	p3 =	sne.s32 s11, $0x2580;
	_ =	swait.ge [sflag:s21], $0xC00  }
.Ltmp3:
0x3c: {  	[sflag:s21] =	ssyncset.done $0x0;
	(pc) =	sbr.rel @p3 .LBB2_10-.Ltmp3, $4  }
0x3d: {  	[sflag:s21] =	ssyncadd.s32 $0xFFFFF400  }
0x3e: {  	[spmem:s9] =	stream.linear.scatter [tilespmem:s26], [sflag:$0x7], $0xC00, $0x38;
	[tilespmem:$0x1E300] =	vst v63  }
0x3f: {  	_ =	swait.ge [sflag:s21], $0xC00  }
0x40: {  	s11 =	smov.u32 s13;
	s9 =	sadd.s32 $0xC00, s9;
	[sflag:s21] =	ssyncset.done $0x0  }
0x41: {  	s8 =	sadd.s32 s10, s19;
	[sflag:s21] =	ssyncadd.s32 $0xFFFFF400  }
0x42: {  	[tilespmem:s26], [sflag:$0x7] =	stream.linear.gather [hbm4b:s8+s4], $0xC00, $0x38;
	[tilespmem:$0x1E300] =	vst v63  }
0x43: {  	_ =	swait.ge [sflag:s21], $0xC00  }
0x44: {  	[sflag:s21] =	ssyncset.done $0x0  }
0x45: {  	[sflag:s21] =	ssyncadd.s32 $0xFFFFF400  }
0x46: {  	[spmem:s9] =	stream.linear.scatter [tilespmem:s26], [sflag:$0x7], $0xC00, $0x38;
	[tilespmem:$0x1E300] =	vst v63  }
0x47: {  	_ =	swait.ge [sflag:s21], $0xC00  }
0x48: {  	s8 =	simm.s32 @!p1 $0x0;
	[sflag:s21] =	ssyncset.done $0x0  }
0x49: {  	s9 =	simm.s32 @!p1 $0x6A00;
	s10 =	rddreg [dreg:$0xb];
	[sflag:s21] =	ssyncadd.s32 $0xFFFFF400  }
0x4a: {  	[tilespmem:s9], [sflag:$0x7] =	stream.linear.gather @!p1 [hbm4b:s10+s8], $0x800, $0x38;
	[tilespmem:$0x1E300] =	vst v63  }
0x4b: {  	s8 =	simm.s32 @!p1 $0x7  }
0x4c: {  	_ =	swait.ge @!p1 [sflag:s8], $0x800  }
0x4d: {  	[sflag:s8] =	ssyncset.done @!p1 $0x0  }
0x4e: {  	s10 =	rddreg [dreg:$0xa];
	[sflag:s8] =	ssyncadd.s32 @!p1 $0xFFFFF800  }
0x4f: {  	[spmem:s10] =	stream.linear.scatter @!p1 [tilespmem:s9], [sflag:$0x7], $0x800, $0x38;
	[tilespmem:$0x1E300] =	vst v63  }
0x50: {  	_ =	swait.ge @!p1 [sflag:s8], $0x800  }
0x51: {  	[sflag:s8] =	ssyncset.done @!p1 $0x0  }
0x52: {  	[sflag:s8] =	ssyncadd.s32 @!p1 $0xFFFFF800  }
0x53: {  	s11 =	simm.s32 $0x80;
	[bflag:$0x0] =	sbarrier.arrive $0xFFFF  }
0x54: {  	[tilespmem:s26], [sflag:$0x2] =	stream.indirect.gather [hbm4b:s6+s24], $0x80, s11, s24, $0xb8;
	[tilespmem:$0x1E300] =	vst v63  }
0x55: {  	s13 =	simm.s32 $0x0;
	_ =	swait.ge [sflag:s28], $0x4000  }
0x56: {  	s15 =	simm.s32 $0x100;
	s8 =	sand.u32 $0x3C00, s13;
	[sflag:s28] =	ssyncset.done $0x0  }
0x57: {  	s9 =	sand.u32 $0x300, s15;
	s8 =	sadd.s32 s3, s8;
	[sflag:s28] =	ssyncadd.s32 $0xFFFFC000  }
0x58: {  	s9 =	sor.u32 s8, s9;
	_ =	swait.ge [sflag:s29], $0x80  }
0x59: {  	s9 =	sshrl.u32 s9, $0x3;
	[sflag:s29] =	ssyncset.done $0x0  }
0x5a: {  	s9 =	sadd.s32 s5, s9;
	[sflag:s29] =	ssyncadd.s32 $0xFFFFFF80  }
0x5b: {  	[tilespmem:s30], [sflag:$0x5] =	stream.linear.gather [hbm4b:s9+s4], $0x80, $0x38;
	[tilespmem:$0x1E300] =	vst v63  }
0x5c: {  	_ = 	snop  }
0x5d: {  	[spmem:s2] =	stream.indirect.scatter.add.f32 [tilespmem:s25], [sflag:$0x7], $0x80, s22, s24, $0xb8;
	[tilespmem:$0x1E300] =	vst v63  }
0x5e: {  	_ =	swait.ge [sflag:s21], $0x4000  }
0x5f: {  	[sflag:s21] =	ssyncset.done $0x0  }
0x60: {  	s16 =	simm.s32 $0x100;
	[sflag:s21] =	ssyncadd.s32 $0xFFFFC000  }
0x61: {  	[tilespmem:s25], [sflag:$0x1] =	stream.indirect.gather [hbm4b:s6+s24], $0x80, s16, s24, $0xb8;
	[tilespmem:$0x1E300] =	vst v63  }
0x62: {  	_ =	swait.ge [sflag:s31], $0x4000  }
0x63: {  	s17 =	simm.s32 $0x180;
	[sflag:s31] =	ssyncset.done $0x0  }
0x64: {  	s9 =	sand.u32 $0x380, s17;
	[sflag:s31] =	ssyncadd.s32 $0xFFFFC000  }
0x65: {  	s8 =	sor.u32 s8, s9;
	_ =	swait.ge [sflag:s0], $0x80  }
0x66: {  	s8 =	sshrl.u32 s8, $0x3;
	[sflag:s0] =	ssyncset.done $0x0  }
0x67: {  	s8 =	sadd.s32 s5, s8;
	[sflag:s0] =	ssyncadd.s32 $0xFFFFFF80  }
0x68: {  	[tilespmem:s12], [sflag:$0x6] =	stream.linear.gather [hbm4b:s8+s4], $0x80, $0x38;
	[tilespmem:$0x1E300] =	vst v63  }
0x69: {  	_ = 	snop  }
0x6a: {  	[spmem:s2] =	stream.indirect.scatter.add.f32 [tilespmem:s26], [sflag:$0x7], $0x80, s23, s24, $0xb8;
	[tilespmem:$0x1E300] =	vst v63  }
0x6b: {  	_ =	swait.ge [sflag:s21], $0x4000  }
0x6c: {  	[sflag:s21] =	ssyncset.done $0x0  }
0x6d: {  	s18 =	simm.s32 $0x180;
	[sflag:s21] =	ssyncadd.s32 $0xFFFFC000  }
0x6e: {  	[tilespmem:s26], [sflag:$0x2] =	stream.indirect.gather [hbm4b:s6+s24], $0x80, s18, s24, $0xb8;
	[tilespmem:$0x1E300] =	vst v63  }
0x6f: {  	_ =	swait.ge [sflag:s28], $0x4000  }
0x70: {  	[sflag:s28] =	ssyncset.done $0x0  }
0x71: {  	[sflag:s28] =	ssyncadd.s32 $0xFFFFC000  }
0x72: {  	p3 =	por $0x0, $0x0;
	_ =	swait.ge [sflag:s14], $0x80  }
0x73: {  	s10 =	simm.s32 @p3 $0x2900;
	s11 =	simm.s32 @p3 $0x2A00;
	[sflag:s14] =	ssyncset.done $0x0  }
0x74: {  	s9 =	simm.s32 @p3 $0x80;
	s8 =	simm.s32 @!p3 $0x200;
	[sflag:s14] =	ssyncadd.s32 $0xFFFFFF80  }
0x75: {  	[spmem:s2] =	stream.indirect.scatter.add.f32 @p3 [tilespmem:s11], [sflag:$0x7], $0x80, s10, s9, $0xb8;
	[tilespmem:$0x1E300] =	vst v63  }
0x76: {  	s9 =	sand.u32 @!p3 $0x7C00, s8  }
0x77: {  	s8 =	sand.u32 @!p3 $0x200, s8;
	s9 =	sadd.s32 @!p3 s3, s9  }
0x78: {  	s8 =	sor.u32 @!p3 s8, s9;
	s9 =	simm.s32 @p3 $0x7  }
0x79: {  	_ =	swait.ge @p3 [sflag:s9], $0x4000  }
0x7a: {  	s10 =	simm.s32 @!p3 $0x2800;
	s8 =	sshrl.u32 @!p3 s8, $0x3;
	[sflag:s9] =	ssyncset.done @p3 $0x0  }
0x7b: {  	s8 =	sadd.s32 @!p3 s5, s8;
	[sflag:s9] =	ssyncadd.s32 @p3 $0xFFFFC000;
	s9 =	simm.s32 @!p3 $0x0  }
0x7c: {  	[tilespmem:s10], [sflag:$0x3] =	stream.linear.gather @!p3 [hbm4b:s8+s9], $0x80, $0x38;
	[tilespmem:$0x1E300] =	vst v63  }
0x7d: {  	s11 =	simm.s32 @!p3 $0x2A00;
	s8 =	simm.s32 @!p3 $0x80;
	s10 =	simm.s32 @!p3 $0x2900  }
0x7e: {  	[spmem:s2] =	stream.indirect.scatter.add.f32 @!p3 [tilespmem:s11], [sflag:$0x7], $0x80, s10, s8, $0xb8;
	[tilespmem:$0x1E300] =	vst v63  }
0x7f: {  	s10 =	simm.s32 @!p3 $0x7  }
0x80: {  	_ =	swait.ge @!p3 [sflag:s10], $0x4000  }
0x81: {  	[sflag:s10] =	ssyncset.done @!p3 $0x0  }
0x82: {  	[sflag:s10] =	ssyncadd.s32 @!p3 $0xFFFFC000;
	s10 =	simm.s32 $0x200  }
0x83: {  	[tilespmem:s11], [sflag:$0x1] =	stream.indirect.gather @!p3 [hbm4b:s6+s8], $0x80, s10, s8, $0xb8;
	[tilespmem:$0x1E300] =	vst v63  }
0x84: {  	s8 =	simm.s32 $0x280  }
0x85: {  	s11 =	sand.u32 @!p3 $0x7C00, s8  }
0x86: {  	s8 =	sand.u32 @!p3 $0x280, s8;
	s11 =	sadd.s32 @!p3 s3, s11  }
0x87: {  	_ =	swait.ge [sflag:s31], $0x4000;
	s8 =	sor.u32 @!p3 s8, s11  }
0x88: {  	[sflag:s31] =	ssyncset.done $0x0;
	s11 =	simm.s32 $0x480;
	s13 =	sshrl.u32 @!p3 s8, $0x3  }
.LBB2_12:
0x89: {  	[sflag:s31] =	ssyncadd.s32 $0xFFFFC000  }
0x8a: {  	s10 =	sadd.s32 $0x200, s10;
	s15 =	smov.u32 s11;
	s11 =	sadd.s32 $0x200, s11  }
0x8b: {  	s16 =	simm.s32 @!p3 $0x2880;
	s8 =	sadd.s32 $0xFFFFFF00, s15;
	_ =	swait.ge [sflag:s7], $0x80  }
0x8c: {  	s13 =	sadd.s32 @!p3 s5, s13;
	s17 =	sadd.s32 $0xFFFFFD80, s15;
	[sflag:s7] =	ssyncset.done $0x0  }
0x8d: {  	s18 =	sadd.s32 $0xFFFFFE80, s15;
	s17 =	sand.u32 $0x3C00, s17;
	[sflag:s7] =	ssyncadd.s32 $0xFFFFFF80  }
0x8e: {  	[tilespmem:s16], [sflag:$0x4] =	stream.linear.gather @!p3 [hbm4b:s13+s9], $0x80, $0x38;
	[tilespmem:$0x1E300] =	vst v63  }
0x8f: {  	s8 =	sand.u32 $0x380, s8;
	s9 =	sadd.s32 s3, s17;
	s13 =	sand.u32 $0x300, s18  }
0x90: {  	[spmem:s2] =	stream.indirect.scatter.add.f32 [tilespmem:s26], [sflag:$0x7], $0x80, s12, s24, $0xb8;
	[tilespmem:$0x1E300] =	vst v63  }
0x91: {  	s13 =	sor.u32 s9, s13;
	s8 =	sor.u32 s9, s8;
	_ =	swait.ge [sflag:s21], $0x4000  }
0x92: {  	s9 =	sshrl.u32 s13, $0x3;
	s8 =	sshrl.u32 s8, $0x3;
	[sflag:s21] =	ssyncset.done $0x0  }
0x93: {  	p4 =	sne.s32 s11, $0x2A80;
	s13 =	sadd.s32 $0xFFFFFE80, s10;
	[sflag:s21] =	ssyncadd.s32 $0xFFFFC000  }
0x94: {  	[tilespmem:s26], [sflag:$0x2] =	stream.indirect.gather [hbm4b:s6+s24], $0x80, s13, s24, $0xb8;
	[tilespmem:$0x1E300] =	vst v63  }
0x95: {  	_ =	swait.ge [sflag:s28], $0x4000  }
0x96: {  	[sflag:s28] =	ssyncset.done $0x0  }
0x97: {  	[sflag:s28] =	ssyncadd.s32 $0xFFFFC000  }
0x98: {  	s13 =	sadd.s32 $0xFFFFFF00, s10;
	_ =	swait.ge [sflag:s29], $0x80  }
0x99: {  	s9 =	sadd.s32 s5, s9;
	[sflag:s29] =	ssyncset.done $0x0  }
0x9a: {  	[sflag:s29] =	ssyncadd.s32 $0xFFFFFF80  }
0x9b: {  	[tilespmem:s30], [sflag:$0x5] =	stream.linear.gather [hbm4b:s9+s4], $0x80, $0x38;
	[tilespmem:$0x1E300] =	vst v63  }
0x9c: {  	_ = 	snop  }
0x9d: {  	[spmem:s2] =	stream.indirect.scatter.add.f32 [tilespmem:s25], [sflag:$0x7], $0x80, s22, s24, $0xb8;
	[tilespmem:$0x1E300] =	vst v63  }
0x9e: {  	_ =	swait.ge [sflag:s21], $0x4000  }
0x9f: {  	[sflag:s21] =	ssyncset.done $0x0  }
0xa0: {  	[sflag:s21] =	ssyncadd.s32 $0xFFFFC000  }
0xa1: {  	[tilespmem:s25], [sflag:$0x1] =	stream.indirect.gather [hbm4b:s6+s24], $0x80, s13, s24, $0xb8;
	[tilespmem:$0x1E300] =	vst v63  }
0xa2: {  	_ =	swait.ge [sflag:s31], $0x4000  }
0xa3: {  	[sflag:s31] =	ssyncset.done $0x0  }
0xa4: {  	[sflag:s31] =	ssyncadd.s32 $0xFFFFC000  }
0xa5: {  	s9 =	sadd.s32 $0xFFFFFF80, s10;
	_ =	swait.ge [sflag:s0], $0x80  }
0xa6: {  	[sflag:s0] =	ssyncset.done $0x0  }
0xa7: {  	s8 =	sadd.s32 s5, s8;
	[sflag:s0] =	ssyncadd.s32 $0xFFFFFF80  }
0xa8: {  	[tilespmem:s12], [sflag:$0x6] =	stream.linear.gather [hbm4b:s8+s4], $0x80, $0x38;
	[tilespmem:$0x1E300] =	vst v63  }
0xa9: {  	p3 =	seq.s32 s15, $0x2880  }
0xaa: {  	s13 =	sand.u32 @!p3 $0x7C00, s15;
	s8 =	sadd.s32 @!p3 $0xFFFFFF80, s15  }
0xab: {  	[spmem:s2] =	stream.indirect.scatter.add.f32 [tilespmem:s26], [sflag:$0x7], $0x80, s23, s24, $0xb8;
	[tilespmem:$0x1E300] =	vst v63  }
0xac: {  	s15 =	sand.u32 @!p3 $0x280, s15;
	s16 =	sand.u32 @!p3 $0x7C00, s8;
	_ =	swait.ge [sflag:s21], $0x4000  }
0xad: {  	s8 =	sand.u32 @!p3 $0x200, s8;
	s16 =	sadd.s32 @!p3 s3, s16;
	[sflag:s21] =	ssyncset.done $0x0  }
0xae: {  	s13 =	sadd.s32 @!p3 s3, s13;
	s8 =	sor.u32 @!p3 s8, s16;
	[sflag:s21] =	ssyncadd.s32 $0xFFFFC000  }
0xaf: {  	[tilespmem:s26], [sflag:$0x2] =	stream.indirect.gather [hbm4b:s6+s24], $0x80, s9, s24, $0xb8;
	[tilespmem:$0x1E300] =	vst v63  }
0xb0: {  	s8 =	sshrl.u32 @!p3 s8, $0x3;
	s9 =	sor.u32 @!p3 s15, s13;
	_ =	swait.ge [sflag:s28], $0x4000  }
0xb1: {  	s8 =	sadd.s32 @!p3 s5, s8;
	s15 =	simm.s32 @p3 $0x7;
	[sflag:s28] =	ssyncset.done $0x0  }
0xb2: {  	s17 =	simm.s32 @p3 $0x2900;
	s16 =	simm.s32 @p3 $0x80;
	[sflag:s28] =	ssyncadd.s32 $0xFFFFC000  }
0xb3: {  	s13 =	sshrl.u32 @!p3 s9, $0x3;
	_ =	swait.ge [sflag:s14], $0x80  }
0xb4: {  	[sflag:s14] =	ssyncset.done $0x0  }
0xb5: {  	s9 =	simm.s32 @p3 $0x2A00;
	[sflag:s14] =	ssyncadd.s32 $0xFFFFFF80  }
0xb6: {  	[spmem:s2] =	stream.indirect.scatter.add.f32 @p3 [tilespmem:s9], [sflag:$0x7], $0x80, s17, s16, $0xb8;
	[tilespmem:$0x1E300] =	vst v63  }
0xb7: {  	_ =	swait.ge @p3 [sflag:s15], $0x4000  }
0xb8: {  	s16 =	simm.s32 @!p3 $0x7;
	[sflag:s15] =	ssyncset.done @p3 $0x0  }
0xb9: {  	s9 =	simm.s32 @!p3 $0x0;
	[sflag:s15] =	ssyncadd.s32 @p3 $0xFFFFC000;
	s15 =	simm.s32 @!p3 $0x2800  }
0xba: {  	[tilespmem:s15], [sflag:$0x3] =	stream.linear.gather @!p3 [hbm4b:s8+s9], $0x80, $0x38;
	[tilespmem:$0x1E300] =	vst v63  }
0xbb: {  	s17 =	simm.s32 @!p3 $0x2A00;
	s8 =	simm.s32 @!p3 $0x80;
	s15 =	simm.s32 @!p3 $0x2900  }
0xbc: {  	[spmem:s2] =	stream.indirect.scatter.add.f32 @!p3 [tilespmem:s17], [sflag:$0x7], $0x80, s15, s8, $0xb8;
	[tilespmem:$0x1E300] =	vst v63  }
0xbd: {  	_ =	swait.ge @!p3 [sflag:s16], $0x4000  }
.Ltmp4:
0xbe: {  	[sflag:s16] =	ssyncset.done @!p3 $0x0;
	(pc) =	sbr.rel @p4 .LBB2_12-.Ltmp4, $4  }
0xbf: {  	[sflag:s16] =	ssyncadd.s32 @!p3 $0xFFFFC000  }
0xc0: {  	[tilespmem:s17], [sflag:$0x1] =	stream.indirect.gather @!p3 [hbm4b:s6+s8], $0x80, s10, s8, $0xb8;
	[tilespmem:$0x1E300] =	vst v63  }
0xc1: {  	_ =	swait.ge [sflag:s31], $0x4000  }
0xc2: {  	[sflag:s31] =	ssyncset.done $0x0  }
0xc3: {  	[sflag:s31] =	ssyncadd.s32 $0xFFFFC000  }
0xc4: {  	_ =	swait.ge [sflag:s7], $0x80  }
0xc5: {  	[sflag:s7] =	ssyncset.done $0x0  }
0xc6: {  	s8 =	simm.s32 @!p3 $0x2880;
	s10 =	sadd.s32 @!p3 s5, s13;
	[sflag:s7] =	ssyncadd.s32 $0xFFFFFF80  }
0xc7: {  	[tilespmem:s8], [sflag:$0x4] =	stream.linear.gather @!p3 [hbm4b:s10+s9], $0x80, $0x38;
	[tilespmem:$0x1E300] =	vst v63  }
0xc8: {  	_ = 	snop  }
0xc9: {  	[spmem:s2] =	stream.indirect.scatter.add.f32 [tilespmem:s26], [sflag:$0x7], $0x80, s12, s24, $0xb8;
	[tilespmem:$0x1E300] =	vst v63  }
0xca: {  	_ =	swait.ge [sflag:s21], $0x4000  }
0xcb: {  	[sflag:s21] =	ssyncset.done $0x0  }
0xcc: {  	[sflag:s21] =	ssyncadd.s32 $0xFFFFC000  }
0xcd: {  	[bflag:$0x0] =	sbarrier.arrive $0xFFFF  }
0xce: {  	s15 =	rddreg [dreg:$0xe]  }
0xcf: {  	[tilespmem:s26], [sflag:$0x7] =	stream.linear.gather [spmem:s15], $0xC00, $0x38;
	[tilespmem:$0x1E300] =	vst v63  }
0xd0: {  	_ =	swait.ge [sflag:s21], $0xC00  }
0xd1: {  	[sflag:s21] =	ssyncset.done $0x0  }
0xd2: {  	s18 =	sadd.s32 $0x0, s20;
	[sflag:s21] =	ssyncadd.s32 $0xFFFFF400  }
0xd3: {  	[hbm4b:s18+s4] =	stream.linear.scatter [tilespmem:s26], [sflag:$0x7], $0xC00, $0x38;
	[tilespmem:$0x1E300] =	vst v63  }
0xd4: {  	_ =	swait.ge [sflag:s21], $0xC00  }
0xd5: {  	s9 =	simm.s32 $0x180;
	s10 =	smov.u32 s15;
	[sflag:s21] =	ssyncset.done $0x0  }
.LBB2_14:
0xd6: {  	p3 =	sne.s32 s9, $0x2580;
	[sflag:s21] =	ssyncadd.s32 $0xFFFFF400;
	s10 =	sadd.s32 $0xC00, s10  }
0xd7: {  	[tilespmem:s26], [sflag:$0x7] =	stream.linear.gather [spmem:s10], $0xC00, $0x38;
	[tilespmem:$0x1E300] =	vst v63  }
0xd8: {  	s8 =	smov.u32 s9;
	s9 =	sadd.s32 $0x180, s9;
	_ =	swait.ge [sflag:s21], $0xC00  }
.Ltmp5:
0xd9: {  	[sflag:s21] =	ssyncset.done $0x0;
	(pc) =	sbr.rel @p3 .LBB2_14-.Ltmp5, $4  }
0xda: {  	s8 =	sadd.s32 s8, s20;
	[sflag:s21] =	ssyncadd.s32 $0xFFFFF400  }
0xdb: {  	[hbm4b:s8+s4] =	stream.linear.scatter [tilespmem:s26], [sflag:$0x7], $0xC00, $0x38;
	[tilespmem:$0x1E300] =	vst v63  }
0xdc: {  	_ =	swait.ge [sflag:s21], $0xC00  }
0xdd: {  	[sflag:s21] =	ssyncset.done $0x0  }
.Ltmp6:
0xde: {  	(pc) =	sbr.rel @p1 .LBB2_17-.Ltmp6, $4  }
.Ltmp7:
0xdf: {  	(pc) =	sbr.rel @!p1 .LBB2_16-.Ltmp7, $4  }
0xe0: {  	_ = 	snop  }
0xe1: {  	s9 =	rddreg [dreg:$0x5]  }
0xe2: {  	[sflag:s21] =	ssyncadd.s32 $0xFFFFF400;
	s10 =	rddreg [dreg:$0x10]  }
0xe3: {  	_ = 	snop  }
.LBB2_2:
0xe4: {  	s9 =	simm.s32 $0x0;
	s8 =	rddreg [dreg:$0xd]  }
0xe5: {  	[tilespmem:s25], [sflag:$0x1] =	stream.indirect.gather [hbm4b:s1+s24], $0x80, s9, s24, $0xb8;
	[tilespmem:$0x1E300] =	vst v63  }
0xe6: {  	s18 =	sadd.s32 $0x0, s8  }
0xe7: {  	[tilespmem:s26], [sflag:$0x7] =	stream.linear.gather [hbm4b:s18+s4], $0xC00, $0x38;
	[tilespmem:$0x1E300] =	vst v63  }
0xe8: {  	_ =	swait.ge [sflag:s21], $0xC00  }
0xe9: {  	[sflag:s21] =	ssyncset.done $0x0  }
0xea: {  	[sflag:s21] =	ssyncadd.s32 $0xFFFFF400  }
0xeb: {  	[spmem:s15] =	stream.linear.scatter [tilespmem:s26], [sflag:$0x7], $0xC00, $0x38;
	[tilespmem:$0x1E300] =	vst v63  }
0xec: {  	s10 =	simm.s32 $0x180;
	_ =	swait.ge [sflag:s21], $0xC00  }
0xed: {  	s11 =	simm.s32 $0x300;
	s9 =	sadd.s32 $0xC00, s15;
	[sflag:s21] =	ssyncset.done $0x0  }
.LBB2_3:
0xee: {  	s13 =	sadd.s32 s10, s8  }
0xef: {  	[sflag:s21] =	ssyncadd.s32 $0xFFFFF400;
	s10 =	smov.u32 s11;
	s15 =	sadd.s32 $0x180, s11  }
0xf0: {  	[tilespmem:s26], [sflag:$0x7] =	stream.linear.gather [hbm4b:s13+s4], $0xC00, $0x38;
	[tilespmem:$0x1E300] =	vst v63  }
0xf1: {  	p3 =	sne.s32 s11, $0x2580;
	_ =	swait.ge [sflag:s21], $0xC00  }
.Ltmp8:
0xf2: {  	[sflag:s21] =	ssyncset.done $0x0;
	(pc) =	sbr.rel @p3 .LBB2_3-.Ltmp8, $4  }
0xf3: {  	[sflag:s21] =	ssyncadd.s32 $0xFFFFF400  }
0xf4: {  	[spmem:s9] =	stream.linear.scatter [tilespmem:s26], [sflag:$0x7], $0xC00, $0x38;
	[tilespmem:$0x1E300] =	vst v63  }
0xf5: {  	_ =	swait.ge [sflag:s21], $0xC00  }
0xf6: {  	s11 =	smov.u32 s15;
	s9 =	sadd.s32 $0xC00, s9;
	[sflag:s21] =	ssyncset.done $0x0  }
0xf7: {  	s10 =	sadd.s32 s10, s8;
	[sflag:s21] =	ssyncadd.s32 $0xFFFFF400  }
0xf8: {  	[tilespmem:s26], [sflag:$0x7] =	stream.linear.gather [hbm4b:s10+s4], $0xC00, $0x38;
	[tilespmem:$0x1E300] =	vst v63  }
0xf9: {  	_ =	swait.ge [sflag:s21], $0xC00  }
0xfa: {  	[sflag:s21] =	ssyncset.done $0x0  }
0xfb: {  	[sflag:s21] =	ssyncadd.s32 $0xFFFFF400  }
0xfc: {  	[spmem:s9] =	stream.linear.scatter [tilespmem:s26], [sflag:$0x7], $0xC00, $0x38;
	[tilespmem:$0x1E300] =	vst v63  }
0xfd: {  	_ =	swait.ge [sflag:s21], $0xC00  }
0xfe: {  	s10 =	simm.s32 @!p1 $0x6A00;
	[sflag:s21] =	ssyncset.done $0x0  }
0xff: {  	s9 =	simm.s32 @!p1 $0x0;
	s8 =	rddreg [dreg:$0x9];
	[sflag:s21] =	ssyncadd.s32 $0xFFFFF400  }
0x100: {  	[tilespmem:s10], [sflag:$0x7] =	stream.linear.gather @!p1 [hbm4b:s8+s9], $0x800, $0x38;
	[tilespmem:$0x1E300] =	vst v63  }
0x101: {  	s9 =	simm.s32 @!p1 $0x7  }
0x102: {  	_ =	swait.ge @!p1 [sflag:s9], $0x800  }
0x103: {  	[sflag:s9] =	ssyncset.done @!p1 $0x0  }
0x104: {  	s8 =	rddreg [dreg:$0xa];
	[sflag:s9] =	ssyncadd.s32 @!p1 $0xFFFFF800  }
0x105: {  	[spmem:s8] =	stream.linear.scatter @!p1 [tilespmem:s10], [sflag:$0x7], $0x800, $0x38;
	[tilespmem:$0x1E300] =	vst v63  }
0x106: {  	_ =	swait.ge @!p1 [sflag:s9], $0x800  }
0x107: {  	[sflag:s9] =	ssyncset.done @!p1 $0x0  }
0x108: {  	[sflag:s9] =	ssyncadd.s32 @!p1 $0xFFFFF800  }
0x109: {  	s11 =	simm.s32 $0x80;
	[bflag:$0x0] =	sbarrier.arrive $0xFFFF  }
0x10a: {  	[tilespmem:s26], [sflag:$0x2] =	stream.indirect.gather [hbm4b:s1+s24], $0x80, s11, s24, $0xb8;
	[tilespmem:$0x1E300] =	vst v63  }
0x10b: {  	s13 =	simm.s32 $0x0;
	_ =	swait.ge [sflag:s28], $0x4000  }
0x10c: {  	s15 =	simm.s32 $0x100;
	s9 =	sand.u32 $0x3C00, s13;
	[sflag:s28] =	ssyncset.done $0x0  }
0x10d: {  	s10 =	sand.u32 $0x300, s15;
	s9 =	sadd.s32 s3, s9;
	[sflag:s28] =	ssyncadd.s32 $0xFFFFC000  }
0x10e: {  	s10 =	sor.u32 s9, s10;
	_ =	swait.ge [sflag:s29], $0x80  }
0x10f: {  	s10 =	sshrl.u32 s10, $0x3;
	[sflag:s29] =	ssyncset.done $0x0  }
0x110: {  	s10 =	sadd.s32 s5, s10;
	[sflag:s29] =	ssyncadd.s32 $0xFFFFFF80  }
0x111: {  	[tilespmem:s30], [sflag:$0x5] =	stream.linear.gather [hbm4b:s10+s4], $0x80, $0x38;
	[tilespmem:$0x1E300] =	vst v63  }
0x112: {  	_ = 	snop  }
0x113: {  	[spmem:s2] =	stream.indirect.scatter.add.f32 [tilespmem:s25], [sflag:$0x7], $0x80, s22, s24, $0xb8;
	[tilespmem:$0x1E300] =	vst v63  }
0x114: {  	_ =	swait.ge [sflag:s21], $0x4000  }
0x115: {  	[sflag:s21] =	ssyncset.done $0x0  }
0x116: {  	s16 =	simm.s32 $0x100;
	[sflag:s21] =	ssyncadd.s32 $0xFFFFC000  }
0x117: {  	[tilespmem:s25], [sflag:$0x1] =	stream.indirect.gather [hbm4b:s1+s24], $0x80, s16, s24, $0xb8;
	[tilespmem:$0x1E300] =	vst v63  }
0x118: {  	_ =	swait.ge [sflag:s31], $0x4000  }
0x119: {  	s17 =	simm.s32 $0x180;
	[sflag:s31] =	ssyncset.done $0x0  }
0x11a: {  	s10 =	sand.u32 $0x380, s17;
	[sflag:s31] =	ssyncadd.s32 $0xFFFFC000  }
0x11b: {  	s9 =	sor.u32 s9, s10;
	_ =	swait.ge [sflag:s0], $0x80  }
0x11c: {  	s9 =	sshrl.u32 s9, $0x3;
	[sflag:s0] =	ssyncset.done $0x0  }
0x11d: {  	s9 =	sadd.s32 s5, s9;
	[sflag:s0] =	ssyncadd.s32 $0xFFFFFF80  }
0x11e: {  	[tilespmem:s12], [sflag:$0x6] =	stream.linear.gather [hbm4b:s9+s4], $0x80, $0x38;
	[tilespmem:$0x1E300] =	vst v63  }
0x11f: {  	_ = 	snop  }
0x120: {  	[spmem:s2] =	stream.indirect.scatter.add.f32 [tilespmem:s26], [sflag:$0x7], $0x80, s23, s24, $0xb8;
	[tilespmem:$0x1E300] =	vst v63  }
0x121: {  	_ =	swait.ge [sflag:s21], $0x4000  }
0x122: {  	[sflag:s21] =	ssyncset.done $0x0  }
0x123: {  	s18 =	simm.s32 $0x180;
	[sflag:s21] =	ssyncadd.s32 $0xFFFFC000  }
0x124: {  	[tilespmem:s26], [sflag:$0x2] =	stream.indirect.gather [hbm4b:s1+s24], $0x80, s18, s24, $0xb8;
	[tilespmem:$0x1E300] =	vst v63  }
0x125: {  	_ =	swait.ge [sflag:s28], $0x4000  }
0x126: {  	[sflag:s28] =	ssyncset.done $0x0  }
0x127: {  	[sflag:s28] =	ssyncadd.s32 $0xFFFFC000  }
0x128: {  	p3 =	por $0x0, $0x0;
	_ =	swait.ge [sflag:s14], $0x80  }
0x129: {  	s13 =	simm.s32 @p3 $0x2A00;
	s11 =	simm.s32 @p3 $0x2900;
	[sflag:s14] =	ssyncset.done $0x0  }
0x12a: {  	s10 =	simm.s32 @p3 $0x80;
	s9 =	simm.s32 @!p3 $0x200;
	[sflag:s14] =	ssyncadd.s32 $0xFFFFFF80  }
0x12b: {  	[spmem:s2] =	stream.indirect.scatter.add.f32 @p3 [tilespmem:s13], [sflag:$0x7], $0x80, s11, s10, $0xb8;
	[tilespmem:$0x1E300] =	vst v63  }
0x12c: {  	s10 =	sand.u32 @!p3 $0x7C00, s9  }
0x12d: {  	s9 =	sand.u32 @!p3 $0x200, s9;
	s10 =	sadd.s32 @!p3 s3, s10  }
0x12e: {  	s9 =	sor.u32 @!p3 s9, s10;
	s10 =	simm.s32 @p3 $0x7  }
0x12f: {  	s9 =	sshrl.u32 @!p3 s9, $0x3;
	_ =	swait.ge @p3 [sflag:s10], $0x4000  }
0x130: {  	s11 =	sadd.s32 @!p3 s5, s9;
	[sflag:s10] =	ssyncset.done @p3 $0x0  }
0x131: {  	s9 =	simm.s32 @!p3 $0x0;
	[sflag:s10] =	ssyncadd.s32 @p3 $0xFFFFC000;
	s10 =	simm.s32 @!p3 $0x2800  }
0x132: {  	[tilespmem:s10], [sflag:$0x3] =	stream.linear.gather @!p3 [hbm4b:s11+s9], $0x80, $0x38;
	[tilespmem:$0x1E300] =	vst v63  }
0x133: {  	s13 =	simm.s32 @!p3 $0x2A00;
	s11 =	simm.s32 @!p3 $0x80;
	s10 =	simm.s32 @!p3 $0x2900  }
0x134: {  	[spmem:s2] =	stream.indirect.scatter.add.f32 @!p3 [tilespmem:s13], [sflag:$0x7], $0x80, s10, s11, $0xb8;
	[tilespmem:$0x1E300] =	vst v63  }
0x135: {  	s10 =	simm.s32 @!p3 $0x7  }
0x136: {  	_ =	swait.ge @!p3 [sflag:s10], $0x4000  }
0x137: {  	[sflag:s10] =	ssyncset.done @!p3 $0x0  }
0x138: {  	[sflag:s10] =	ssyncadd.s32 @!p3 $0xFFFFC000;
	s10 =	simm.s32 $0x200  }
0x139: {  	[tilespmem:s13], [sflag:$0x1] =	stream.indirect.gather @!p3 [hbm4b:s1+s11], $0x80, s10, s11, $0xb8;
	[tilespmem:$0x1E300] =	vst v63  }
0x13a: {  	s11 =	simm.s32 $0x280  }
0x13b: {  	s13 =	sand.u32 @!p3 $0x7C00, s11  }
0x13c: {  	s11 =	sand.u32 @!p3 $0x280, s11;
	s13 =	sadd.s32 @!p3 s3, s13  }
0x13d: {  	_ =	swait.ge [sflag:s31], $0x4000;
	s13 =	sor.u32 @!p3 s11, s13  }
0x13e: {  	[sflag:s31] =	ssyncset.done $0x0;
	s11 =	simm.s32 $0x480;
	s13 =	sshrl.u32 @!p3 s13, $0x3  }
.LBB2_5:
0x13f: {  	[sflag:s31] =	ssyncadd.s32 $0xFFFFC000  }
0x140: {  	s10 =	sadd.s32 $0x200, s10;
	s15 =	smov.u32 s11;
	s11 =	sadd.s32 $0x200, s11  }
0x141: {  	s8 =	simm.s32 @!p3 $0x2880;
	s17 =	sadd.s32 $0xFFFFFF00, s15;
	_ =	swait.ge [sflag:s7], $0x80  }
0x142: {  	s13 =	sadd.s32 @!p3 s5, s13;
	s16 =	sadd.s32 $0xFFFFFD80, s15;
	[sflag:s7] =	ssyncset.done $0x0  }
0x143: {  	s18 =	sadd.s32 $0xFFFFFE80, s15;
	s16 =	sand.u32 $0x3C00, s16;
	[sflag:s7] =	ssyncadd.s32 $0xFFFFFF80  }
0x144: {  	[tilespmem:s8], [sflag:$0x4] =	stream.linear.gather @!p3 [hbm4b:s13+s9], $0x80, $0x38;
	[tilespmem:$0x1E300] =	vst v63  }
0x145: {  	s8 =	sadd.s32 s3, s16;
	s9 =	sand.u32 $0x300, s18;
	s13 =	sand.u32 $0x380, s17  }
0x146: {  	[spmem:s2] =	stream.indirect.scatter.add.f32 [tilespmem:s26], [sflag:$0x7], $0x80, s12, s24, $0xb8;
	[tilespmem:$0x1E300] =	vst v63  }
0x147: {  	s9 =	sor.u32 s8, s9;
	s8 =	sor.u32 s8, s13;
	_ =	swait.ge [sflag:s21], $0x4000  }
0x148: {  	s9 =	sshrl.u32 s9, $0x3;
	s8 =	sshrl.u32 s8, $0x3;
	[sflag:s21] =	ssyncset.done $0x0  }
0x149: {  	p4 =	sne.s32 s11, $0x2A80;
	s13 =	sadd.s32 $0xFFFFFE80, s10;
	[sflag:s21] =	ssyncadd.s32 $0xFFFFC000  }
0x14a: {  	[tilespmem:s26], [sflag:$0x2] =	stream.indirect.gather [hbm4b:s1+s24], $0x80, s13, s24, $0xb8;
	[tilespmem:$0x1E300] =	vst v63  }
0x14b: {  	_ =	swait.ge [sflag:s28], $0x4000  }
0x14c: {  	[sflag:s28] =	ssyncset.done $0x0  }
0x14d: {  	[sflag:s28] =	ssyncadd.s32 $0xFFFFC000  }
0x14e: {  	s13 =	sadd.s32 $0xFFFFFF00, s10;
	_ =	swait.ge [sflag:s29], $0x80  }
0x14f: {  	s9 =	sadd.s32 s5, s9;
	[sflag:s29] =	ssyncset.done $0x0  }
0x150: {  	[sflag:s29] =	ssyncadd.s32 $0xFFFFFF80  }
0x151: {  	[tilespmem:s30], [sflag:$0x5] =	stream.linear.gather [hbm4b:s9+s4], $0x80, $0x38;
	[tilespmem:$0x1E300] =	vst v63  }
0x152: {  	_ = 	snop  }
0x153: {  	[spmem:s2] =	stream.indirect.scatter.add.f32 [tilespmem:s25], [sflag:$0x7], $0x80, s22, s24, $0xb8;
	[tilespmem:$0x1E300] =	vst v63  }
0x154: {  	_ =	swait.ge [sflag:s21], $0x4000  }
0x155: {  	[sflag:s21] =	ssyncset.done $0x0  }
0x156: {  	[sflag:s21] =	ssyncadd.s32 $0xFFFFC000  }
0x157: {  	[tilespmem:s25], [sflag:$0x1] =	stream.indirect.gather [hbm4b:s1+s24], $0x80, s13, s24, $0xb8;
	[tilespmem:$0x1E300] =	vst v63  }
0x158: {  	_ =	swait.ge [sflag:s31], $0x4000  }
0x159: {  	[sflag:s31] =	ssyncset.done $0x0  }
0x15a: {  	[sflag:s31] =	ssyncadd.s32 $0xFFFFC000  }
0x15b: {  	s9 =	sadd.s32 $0xFFFFFF80, s10;
	_ =	swait.ge [sflag:s0], $0x80  }
0x15c: {  	[sflag:s0] =	ssyncset.done $0x0  }
0x15d: {  	s8 =	sadd.s32 s5, s8;
	[sflag:s0] =	ssyncadd.s32 $0xFFFFFF80  }
0x15e: {  	[tilespmem:s12], [sflag:$0x6] =	stream.linear.gather [hbm4b:s8+s4], $0x80, $0x38;
	[tilespmem:$0x1E300] =	vst v63  }
0x15f: {  	p3 =	seq.s32 s15, $0x2880  }
0x160: {  	s13 =	sand.u32 @!p3 $0x7C00, s15;
	s8 =	sadd.s32 @!p3 $0xFFFFFF80, s15  }
0x161: {  	[spmem:s2] =	stream.indirect.scatter.add.f32 [tilespmem:s26], [sflag:$0x7], $0x80, s23, s24, $0xb8;
	[tilespmem:$0x1E300] =	vst v63  }
0x162: {  	s15 =	sand.u32 @!p3 $0x280, s15;
	s16 =	sand.u32 @!p3 $0x7C00, s8;
	_ =	swait.ge [sflag:s21], $0x4000  }
0x163: {  	s8 =	sand.u32 @!p3 $0x200, s8;
	s16 =	sadd.s32 @!p3 s3, s16;
	[sflag:s21] =	ssyncset.done $0x0  }
0x164: {  	s13 =	sadd.s32 @!p3 s3, s13;
	s8 =	sor.u32 @!p3 s8, s16;
	[sflag:s21] =	ssyncadd.s32 $0xFFFFC000  }
0x165: {  	[tilespmem:s26], [sflag:$0x2] =	stream.indirect.gather [hbm4b:s1+s24], $0x80, s9, s24, $0xb8;
	[tilespmem:$0x1E300] =	vst v63  }
0x166: {  	s8 =	sshrl.u32 @!p3 s8, $0x3;
	s9 =	sor.u32 @!p3 s15, s13;
	_ =	swait.ge [sflag:s28], $0x4000  }
0x167: {  	s8 =	sadd.s32 @!p3 s5, s8;
	s15 =	simm.s32 @p3 $0x7;
	[sflag:s28] =	ssyncset.done $0x0  }
0x168: {  	s17 =	simm.s32 @p3 $0x2900;
	s16 =	simm.s32 @p3 $0x80;
	[sflag:s28] =	ssyncadd.s32 $0xFFFFC000  }
0x169: {  	s13 =	sshrl.u32 @!p3 s9, $0x3;
	_ =	swait.ge [sflag:s14], $0x80  }
0x16a: {  	[sflag:s14] =	ssyncset.done $0x0  }
0x16b: {  	s9 =	simm.s32 @p3 $0x2A00;
	[sflag:s14] =	ssyncadd.s32 $0xFFFFFF80  }
0x16c: {  	[spmem:s2] =	stream.indirect.scatter.add.f32 @p3 [tilespmem:s9], [sflag:$0x7], $0x80, s17, s16, $0xb8;
	[tilespmem:$0x1E300] =	vst v63  }
0x16d: {  	_ =	swait.ge @p3 [sflag:s15], $0x4000  }
0x16e: {  	s16 =	simm.s32 @!p3 $0x7;
	[sflag:s15] =	ssyncset.done @p3 $0x0  }
0x16f: {  	s9 =	simm.s32 @!p3 $0x0;
	[sflag:s15] =	ssyncadd.s32 @p3 $0xFFFFC000;
	s15 =	simm.s32 @!p3 $0x2800  }
0x170: {  	[tilespmem:s15], [sflag:$0x3] =	stream.linear.gather @!p3 [hbm4b:s8+s9], $0x80, $0x38;
	[tilespmem:$0x1E300] =	vst v63  }
0x171: {  	s17 =	simm.s32 @!p3 $0x2A00;
	s8 =	simm.s32 @!p3 $0x80;
	s15 =	simm.s32 @!p3 $0x2900  }
0x172: {  	[spmem:s2] =	stream.indirect.scatter.add.f32 @!p3 [tilespmem:s17], [sflag:$0x7], $0x80, s15, s8, $0xb8;
	[tilespmem:$0x1E300] =	vst v63  }
0x173: {  	_ =	swait.ge @!p3 [sflag:s16], $0x4000  }
.Ltmp9:
0x174: {  	[sflag:s16] =	ssyncset.done @!p3 $0x0;
	(pc) =	sbr.rel @p4 .LBB2_5-.Ltmp9, $4  }
0x175: {  	[sflag:s16] =	ssyncadd.s32 @!p3 $0xFFFFC000  }
0x176: {  	[tilespmem:s17], [sflag:$0x1] =	stream.indirect.gather @!p3 [hbm4b:s1+s8], $0x80, s10, s8, $0xb8;
	[tilespmem:$0x1E300] =	vst v63  }
0x177: {  	_ =	swait.ge [sflag:s31], $0x4000  }
0x178: {  	[sflag:s31] =	ssyncset.done $0x0  }
0x179: {  	[sflag:s31] =	ssyncadd.s32 $0xFFFFC000  }
0x17a: {  	_ =	swait.ge [sflag:s7], $0x80  }
0x17b: {  	[sflag:s7] =	ssyncset.done $0x0  }
0x17c: {  	s8 =	simm.s32 @!p3 $0x2880;
	s10 =	sadd.s32 @!p3 s5, s13;
	[sflag:s7] =	ssyncadd.s32 $0xFFFFFF80  }
0x17d: {  	[tilespmem:s8], [sflag:$0x4] =	stream.linear.gather @!p3 [hbm4b:s10+s9], $0x80, $0x38;
	[tilespmem:$0x1E300] =	vst v63  }
0x17e: {  	_ = 	snop  }
0x17f: {  	[spmem:s2] =	stream.indirect.scatter.add.f32 [tilespmem:s26], [sflag:$0x7], $0x80, s12, s24, $0xb8;
	[tilespmem:$0x1E300] =	vst v63  }
0x180: {  	_ =	swait.ge [sflag:s21], $0x4000  }
0x181: {  	[sflag:s21] =	ssyncset.done $0x0  }
0x182: {  	[sflag:s21] =	ssyncadd.s32 $0xFFFFC000  }
0x183: {  	[bflag:$0x0] =	sbarrier.arrive $0xFFFF  }
0x184: {  	s15 =	rddreg [dreg:$0xe]  }
0x185: {  	[tilespmem:s26], [sflag:$0x7] =	stream.linear.gather [spmem:s15], $0xC00, $0x38;
	[tilespmem:$0x1E300] =	vst v63  }
0x186: {  	_ =	swait.ge [sflag:s21], $0xC00  }
0x187: {  	[sflag:s21] =	ssyncset.done $0x0;
	s11 =	rddreg [dreg:$0xf]  }
0x188: {  	[sflag:s21] =	ssyncadd.s32 $0xFFFFF400;
	s18 =	sadd.s32 $0x0, s11  }
0x189: {  	[hbm4b:s18+s4] =	stream.linear.scatter [tilespmem:s26], [sflag:$0x7], $0xC00, $0x38;
	[tilespmem:$0x1E300] =	vst v63  }
0x18a: {  	_ =	swait.ge [sflag:s21], $0xC00  }
0x18b: {  	s9 =	simm.s32 $0x180;
	s10 =	smov.u32 s15;
	[sflag:s21] =	ssyncset.done $0x0  }
.LBB2_7:
0x18c: {  	p3 =	sne.s32 s9, $0x2580;
	[sflag:s21] =	ssyncadd.s32 $0xFFFFF400;
	s10 =	sadd.s32 $0xC00, s10  }
0x18d: {  	[tilespmem:s26], [sflag:$0x7] =	stream.linear.gather [spmem:s10], $0xC00, $0x38;
	[tilespmem:$0x1E300] =	vst v63  }
0x18e: {  	s8 =	smov.u32 s9;
	s9 =	sadd.s32 $0x180, s9;
	_ =	swait.ge [sflag:s21], $0xC00  }
.Ltmp10:
0x18f: {  	[sflag:s21] =	ssyncset.done $0x0;
	(pc) =	sbr.rel @p3 .LBB2_7-.Ltmp10, $4  }
0x190: {  	s8 =	sadd.s32 s8, s11;
	[sflag:s21] =	ssyncadd.s32 $0xFFFFF400  }
0x191: {  	[hbm4b:s8+s4] =	stream.linear.scatter [tilespmem:s26], [sflag:$0x7], $0xC00, $0x38;
	[tilespmem:$0x1E300] =	vst v63  }
0x192: {  	_ =	swait.ge [sflag:s21], $0xC00  }
0x193: {  	[sflag:s21] =	ssyncset.done $0x0  }
.Ltmp11:
0x194: {  	(pc) =	sbr.rel @!p2 .LBB2_17-.Ltmp11, $4  }
.Ltmp12:
0x195: {  	(pc) =	sbr.rel @p2 .LBB2_16-.Ltmp12, $4  }
0x196: {  	_ = 	snop  }
0x197: {  	s9 =	rddreg [dreg:$0x4]  }
0x198: {  	[sflag:s21] =	ssyncadd.s32 $0xFFFFF400;
	s10 =	rddreg [dreg:$0x10]  }
0x199: {  	_ = 	snop  }
.LBB2_18:
0x19a: {  	_ =	sfence.sel $0x180000  }
0x19b: {  	[bflag:$0x0] =	sbarrier.arrive $0xFFFF  }
0x19c: {  	_ =	strace $0x9000004A  }
0x19d: {  	[bflag:$0x2] =	sbarrier.arrive $0xFFFF  }
0x19e: {  	s0 =	rddreg [dreg:$0x3]  }
0x19f: {  	s0 =	sadd.s32 @!p1 $0x100000, s0  }
0x1a0: {  	[sflag:s0] =	ssyncadd.tile.s32 @!p1 $0x1;
	_ =	shalt  }
.Lfunc_end2:
_tile_overlayer_lowered:
.L_overlay_start_2:
0x1a1: {  	(tag) =	ssettag $0x2  }
0x1a2: {  	s0 =	rddreg [dreg:$0x0];
	s2 =	stileid.u32  }
0x1a3: {  	s1 =	rddreg [dreg:$0x1];
	p0 =	sne.s32 s2, $0x0  }
0x1a4: {  	s3 =	rddreg [dreg:$0x2];
	[bflag:$0x3] =	sbarrier.arrive $0xFFFF;
	s2 =	simm.s32 @!p0 $0x1C07  }
0x1a5: {  	[timem:s3], [sflag:s2] =	dma.local @!p0 [hbm:s0], s1  }
0x1a6: {  	s0 =	simm.s32 @!p0 $0x7  }
0x1a7: {  	_ =	swait.ge @!p0 [sflag:s0], s1  }
0x1a8: {  	s1 =	ssub.s32 @!p0 $0x0, s1;
	[sflag:s0] =	ssyncset.done @!p0 $0x0  }
0x1a9: {  	[sflag:s0] =	ssyncadd.s32 @!p0 s1  }
0x1aa: {  	[bflag:$0x3] =	sbarrier.arrive $0xFFFF  }
0x1ab: {  	_ =	shalt  }

</sc_bundles>
